<compile_context>
chip_gen: v7x
topology: tpu7x:2x2x1
jax: 0.10.2.dev20260603
libtpu: 0.0.44.dev20260713+nightly
codegen_flags: <defaults>
</compile_context>

<pallas_src>
import functools

import jax
import jax.numpy as jnp
from jax import lax
from jax.experimental import pallas as pl
from jax.experimental.pallas import tpu as pltpu
from jax.experimental.pallas import tpu_sc as plsc

NC = 2
NS = 16
NW = NC * NS
L = 16
K = 128
RING = 2


def _sc_degrees(src3, dst3, npa):
    _, nb, _ = src3.shape
    stripe = npa // NS
    mesh = plsc.VectorSubcoreMesh(core_axis_name="c", subcore_axis_name="s")

    def body(src3_ref, dst3_ref, out_ref, deg_o, deg_i, sbufs, dbufs, ones, zv):
        c = lax.axis_index("c")
        s = lax.axis_index("s")
        zero16 = jnp.zeros((L,), jnp.float32)
        one16 = jnp.ones((L,), jnp.float32)

        def z_body(i, carry):
            zv[pl.ds(i * L, L)] = zero16
            return carry
        lax.fori_loop(0, stripe // L, z_body, 0)
        for j in range(K // L):
            ones[pl.ds(j * L, L)] = one16
        pltpu.sync_copy(zv, deg_o.at[pl.ds(s * stripe, stripe)])
        pltpu.sync_copy(zv, deg_i.at[pl.ds(s * stripe, stripe)])

        wid = c * NS + s
        pltpu.sync_copy(src3_ref.at[wid], sbufs)
        pltpu.sync_copy(dst3_ref.at[wid], dbufs)
        plsc.subcore_barrier()

        def e_body(i, carry):
            pltpu.sync_copy(ones, deg_o.at[sbufs.at[i]], add=True)
            pltpu.sync_copy(ones, deg_i.at[dbufs.at[i]], add=True)
            return carry
        lax.fori_loop(0, nb, e_body, 0)
        plsc.subcore_barrier()

        pltpu.sync_copy(deg_o.at[pl.ds(s * stripe, stripe)],
                        out_ref.at[2 * c, pl.ds(s * stripe, stripe)])
        pltpu.sync_copy(deg_i.at[pl.ds(s * stripe, stripe)],
                        out_ref.at[2 * c + 1, pl.ds(s * stripe, stripe)])

    k = pl.kernel(
        body,
        out_type=jax.ShapeDtypeStruct((4, npa), jnp.float32),
        mesh=mesh,
        scratch_types=[
            pltpu.VMEM_SHARED((npa,), jnp.float32),
            pltpu.VMEM_SHARED((npa,), jnp.float32),
            pltpu.VMEM((nb, K), jnp.int32),
            pltpu.VMEM((nb, K), jnp.int32),
            pltpu.VMEM((K,), jnp.float32),
            pltpu.VMEM((npa // NS,), jnp.float32),
        ],
    )
    return k(src3, dst3)


def _sc_aggregate(xs, src3, dst3):
    npa, d = xs.shape
    _, nb, _ = src3.shape
    stripe = npa // NS
    mesh = plsc.VectorSubcoreMesh(core_axis_name="c", subcore_axis_name="s")

    def body(xs_ref, src3_ref, dst3_ref, out_ref, agg, sbufs, dbufr,
             rows0, rows1, sem0, sem1):
        c = lax.axis_index("c")
        s = lax.axis_index("s")
        zero16 = jnp.zeros((L,), jnp.float32)
        rows = (rows0, rows1)
        sems = (sem0, sem1)

        def z_body(i, carry):
            for j in range(d // L):
                rows0[i, pl.ds(j * L, L)] = zero16
            return carry
        lax.fori_loop(0, K, z_body, 0)
        for t in range(stripe // K):
            pltpu.sync_copy(rows0, agg.at[pl.ds(s * stripe + t * K, K)])

        wid = c * NS + s
        pltpu.sync_copy(src3_ref.at[wid], sbufs)
        plsc.subcore_barrier()

        for b in range(RING):
            pltpu.async_copy(xs_ref.at[sbufs.at[b]], rows[b], sems[b])
            pltpu.async_copy(dst3_ref.at[wid].at[b], dbufr.at[b], sems[b])

        def e_body(g, carry):
            for b in range(RING):
                i = g * RING + b
                pltpu.make_async_copy(xs_ref.at[sbufs.at[i]], rows[b],
                                      sems[b]).wait()
                pltpu.make_async_copy(dst3_ref.at[wid].at[i], dbufr.at[b],
                                      sems[b]).wait()
                pltpu.sync_copy(rows[b], agg.at[dbufr.at[b]], add=True)
                pltpu.async_copy(xs_ref.at[sbufs.at[i + RING]], rows[b],
                                 sems[b])
                pltpu.async_copy(dst3_ref.at[wid].at[i + RING], dbufr.at[b],
                                 sems[b])
            return carry
        lax.fori_loop(0, nb // RING - 1, e_body, 0)

        for b in range(RING):
            i = nb - RING + b
            pltpu.make_async_copy(xs_ref.at[sbufs.at[i]], rows[b],
                                  sems[b]).wait()
            pltpu.make_async_copy(dst3_ref.at[wid].at[i], dbufr.at[b],
                                  sems[b]).wait()
            pltpu.sync_copy(rows[b], agg.at[dbufr.at[b]], add=True)
        plsc.subcore_barrier()

        pltpu.sync_copy(agg.at[pl.ds(s * stripe, stripe)],
                        out_ref.at[c, pl.ds(s * stripe, stripe)])

    k = pl.kernel(
        body,
        out_type=jax.ShapeDtypeStruct((NC, npa, d), jnp.float32),
        mesh=mesh,
        scratch_types=[
            pltpu.VMEM_SHARED((npa, d), jnp.float32),
            pltpu.VMEM((nb, K), jnp.int32),
            pltpu.VMEM((RING, K), jnp.int32),
            pltpu.VMEM((K, d), jnp.float32),
            pltpu.VMEM((K, d), jnp.float32),
            pltpu.SemaphoreType.DMA,
            pltpu.SemaphoreType.DMA,
        ],
    )
    return k(xs, src3, dst3)


def _tc_prescale(degs_t, x_pad, block):
    npa, d = x_pad.shape

    def body(dg_ref, x_ref, xs_ref, nm_ref):
        dg = dg_ref[...]
        do = dg[:, 0:1] + dg[:, 2:3]
        di = dg[:, 1:2] + dg[:, 3:4]
        ns = lax.rsqrt(jnp.where(do > 0, do, 1.0))
        nd = lax.rsqrt(jnp.where(di > 0, di, 1.0))
        xs_ref[...] = x_ref[...] * ns
        nm_ref[...] = jnp.concatenate([ns, nd], axis=1)

    return pl.pallas_call(
        body,
        grid=(npa // block,),
        in_specs=[
            pl.BlockSpec((block, 4), lambda i: (i, 0)),
            pl.BlockSpec((block, d), lambda i: (i, 0)),
        ],
        out_specs=[
            pl.BlockSpec((block, d), lambda i: (i, 0)),
            pl.BlockSpec((block, 2), lambda i: (i, 0)),
        ],
        out_shape=[
            jax.ShapeDtypeStruct((npa, d), jnp.float32),
            jax.ShapeDtypeStruct((npa, 2), jnp.float32),
        ],
    )(degs_t, x_pad)


def _tc_dense(aggp, norms, w, b, relu, scale_out, block):
    _, npa, d = aggp.shape

    def body(agg_ref, nm_ref, w_ref, b_ref, out_ref):
        agg = agg_ref[0] + agg_ref[1]
        a = agg * nm_ref[:, 1:2]
        h = jnp.dot(a, w_ref[...], preferred_element_type=jnp.float32,
                    precision=lax.Precision.HIGHEST) + b_ref[...]
        if relu:
            h = jnp.maximum(h, 0.0)
        if scale_out:
            h = h * nm_ref[:, 0:1]
        out_ref[...] = h

    return pl.pallas_call(
        body,
        grid=(npa // block,),
        in_specs=[
            pl.BlockSpec((2, block, d), lambda i: (0, i, 0)),
            pl.BlockSpec((block, 2), lambda i: (i, 0)),
            pl.BlockSpec((d, d), lambda i: (0, 0)),
            pl.BlockSpec((1, d), lambda i: (0, 0)),
        ],
        out_specs=pl.BlockSpec((block, d), lambda i: (i, 0)),
        out_shape=jax.ShapeDtypeStruct((npa, d), jnp.float32),
    )(aggp, norms, w, b)


def kernel(x, edge_index, W1, b1, W2, b2):
    n, d = x.shape
    e = edge_index.shape[1]
    npa = 10240
    assert n < npa and d % L == 0 and npa % (NS * K) == 0

    src = edge_index[0].astype(jnp.int32)
    dst = edge_index[1].astype(jnp.int32)
    chunk = NW * K * RING
    ep = -(-e // chunk) * chunk
    pad = ep - e
    fill = n + jnp.arange(pad, dtype=jnp.int32) % (npa - n)
    nb = ep // (NW * K)
    src3 = jnp.concatenate([src, fill]).reshape(NW, nb, K)
    dst3 = jnp.concatenate([dst, fill]).reshape(NW, nb, K)
    x_pad = jnp.pad(x, ((0, npa - n), (0, 0)))

    degs = _sc_degrees(src3, dst3, npa)
    degs_t = degs.T
    block = 512
    xs, norms = _tc_prescale(degs_t, x_pad, block)
    aggp1 = _sc_aggregate(xs, src3, dst3)
    h1s = _tc_dense(aggp1, norms, W1, b1.reshape(1, d), True, True, block)
    aggp2 = _sc_aggregate(h1s, src3, dst3)
    out = _tc_dense(aggp2, norms, W2, b2.reshape(1, d), False, False, block)
    return out[:n]

# --- scband reference (transcript-rebuilt; emitter-appended) ---
"""Pipeline reference for scband-gcnencoder-89481348645581 (READ-ONLY COPY).

The authoritative reference and input builder live on the scoring server;
editing this copy changes nothing except your own understanding.
"""

import jax, jax.numpy as jnp
import numpy as np

N = 10000
E = 320000
D = 128

def setup_inputs(seed: int = 0) -> dict:
    key = jax.random.key(seed)
    k1, k2, k3, k4, k5, k6 = jax.random.split(key, 6)
    x = jax.random.normal(k1, (N, D), dtype=jnp.float32)
    edge_index = jax.random.randint(k2, (2, E), 0, N, dtype=jnp.int64)
    # GraphConv weights (glorot-like init), 2 layers in_feats=out_feats=128
    s = 1.0 / np.sqrt(D)
    W1 = jax.random.uniform(k3, (D, D), dtype=jnp.float32, minval=-s, maxval=s)
    b1 = jnp.zeros((D,), dtype=jnp.float32)
    W2 = jax.random.uniform(k4, (D, D), dtype=jnp.float32, minval=-s, maxval=s)
    b2 = jnp.zeros((D,), dtype=jnp.float32)
    return {"x": x, "edge_index": edge_index, "W1": W1, "b1": b1, "W2": W2, "b2": b2}

def _gcn_layer(x, src, dst, W, b, apply_relu):
    # DGL GraphConv with norm='both':
    # h = D_in^{-1/2} * A * (D_out^{-1/2} * x) @ W + b
    ones = jnp.ones((src.shape[0],), dtype=jnp.float32)
    deg_out = jnp.zeros((N,), dtype=jnp.float32).at[src].add(ones)
    deg_in = jnp.zeros((N,), dtype=jnp.float32).at[dst].add(ones)
    norm_src = jnp.where(deg_out > 0, deg_out, 1.0) ** -0.5
    norm_dst = jnp.where(deg_in > 0, deg_in, 1.0) ** -0.5
    h = x * norm_src[:, None]
    msgs = jnp.take(h, src, axis=0)                      # gather over edges
    agg = jnp.zeros((N, D), dtype=jnp.float32).at[dst].add(msgs)  # scatter-add
    h = agg * norm_dst[:, None]
    h = h @ W + b
    if apply_relu:
        h = jax.nn.relu(h)
    return h

def reference(x, edge_index, W1, b1, W2, b2):
    src = edge_index[0]
    dst = edge_index[1]
    h = _gcn_layer(x, src, dst, W1, b1, apply_relu=True)
    # dropout is identity in eval mode
    h = _gcn_layer(h, src, dst, W2, b2, apply_relu=False)
    return h

if __name__ == "__main__":
    import jax
    _d = setup_inputs()
    print(jax.jit(kernel)(*tuple(_d.values())))

</pallas_src>

<mosaic_0001>
#map = affine_map<(d0, d1) -> (0, 0, 0)>
#map1 = affine_map<(d0, d1) -> (0, 0)>
module attributes {stable_mosaic.version = 14 : i64} {
  func.func @body(%arg0: i32, %arg1: i32, %arg2: memref<32x80x128xi32, #tpu.memory_space<hbm>>, %arg3: memref<32x80x128xi32, #tpu.memory_space<hbm>>, %arg4: memref<4x10240xf32, #tpu.memory_space<hbm>>, %arg5: memref<10240xf32, #tpu.memory_space<vmem_shared>>, %arg6: memref<10240xf32, #tpu.memory_space<vmem_shared>>, %arg7: memref<80x128xi32, #tpu.memory_space<vmem>>, %arg8: memref<80x128xi32, #tpu.memory_space<vmem>>, %arg9: memref<128xf32, #tpu.memory_space<vmem>>, %arg10: memref<640xf32, #tpu.memory_space<vmem>>) attributes {dimension_semantics = [#tpu.dimension_semantics<core_parallel>, #tpu.dimension_semantics<subcore_parallel>], iteration_bounds = array<i64: 2, 16>, scalar_prefetch = 0 : i64, scratch_operands = 6 : i64, tpu.core_type = #tpu.core_type<sc_vector_subcore>, window_params = [{transform_indices = #map}, {transform_indices = #map}, {transform_indices = #map1}]} {
    %broadcast_in_dim3A = arith.constant 0.000000e+00 : f32
    %broadcast_in_dim3A_0 = vector.broadcast %broadcast_in_dim3A : f32 to vector<16xf32>
    %broadcast_in_dim3A_1 = arith.constant 1.000000e+00 : f32
    %broadcast_in_dim3A_2 = vector.broadcast %broadcast_in_dim3A_1 : f32 to vector<16xf32>
    %scan3A = arith.constant 0 : i32
    %scan3A_3 = arith.constant 0 : i32
    %scan3A_4 = arith.constant 40 : i32
    %scan3A_5 = arith.addi %scan3A_3, %scan3A_4 : i32
    %scan3A_6 = arith.constant 1 : i32
    scf.for %scan3A_65 = %scan3A_3 to %scan3A_5 step %scan3A_6  : i32 {
      %mul3A_66 = arith.constant 16 : i32
      %mul3A_67 = arith.muli %scan3A_65, %mul3A_66 : i32
      %swap3A_68 = arith.index_cast %mul3A_67 : i32 to index
      %swap3A_69 = tpu.vector_load %arg10[%swap3A_68] {strides = array<i32>} : memref<640xf32, #tpu.memory_space<vmem>>, vector<16xf32>,
      %swap3A_70 = vector.shape_cast %swap3A_69 : vector<16xf32> to vector<16xf32>
      %swap3A_71 = vector.shape_cast %broadcast_in_dim3A_0 : vector<16xf32> to vector<16xf32>
      tpu.vector_store %arg10[%swap3A_68], %swap3A_71 {strides = array<i32>} : memref<640xf32, #tpu.memory_space<vmem>>, vector<16xf32>,
    }
    %scan3A_7 = arith.constant 40 : i32
    %swap3A = arith.constant 0 : index
    %swap3A_8 = tpu.vector_load %arg9[%swap3A] {strides = array<i32>} : memref<128xf32, #tpu.memory_space<vmem>>, vector<16xf32>,
    %swap3A_9 = vector.shape_cast %swap3A_8 : vector<16xf32> to vector<16xf32>
    %swap3A_10 = vector.shape_cast %broadcast_in_dim3A_2 : vector<16xf32> to vector<16xf32>
    tpu.vector_store %arg9[%swap3A], %swap3A_10 {strides = array<i32>} : memref<128xf32, #tpu.memory_space<vmem>>, vector<16xf32>,
    %swap3A_11 = arith.constant 16 : index
    %swap3A_12 = tpu.vector_load %arg9[%swap3A_11] {strides = array<i32>} : memref<128xf32, #tpu.memory_space<vmem>>, vector<16xf32>,
    %swap3A_13 = vector.shape_cast %swap3A_12 : vector<16xf32> to vector<16xf32>
    %swap3A_14 = vector.shape_cast %broadcast_in_dim3A_2 : vector<16xf32> to vector<16xf32>
    tpu.vector_store %arg9[%swap3A_11], %swap3A_14 {strides = array<i32>} : memref<128xf32, #tpu.memory_space<vmem>>, vector<16xf32>,
    %swap3A_15 = arith.constant 32 : index
    %swap3A_16 = tpu.vector_load %arg9[%swap3A_15] {strides = array<i32>} : memref<128xf32, #tpu.memory_space<vmem>>, vector<16xf32>,
    %swap3A_17 = vector.shape_cast %swap3A_16 : vector<16xf32> to vector<16xf32>
    %swap3A_18 = vector.shape_cast %broadcast_in_dim3A_2 : vector<16xf32> to vector<16xf32>
    tpu.vector_store %arg9[%swap3A_15], %swap3A_18 {strides = array<i32>} : memref<128xf32, #tpu.memory_space<vmem>>, vector<16xf32>,
    %swap3A_19 = arith.constant 48 : index
    %swap3A_20 = tpu.vector_load %arg9[%swap3A_19] {strides = array<i32>} : memref<128xf32, #tpu.memory_space<vmem>>, vector<16xf32>,
    %swap3A_21 = vector.shape_cast %swap3A_20 : vector<16xf32> to vector<16xf32>
    %swap3A_22 = vector.shape_cast %broadcast_in_dim3A_2 : vector<16xf32> to vector<16xf32>
    tpu.vector_store %arg9[%swap3A_19], %swap3A_22 {strides = array<i32>} : memref<128xf32, #tpu.memory_space<vmem>>, vector<16xf32>,
    %swap3A_23 = arith.constant 64 : index
    %swap3A_24 = tpu.vector_load %arg9[%swap3A_23] {strides = array<i32>} : memref<128xf32, #tpu.memory_space<vmem>>, vector<16xf32>,
    %swap3A_25 = vector.shape_cast %swap3A_24 : vector<16xf32> to vector<16xf32>
    %swap3A_26 = vector.shape_cast %broadcast_in_dim3A_2 : vector<16xf32> to vector<16xf32>
    tpu.vector_store %arg9[%swap3A_23], %swap3A_26 {strides = array<i32>} : memref<128xf32, #tpu.memory_space<vmem>>, vector<16xf32>,
    %swap3A_27 = arith.constant 80 : index
    %swap3A_28 = tpu.vector_load %arg9[%swap3A_27] {strides = array<i32>} : memref<128xf32, #tpu.memory_space<vmem>>, vector<16xf32>,
    %swap3A_29 = vector.shape_cast %swap3A_28 : vector<16xf32> to vector<16xf32>
    %swap3A_30 = vector.shape_cast %broadcast_in_dim3A_2 : vector<16xf32> to vector<16xf32>
    tpu.vector_store %arg9[%swap3A_27], %swap3A_30 {strides = array<i32>} : memref<128xf32, #tpu.memory_space<vmem>>, vector<16xf32>,
    %swap3A_31 = arith.constant 96 : index
    %swap3A_32 = tpu.vector_load %arg9[%swap3A_31] {strides = array<i32>} : memref<128xf32, #tpu.memory_space<vmem>>, vector<16xf32>,
    %swap3A_33 = vector.shape_cast %swap3A_32 : vector<16xf32> to vector<16xf32>
    %swap3A_34 = vector.shape_cast %broadcast_in_dim3A_2 : vector<16xf32> to vector<16xf32>
    tpu.vector_store %arg9[%swap3A_31], %swap3A_34 {strides = array<i32>} : memref<128xf32, #tpu.memory_space<vmem>>, vector<16xf32>,
    %swap3A_35 = arith.constant 112 : index
    %swap3A_36 = tpu.vector_load %arg9[%swap3A_35] {strides = array<i32>} : memref<128xf32, #tpu.memory_space<vmem>>, vector<16xf32>,
    %swap3A_37 = vector.shape_cast %swap3A_36 : vector<16xf32> to vector<16xf32>
    %swap3A_38 = vector.shape_cast %broadcast_in_dim3A_2 : vector<16xf32> to vector<16xf32>
    tpu.vector_store %arg9[%swap3A_35], %swap3A_38 {strides = array<i32>} : memref<128xf32, #tpu.memory_space<vmem>>, vector<16xf32>,
    %mul3A = arith.constant 640 : i32
    %mul3A_39 = arith.muli %arg1, %mul3A : i32
    "tpu.region"() ({
      %run_scoped3A = tpu.sem_alloc : memref<!tpu.dma_semaphore, #tpu.memory_space<semaphore_mem>>
      %dma_start3A = tpu.memref_slice %arg5[%mul3A_39] : memref<10240xf32, #tpu.memory_space<vmem_shared>> -> memref<640xf32, #tpu.memory_space<vmem_shared>>
      %dma_start3A_65 = tpu.memref_slice %arg5[%mul3A_39] : memref<10240xf32, #tpu.memory_space<vmem_shared>> -> memref<640xf32, #tpu.memory_space<vmem_shared>>
      tpu.enqueue_dma source(%arg10 : memref<640xf32, #tpu.memory_space<vmem>>) target(%dma_start3A_65 : memref<640xf32, #tpu.memory_space<vmem_shared>>) target_semaphore(%run_scoped3A : memref<!tpu.dma_semaphore, #tpu.memory_space<semaphore_mem>>)
      %dma_wait3A = tpu.memref_slice %arg5[%mul3A_39] : memref<10240xf32, #tpu.memory_space<vmem_shared>> -> memref<640xf32, #tpu.memory_space<vmem_shared>>
      %dma_wait3A_66 = tpu.memref_slice %arg5[%mul3A_39] : memref<10240xf32, #tpu.memory_space<vmem_shared>> -> memref<640xf32, #tpu.memory_space<vmem_shared>>
      tpu.wait_dma2 semaphore(%run_scoped3A : memref<!tpu.dma_semaphore, #tpu.memory_space<semaphore_mem>>) src(%arg10 : memref<640xf32, #tpu.memory_space<vmem>>) dst(%dma_wait3A_66 : memref<640xf32, #tpu.memory_space<vmem_shared>>)
      tpu.yield
    }) : () -> ()
    %mul3A_40 = arith.constant 640 : i32
    %mul3A_41 = arith.muli %arg1, %mul3A_40 : i32
    "tpu.region"() ({
      %run_scoped3A = tpu.sem_alloc : memref<!tpu.dma_semaphore, #tpu.memory_space<semaphore_mem>>
      %dma_start3A = tpu.memref_slice %arg6[%mul3A_41] : memref<10240xf32, #tpu.memory_space<vmem_shared>> -> memref<640xf32, #tpu.memory_space<vmem_shared>>
      %dma_start3A_65 = tpu.memref_slice %arg6[%mul3A_41] : memref<10240xf32, #tpu.memory_space<vmem_shared>> -> memref<640xf32, #tpu.memory_space<vmem_shared>>
      tpu.enqueue_dma source(%arg10 : memref<640xf32, #tpu.memory_space<vmem>>) target(%dma_start3A_65 : memref<640xf32, #tpu.memory_space<vmem_shared>>) target_semaphore(%run_scoped3A : memref<!tpu.dma_semaphore, #tpu.memory_space<semaphore_mem>>)
      %dma_wait3A = tpu.memref_slice %arg6[%mul3A_41] : memref<10240xf32, #tpu.memory_space<vmem_shared>> -> memref<640xf32, #tpu.memory_space<vmem_shared>>
      %dma_wait3A_66 = tpu.memref_slice %arg6[%mul3A_41] : memref<10240xf32, #tpu.memory_space<vmem_shared>> -> memref<640xf32, #tpu.memory_space<vmem_shared>>
      tpu.wait_dma2 semaphore(%run_scoped3A : memref<!tpu.dma_semaphore, #tpu.memory_space<semaphore_mem>>) src(%arg10 : memref<640xf32, #tpu.memory_space<vmem>>) dst(%dma_wait3A_66 : memref<640xf32, #tpu.memory_space<vmem_shared>>)
      tpu.yield
    }) : () -> ()
    %mul3A_42 = arith.constant 16 : i32
    %mul3A_43 = arith.muli %arg0, %mul3A_42 : i32
    %add3A = arith.addi %mul3A_43, %arg1 : i32
    "tpu.region"() ({
      %run_scoped3A = tpu.sem_alloc : memref<!tpu.dma_semaphore, #tpu.memory_space<semaphore_mem>>
      %dma_start3A = arith.constant 0 : i32
      %dma_start3A_65 = arith.constant 0 : i32
      %dma_start3A_66 = tpu.memref_slice %arg2[%add3A, %dma_start3A, %dma_start3A_65] : memref<32x80x128xi32, #tpu.memory_space<hbm>> -> memref<1x80x128xi32, #tpu.memory_space<hbm>>
      %dma_start3A_67 = tpu.memref_squeeze %dma_start3A_66 : memref<1x80x128xi32, #tpu.memory_space<hbm>> -> memref<80x128xi32, #tpu.memory_space<hbm>>
      %dma_start3A_68 = arith.constant 0 : i32
      %dma_start3A_69 = arith.constant 0 : i32
      %dma_start3A_70 = tpu.memref_slice %arg2[%add3A, %dma_start3A_68, %dma_start3A_69] : memref<32x80x128xi32, #tpu.memory_space<hbm>> -> memref<1x80x128xi32, #tpu.memory_space<hbm>>
      %dma_start3A_71 = tpu.memref_squeeze %dma_start3A_70 : memref<1x80x128xi32, #tpu.memory_space<hbm>> -> memref<80x128xi32, #tpu.memory_space<hbm>>
      tpu.enqueue_dma source(%dma_start3A_71 : memref<80x128xi32, #tpu.memory_space<hbm>>) target(%arg7 : memref<80x128xi32, #tpu.memory_space<vmem>>) target_semaphore(%run_scoped3A : memref<!tpu.dma_semaphore, #tpu.memory_space<semaphore_mem>>)
      %dma_wait3A = arith.constant 0 : i32
      %dma_wait3A_72 = arith.constant 0 : i32
      %dma_wait3A_73 = tpu.memref_slice %arg2[%add3A, %dma_wait3A, %dma_wait3A_72] : memref<32x80x128xi32, #tpu.memory_space<hbm>> -> memref<1x80x128xi32, #tpu.memory_space<hbm>>
      %dma_wait3A_74 = tpu.memref_squeeze %dma_wait3A_73 : memref<1x80x128xi32, #tpu.memory_space<hbm>> -> memref<80x128xi32, #tpu.memory_space<hbm>>
      %dma_wait3A_75 = arith.constant 0 : i32
      %dma_wait3A_76 = arith.constant 0 : i32
      %dma_wait3A_77 = tpu.memref_slice %arg2[%add3A, %dma_wait3A_75, %dma_wait3A_76] : memref<32x80x128xi32, #tpu.memory_space<hbm>> -> memref<1x80x128xi32, #tpu.memory_space<hbm>>
      %dma_wait3A_78 = tpu.memref_squeeze %dma_wait3A_77 : memref<1x80x128xi32, #tpu.memory_space<hbm>> -> memref<80x128xi32, #tpu.memory_space<hbm>>
      tpu.wait_dma2 semaphore(%run_scoped3A : memref<!tpu.dma_semaphore, #tpu.memory_space<semaphore_mem>>) src(%dma_wait3A_78 : memref<80x128xi32, #tpu.memory_space<hbm>>) dst(%arg7 : memref<80x128xi32, #tpu.memory_space<vmem>>)
      tpu.yield
    }) : () -> ()
    "tpu.region"() ({
      %run_scoped3A = tpu.sem_alloc : memref<!tpu.dma_semaphore, #tpu.memory_space<semaphore_mem>>
      %dma_start3A = arith.constant 0 : i32
      %dma_start3A_65 = arith.constant 0 : i32
      %dma_start3A_66 = tpu.memref_slice %arg3[%add3A, %dma_start3A, %dma_start3A_65] : memref<32x80x128xi32, #tpu.memory_space<hbm>> -> memref<1x80x128xi32, #tpu.memory_space<hbm>>
      %dma_start3A_67 = tpu.memref_squeeze %dma_start3A_66 : memref<1x80x128xi32, #tpu.memory_space<hbm>> -> memref<80x128xi32, #tpu.memory_space<hbm>>
      %dma_start3A_68 = arith.constant 0 : i32
      %dma_start3A_69 = arith.constant 0 : i32
      %dma_start3A_70 = tpu.memref_slice %arg3[%add3A, %dma_start3A_68, %dma_start3A_69] : memref<32x80x128xi32, #tpu.memory_space<hbm>> -> memref<1x80x128xi32, #tpu.memory_space<hbm>>
      %dma_start3A_71 = tpu.memref_squeeze %dma_start3A_70 : memref<1x80x128xi32, #tpu.memory_space<hbm>> -> memref<80x128xi32, #tpu.memory_space<hbm>>
      tpu.enqueue_dma source(%dma_start3A_71 : memref<80x128xi32, #tpu.memory_space<hbm>>) target(%arg8 : memref<80x128xi32, #tpu.memory_space<vmem>>) target_semaphore(%run_scoped3A : memref<!tpu.dma_semaphore, #tpu.memory_space<semaphore_mem>>)
      %dma_wait3A = arith.constant 0 : i32
      %dma_wait3A_72 = arith.constant 0 : i32
      %dma_wait3A_73 = tpu.memref_slice %arg3[%add3A, %dma_wait3A, %dma_wait3A_72] : memref<32x80x128xi32, #tpu.memory_space<hbm>> -> memref<1x80x128xi32, #tpu.memory_space<hbm>>
      %dma_wait3A_74 = tpu.memref_squeeze %dma_wait3A_73 : memref<1x80x128xi32, #tpu.memory_space<hbm>> -> memref<80x128xi32, #tpu.memory_space<hbm>>
      %dma_wait3A_75 = arith.constant 0 : i32
      %dma_wait3A_76 = arith.constant 0 : i32
      %dma_wait3A_77 = tpu.memref_slice %arg3[%add3A, %dma_wait3A_75, %dma_wait3A_76] : memref<32x80x128xi32, #tpu.memory_space<hbm>> -> memref<1x80x128xi32, #tpu.memory_space<hbm>>
      %dma_wait3A_78 = tpu.memref_squeeze %dma_wait3A_77 : memref<1x80x128xi32, #tpu.memory_space<hbm>> -> memref<80x128xi32, #tpu.memory_space<hbm>>
      tpu.wait_dma2 semaphore(%run_scoped3A : memref<!tpu.dma_semaphore, #tpu.memory_space<semaphore_mem>>) src(%dma_wait3A_78 : memref<80x128xi32, #tpu.memory_space<hbm>>) dst(%arg8 : memref<80x128xi32, #tpu.memory_space<vmem>>)
      tpu.yield
    }) : () -> ()
    %barrier3A = arith.constant 0 : index
    tpu.barrier barrier_id(%barrier3A)
    %scan3A_44 = arith.constant 0 : i32
    %scan3A_45 = arith.constant 0 : i32
    %scan3A_46 = arith.constant 80 : i32
    %scan3A_47 = arith.addi %scan3A_45, %scan3A_46 : i32
    %scan3A_48 = arith.constant 1 : i32
    scf.for %scan3A_65 = %scan3A_45 to %scan3A_47 step %scan3A_48  : i32 {
      "tpu.region"() ({
        %run_scoped3A = tpu.sem_alloc : memref<!tpu.dma_semaphore, #tpu.memory_space<semaphore_mem>>
        %dma_start3A = arith.constant 0 : i32
        %dma_start3A_66 = tpu.memref_slice %arg7[%scan3A_65, %dma_start3A] : memref<80x128xi32, #tpu.memory_space<vmem>> -> memref<1x128xi32, #tpu.memory_space<vmem>>
        %dma_start3A_67 = tpu.memref_squeeze %dma_start3A_66 : memref<1x128xi32, #tpu.memory_space<vmem>> -> memref<128xi32, #tpu.memory_space<vmem>>
        %dma_start3A_68 = arith.constant 0 : i32
        %dma_start3A_69 = tpu.memref_slice %arg5[%dma_start3A_68] : memref<10240xf32, #tpu.memory_space<vmem_shared>> -> memref<10240xf32, #tpu.memory_space<vmem_shared>>
        tpu.enqueue_indirect_dma source(%arg9 : memref<128xf32, #tpu.memory_space<vmem>>) target(%dma_start3A_69 : memref<10240xf32, #tpu.memory_space<vmem_shared>>) offsets(%dma_start3A_67 : memref<128xi32, #tpu.memory_space<vmem>>) semaphore(%run_scoped3A : memref<!tpu.dma_semaphore, #tpu.memory_space<semaphore_mem>>) {add = true}
        %dma_wait3A = arith.constant 0 : i32
        %dma_wait3A_70 = tpu.memref_slice %arg7[%scan3A_65, %dma_wait3A] : memref<80x128xi32, #tpu.memory_space<vmem>> -> memref<1x128xi32, #tpu.memory_space<vmem>>
        %dma_wait3A_71 = tpu.memref_squeeze %dma_wait3A_70 : memref<1x128xi32, #tpu.memory_space<vmem>> -> memref<128xi32, #tpu.memory_space<vmem>>
        %dma_wait3A_72 = arith.constant 0 : i32
        %dma_wait3A_73 = tpu.memref_slice %arg5[%dma_wait3A_72] : memref<10240xf32, #tpu.memory_space<vmem_shared>> -> memref<10240xf32, #tpu.memory_space<vmem_shared>>
        tpu.wait_indirect_dma semaphore(%run_scoped3A : memref<!tpu.dma_semaphore, #tpu.memory_space<semaphore_mem>>) src(%arg9 : memref<128xf32, #tpu.memory_space<vmem>>) dst(%dma_wait3A_73 : memref<10240xf32, #tpu.memory_space<vmem_shared>>)
        tpu.yield
      }) : () -> ()
      "tpu.region"() ({
        %run_scoped3A = tpu.sem_alloc : memref<!tpu.dma_semaphore, #tpu.memory_space<semaphore_mem>>
        %dma_start3A = arith.constant 0 : i32
        %dma_start3A_66 = tpu.memref_slice %arg8[%scan3A_65, %dma_start3A] : memref<80x128xi32, #tpu.memory_space<vmem>> -> memref<1x128xi32, #tpu.memory_space<vmem>>
        %dma_start3A_67 = tpu.memref_squeeze %dma_start3A_66 : memref<1x128xi32, #tpu.memory_space<vmem>> -> memref<128xi32, #tpu.memory_space<vmem>>
        %dma_start3A_68 = arith.constant 0 : i32
        %dma_start3A_69 = tpu.memref_slice %arg6[%dma_start3A_68] : memref<10240xf32, #tpu.memory_space<vmem_shared>> -> memref<10240xf32, #tpu.memory_space<vmem_shared>>
        tpu.enqueue_indirect_dma source(%arg9 : memref<128xf32, #tpu.memory_space<vmem>>) target(%dma_start3A_69 : memref<10240xf32, #tpu.memory_space<vmem_shared>>) offsets(%dma_start3A_67 : memref<128xi32, #tpu.memory_space<vmem>>) semaphore(%run_scoped3A : memref<!tpu.dma_semaphore, #tpu.memory_space<semaphore_mem>>) {add = true}
        %dma_wait3A = arith.constant 0 : i32
        %dma_wait3A_70 = tpu.memref_slice %arg8[%scan3A_65, %dma_wait3A] : memref<80x128xi32, #tpu.memory_space<vmem>> -> memref<1x128xi32, #tpu.memory_space<vmem>>
        %dma_wait3A_71 = tpu.memref_squeeze %dma_wait3A_70 : memref<1x128xi32, #tpu.memory_space<vmem>> -> memref<128xi32, #tpu.memory_space<vmem>>
        %dma_wait3A_72 = arith.constant 0 : i32
        %dma_wait3A_73 = tpu.memref_slice %arg6[%dma_wait3A_72] : memref<10240xf32, #tpu.memory_space<vmem_shared>> -> memref<10240xf32, #tpu.memory_space<vmem_shared>>
        tpu.wait_indirect_dma semaphore(%run_scoped3A : memref<!tpu.dma_semaphore, #tpu.memory_space<semaphore_mem>>) src(%arg9 : memref<128xf32, #tpu.memory_space<vmem>>) dst(%dma_wait3A_73 : memref<10240xf32, #tpu.memory_space<vmem_shared>>)
        tpu.yield
      }) : () -> ()
    }
    %scan3A_49 = arith.constant 80 : i32
    %barrier3A_50 = arith.constant 0 : index
    tpu.barrier barrier_id(%barrier3A_50)
    %mul3A_51 = arith.constant 640 : i32
    %mul3A_52 = arith.muli %arg1, %mul3A_51 : i32
    %mul3A_53 = arith.constant 2 : i32
    %mul3A_54 = arith.muli %mul3A_53, %arg0 : i32
    %mul3A_55 = arith.constant 640 : i32
    %mul3A_56 = arith.muli %arg1, %mul3A_55 : i32
    "tpu.region"() ({
      %run_scoped3A = tpu.sem_alloc : memref<!tpu.dma_semaphore, #tpu.memory_space<semaphore_mem>>
      %dma_start3A = tpu.memref_slice %arg4[%mul3A_54, %mul3A_56] : memref<4x10240xf32, #tpu.memory_space<hbm>> -> memref<1x640xf32, #tpu.memory_space<hbm>>
      %dma_start3A_65 = tpu.memref_squeeze %dma_start3A : memref<1x640xf32, #tpu.memory_space<hbm>> -> memref<640xf32, #tpu.memory_space<hbm>>
      %dma_start3A_66 = tpu.memref_slice %arg5[%mul3A_52] : memref<10240xf32, #tpu.memory_space<vmem_shared>> -> memref<640xf32, #tpu.memory_space<vmem_shared>>
      tpu.enqueue_dma source(%dma_start3A_66 : memref<640xf32, #tpu.memory_space<vmem_shared>>) target(%dma_start3A_65 : memref<640xf32, #tpu.memory_space<hbm>>) target_semaphore(%run_scoped3A : memref<!tpu.dma_semaphore, #tpu.memory_space<semaphore_mem>>)
      %dma_wait3A = tpu.memref_slice %arg4[%mul3A_54, %mul3A_56] : memref<4x10240xf32, #tpu.memory_space<hbm>> -> memref<1x640xf32, #tpu.memory_space<hbm>>
      %dma_wait3A_67 = tpu.memref_squeeze %dma_wait3A : memref<1x640xf32, #tpu.memory_space<hbm>> -> memref<640xf32, #tpu.memory_space<hbm>>
      %dma_wait3A_68 = tpu.memref_slice %arg5[%mul3A_52] : memref<10240xf32, #tpu.memory_space<vmem_shared>> -> memref<640xf32, #tpu.memory_space<vmem_shared>>
      tpu.wait_dma2 semaphore(%run_scoped3A : memref<!tpu.dma_semaphore, #tpu.memory_space<semaphore_mem>>) src(%dma_wait3A_68 : memref<640xf32, #tpu.memory_space<vmem_shared>>) dst(%dma_wait3A_67 : memref<640xf32, #tpu.memory_space<hbm>>)
      tpu.yield
    }) : () -> ()
    %mul3A_57 = arith.constant 640 : i32
    %mul3A_58 = arith.muli %arg1, %mul3A_57 : i32
    %mul3A_59 = arith.constant 2 : i32
    %mul3A_60 = arith.muli %mul3A_59, %arg0 : i32
    %add3A_61 = arith.constant 1 : i32
    %add3A_62 = arith.addi %mul3A_60, %add3A_61 : i32
    %mul3A_63 = arith.constant 640 : i32
    %mul3A_64 = arith.muli %arg1, %mul3A_63 : i32
    "tpu.region"() ({
      %run_scoped3A = tpu.sem_alloc : memref<!tpu.dma_semaphore, #tpu.memory_space<semaphore_mem>>
      %dma_start3A = tpu.memref_slice %arg4[%add3A_62, %mul3A_64] : memref<4x10240xf32, #tpu.memory_space<hbm>> -> memref<1x640xf32, #tpu.memory_space<hbm>>
      %dma_start3A_65 = tpu.memref_squeeze %dma_start3A : memref<1x640xf32, #tpu.memory_space<hbm>> -> memref<640xf32, #tpu.memory_space<hbm>>
      %dma_start3A_66 = tpu.memref_slice %arg6[%mul3A_58] : memref<10240xf32, #tpu.memory_space<vmem_shared>> -> memref<640xf32, #tpu.memory_space<vmem_shared>>
      tpu.enqueue_dma source(%dma_start3A_66 : memref<640xf32, #tpu.memory_space<vmem_shared>>) target(%dma_start3A_65 : memref<640xf32, #tpu.memory_space<hbm>>) target_semaphore(%run_scoped3A : memref<!tpu.dma_semaphore, #tpu.memory_space<semaphore_mem>>)
      %dma_wait3A = tpu.memref_slice %arg4[%add3A_62, %mul3A_64] : memref<4x10240xf32, #tpu.memory_space<hbm>> -> memref<1x640xf32, #tpu.memory_space<hbm>>
      %dma_wait3A_67 = tpu.memref_squeeze %dma_wait3A : memref<1x640xf32, #tpu.memory_space<hbm>> -> memref<640xf32, #tpu.memory_space<hbm>>
      %dma_wait3A_68 = tpu.memref_slice %arg6[%mul3A_58] : memref<10240xf32, #tpu.memory_space<vmem_shared>> -> memref<640xf32, #tpu.memory_space<vmem_shared>>
      tpu.wait_dma2 semaphore(%run_scoped3A : memref<!tpu.dma_semaphore, #tpu.memory_space<semaphore_mem>>) src(%dma_wait3A_68 : memref<640xf32, #tpu.memory_space<vmem_shared>>) dst(%dma_wait3A_67 : memref<640xf32, #tpu.memory_space<hbm>>)
      tpu.yield
    }) : () -> ()
    return
  }
}

#map = affine_map<(d0, d1) -> (0, 0)>
#map1 = affine_map<(d0, d1) -> (0, 0, 0)>
module attributes {stable_mosaic.version = 14 : i64} {
  func.func @body(%arg0: i32, %arg1: i32, %arg2: memref<10240x128xf32, #tpu.memory_space<hbm>>, %arg3: memref<32x80x128xi32, #tpu.memory_space<hbm>>, %arg4: memref<32x80x128xi32, #tpu.memory_space<hbm>>, %arg5: memref<2x10240x128xf32, #tpu.memory_space<hbm>>, %arg6: memref<10240x128xf32, #tpu.memory_space<vmem_shared>>, %arg7: memref<80x128xi32, #tpu.memory_space<vmem>>, %arg8: memref<2x128xi32, #tpu.memory_space<vmem>>, %arg9: memref<128x128xf32, #tpu.memory_space<vmem>>, %arg10: memref<128x128xf32, #tpu.memory_space<vmem>>, %arg11: memref<!tpu.dma_semaphore, #tpu.memory_space<semaphore_mem>>, %arg12: memref<!tpu.dma_semaphore, #tpu.memory_space<semaphore_mem>>) attributes {dimension_semantics = [#tpu.dimension_semantics<core_parallel>, #tpu.dimension_semantics<subcore_parallel>], iteration_bounds = array<i64: 2, 16>, scalar_prefetch = 0 : i64, scratch_operands = 7 : i64, tpu.core_type = #tpu.core_type<sc_vector_subcore>, window_params = [{transform_indices = #map}, {transform_indices = #map1}, {transform_indices = #map1}, {transform_indices = #map1}]} {
    %broadcast_in_dim3A = arith.constant 0.000000e+00 : f32
    %broadcast_in_dim3A_0 = vector.broadcast %broadcast_in_dim3A : f32 to vector<16xf32>
    %scan3A = arith.constant 0 : i32
    %scan3A_1 = arith.constant 0 : i32
    %scan3A_2 = arith.constant 128 : i32
    %scan3A_3 = arith.addi %scan3A_1, %scan3A_2 : i32
    %scan3A_4 = arith.constant 1 : i32
    scf.for %scan3A_153 = %scan3A_1 to %scan3A_3 step %scan3A_4  : i32 {
      %swap3A = arith.index_cast %scan3A_153 : i32 to index
      %swap3A_154 = arith.constant 0 : index
      %swap3A_155 = tpu.vector_load %arg9[%swap3A, %swap3A_154] {strides = array<i32>} : memref<128x128xf32, #tpu.memory_space<vmem>>, vector<1x16xf32>,
      %swap3A_156 = vector.shape_cast %swap3A_155 : vector<1x16xf32> to vector<16xf32>
      %swap3A_157 = vector.shape_cast %broadcast_in_dim3A_0 : vector<16xf32> to vector<1x16xf32>
      tpu.vector_store %arg9[%swap3A, %swap3A_154], %swap3A_157 {strides = array<i32>} : memref<128x128xf32, #tpu.memory_space<vmem>>, vector<1x16xf32>,
      %swap3A_158 = arith.index_cast %scan3A_153 : i32 to index
      %swap3A_159 = arith.constant 16 : index
      %swap3A_160 = tpu.vector_load %arg9[%swap3A_158, %swap3A_159] {strides = array<i32>} : memref<128x128xf32, #tpu.memory_space<vmem>>, vector<1x16xf32>,
      %swap3A_161 = vector.shape_cast %swap3A_160 : vector<1x16xf32> to vector<16xf32>
      %swap3A_162 = vector.shape_cast %broadcast_in_dim3A_0 : vector<16xf32> to vector<1x16xf32>
      tpu.vector_store %arg9[%swap3A_158, %swap3A_159], %swap3A_162 {strides = array<i32>} : memref<128x128xf32, #tpu.memory_space<vmem>>, vector<1x16xf32>,
      %swap3A_163 = arith.index_cast %scan3A_153 : i32 to index
      %swap3A_164 = arith.constant 32 : index
      %swap3A_165 = tpu.vector_load %arg9[%swap3A_163, %swap3A_164] {strides = array<i32>} : memref<128x128xf32, #tpu.memory_space<vmem>>, vector<1x16xf32>,
      %swap3A_166 = vector.shape_cast %swap3A_165 : vector<1x16xf32> to vector<16xf32>
      %swap3A_167 = vector.shape_cast %broadcast_in_dim3A_0 : vector<16xf32> to vector<1x16xf32>
      tpu.vector_store %arg9[%swap3A_163, %swap3A_164], %swap3A_167 {strides = array<i32>} : memref<128x128xf32, #tpu.memory_space<vmem>>, vector<1x16xf32>,
      %swap3A_168 = arith.index_cast %scan3A_153 : i32 to index
      %swap3A_169 = arith.constant 48 : index
      %swap3A_170 = tpu.vector_load %arg9[%swap3A_168, %swap3A_169] {strides = array<i32>} : memref<128x128xf32, #tpu.memory_space<vmem>>, vector<1x16xf32>,
      %swap3A_171 = vector.shape_cast %swap3A_170 : vector<1x16xf32> to vector<16xf32>
      %swap3A_172 = vector.shape_cast %broadcast_in_dim3A_0 : vector<16xf32> to vector<1x16xf32>
      tpu.vector_store %arg9[%swap3A_168, %swap3A_169], %swap3A_172 {strides = array<i32>} : memref<128x128xf32, #tpu.memory_space<vmem>>, vector<1x16xf32>,
      %swap3A_173 = arith.index_cast %scan3A_153 : i32 to index
      %swap3A_174 = arith.constant 64 : index
      %swap3A_175 = tpu.vector_load %arg9[%swap3A_173, %swap3A_174] {strides = array<i32>} : memref<128x128xf32, #tpu.memory_space<vmem>>, vector<1x16xf32>,
      %swap3A_176 = vector.shape_cast %swap3A_175 : vector<1x16xf32> to vector<16xf32>
      %swap3A_177 = vector.shape_cast %broadcast_in_dim3A_0 : vector<16xf32> to vector<1x16xf32>
      tpu.vector_store %arg9[%swap3A_173, %swap3A_174], %swap3A_177 {strides = array<i32>} : memref<128x128xf32, #tpu.memory_space<vmem>>, vector<1x16xf32>,
      %swap3A_178 = arith.index_cast %scan3A_153 : i32 to index
      %swap3A_179 = arith.constant 80 : index
      %swap3A_180 = tpu.vector_load %arg9[%swap3A_178, %swap3A_179] {strides = array<i32>} : memref<128x128xf32, #tpu.memory_space<vmem>>, vector<1x16xf32>,
      %swap3A_181 = vector.shape_cast %swap3A_180 : vector<1x16xf32> to vector<16xf32>
      %swap3A_182 = vector.shape_cast %broadcast_in_dim3A_0 : vector<16xf32> to vector<1x16xf32>
      tpu.vector_store %arg9[%swap3A_178, %swap3A_179], %swap3A_182 {strides = array<i32>} : memref<128x128xf32, #tpu.memory_space<vmem>>, vector<1x16xf32>,
      %swap3A_183 = arith.index_cast %scan3A_153 : i32 to index
      %swap3A_184 = arith.constant 96 : index
      %swap3A_185 = tpu.vector_load %arg9[%swap3A_183, %swap3A_184] {strides = array<i32>} : memref<128x128xf32, #tpu.memory_space<vmem>>, vector<1x16xf32>,
      %swap3A_186 = vector.shape_cast %swap3A_185 : vector<1x16xf32> to vector<16xf32>
      %swap3A_187 = vector.shape_cast %broadcast_in_dim3A_0 : vector<16xf32> to vector<1x16xf32>
      tpu.vector_store %arg9[%swap3A_183, %swap3A_184], %swap3A_187 {strides = array<i32>} : memref<128x128xf32, #tpu.memory_space<vmem>>, vector<1x16xf32>,
      %swap3A_188 = arith.index_cast %scan3A_153 : i32 to index
      %swap3A_189 = arith.constant 112 : index
      %swap3A_190 = tpu.vector_load %arg9[%swap3A_188, %swap3A_189] {strides = array<i32>} : memref<128x128xf32, #tpu.memory_space<vmem>>, vector<1x16xf32>,
      %swap3A_191 = vector.shape_cast %swap3A_190 : vector<1x16xf32> to vector<16xf32>
      %swap3A_192 = vector.shape_cast %broadcast_in_dim3A_0 : vector<16xf32> to vector<1x16xf32>
      tpu.vector_store %arg9[%swap3A_188, %swap3A_189], %swap3A_192 {strides = array<i32>} : memref<128x128xf32, #tpu.memory_space<vmem>>, vector<1x16xf32>,
    }
    %scan3A_5 = arith.constant 128 : i32
    %mul3A = arith.constant 640 : i32
    %mul3A_6 = arith.muli %arg1, %mul3A : i32
    %add3A = arith.constant 0 : i32
    %add3A_7 = arith.addi %mul3A_6, %add3A : i32
    "tpu.region"() ({
      %run_scoped3A_153 = tpu.sem_alloc : memref<!tpu.dma_semaphore, #tpu.memory_space<semaphore_mem>>
      %dma_start3A_154 = arith.constant 0 : i32
      %dma_start3A_155 = tpu.memref_slice %arg6[%add3A_7, %dma_start3A_154] : memref<10240x128xf32, #tpu.memory_space<vmem_shared>> -> memref<128x128xf32, #tpu.memory_space<vmem_shared>>
      %dma_start3A_156 = arith.constant 0 : i32
      %dma_start3A_157 = tpu.memref_slice %arg6[%add3A_7, %dma_start3A_156] : memref<10240x128xf32, #tpu.memory_space<vmem_shared>> -> memref<128x128xf32, #tpu.memory_space<vmem_shared>>
      tpu.enqueue_dma source(%arg9 : memref<128x128xf32, #tpu.memory_space<vmem>>) target(%dma_start3A_157 : memref<128x128xf32, #tpu.memory_space<vmem_shared>>) target_semaphore(%run_scoped3A_153 : memref<!tpu.dma_semaphore, #tpu.memory_space<semaphore_mem>>)
      %dma_wait3A_158 = arith.constant 0 : i32
      %dma_wait3A_159 = tpu.memref_slice %arg6[%add3A_7, %dma_wait3A_158] : memref<10240x128xf32, #tpu.memory_space<vmem_shared>> -> memref<128x128xf32, #tpu.memory_space<vmem_shared>>
      %dma_wait3A_160 = arith.constant 0 : i32
      %dma_wait3A_161 = tpu.memref_slice %arg6[%add3A_7, %dma_wait3A_160] : memref<10240x128xf32, #tpu.memory_space<vmem_shared>> -> memref<128x128xf32, #tpu.memory_space<vmem_shared>>
      tpu.wait_dma2 semaphore(%run_scoped3A_153 : memref<!tpu.dma_semaphore, #tpu.memory_space<semaphore_mem>>) src(%arg9 : memref<128x128xf32, #tpu.memory_space<vmem>>) dst(%dma_wait3A_161 : memref<128x128xf32, #tpu.memory_space<vmem_shared>>)
      tpu.yield
    }) : () -> ()
    %mul3A_8 = arith.constant 640 : i32
    %mul3A_9 = arith.muli %arg1, %mul3A_8 : i32
    %add3A_10 = arith.constant 128 : i32
    %add3A_11 = arith.addi %mul3A_9, %add3A_10 : i32
    "tpu.region"() ({
      %run_scoped3A_153 = tpu.sem_alloc : memref<!tpu.dma_semaphore, #tpu.memory_space<semaphore_mem>>
      %dma_start3A_154 = arith.constant 0 : i32
      %dma_start3A_155 = tpu.memref_slice %arg6[%add3A_11, %dma_start3A_154] : memref<10240x128xf32, #tpu.memory_space<vmem_shared>> -> memref<128x128xf32, #tpu.memory_space<vmem_shared>>
      %dma_start3A_156 = arith.constant 0 : i32
      %dma_start3A_157 = tpu.memref_slice %arg6[%add3A_11, %dma_start3A_156] : memref<10240x128xf32, #tpu.memory_space<vmem_shared>> -> memref<128x128xf32, #tpu.memory_space<vmem_shared>>
      tpu.enqueue_dma source(%arg9 : memref<128x128xf32, #tpu.memory_space<vmem>>) target(%dma_start3A_157 : memref<128x128xf32, #tpu.memory_space<vmem_shared>>) target_semaphore(%run_scoped3A_153 : memref<!tpu.dma_semaphore, #tpu.memory_space<semaphore_mem>>)
      %dma_wait3A_158 = arith.constant 0 : i32
      %dma_wait3A_159 = tpu.memref_slice %arg6[%add3A_11, %dma_wait3A_158] : memref<10240x128xf32, #tpu.memory_space<vmem_shared>> -> memref<128x128xf32, #tpu.memory_space<vmem_shared>>
      %dma_wait3A_160 = arith.constant 0 : i32
      %dma_wait3A_161 = tpu.memref_slice %arg6[%add3A_11, %dma_wait3A_160] : memref<10240x128xf32, #tpu.memory_space<vmem_shared>> -> memref<128x128xf32, #tpu.memory_space<vmem_shared>>
      tpu.wait_dma2 semaphore(%run_scoped3A_153 : memref<!tpu.dma_semaphore, #tpu.memory_space<semaphore_mem>>) src(%arg9 : memref<128x128xf32, #tpu.memory_space<vmem>>) dst(%dma_wait3A_161 : memref<128x128xf32, #tpu.memory_space<vmem_shared>>)
      tpu.yield
    }) : () -> ()
    %mul3A_12 = arith.constant 640 : i32
    %mul3A_13 = arith.muli %arg1, %mul3A_12 : i32
    %add3A_14 = arith.constant 256 : i32
    %add3A_15 = arith.addi %mul3A_13, %add3A_14 : i32
    "tpu.region"() ({
      %run_scoped3A_153 = tpu.sem_alloc : memref<!tpu.dma_semaphore, #tpu.memory_space<semaphore_mem>>
      %dma_start3A_154 = arith.constant 0 : i32
      %dma_start3A_155 = tpu.memref_slice %arg6[%add3A_15, %dma_start3A_154] : memref<10240x128xf32, #tpu.memory_space<vmem_shared>> -> memref<128x128xf32, #tpu.memory_space<vmem_shared>>
      %dma_start3A_156 = arith.constant 0 : i32
      %dma_start3A_157 = tpu.memref_slice %arg6[%add3A_15, %dma_start3A_156] : memref<10240x128xf32, #tpu.memory_space<vmem_shared>> -> memref<128x128xf32, #tpu.memory_space<vmem_shared>>
      tpu.enqueue_dma source(%arg9 : memref<128x128xf32, #tpu.memory_space<vmem>>) target(%dma_start3A_157 : memref<128x128xf32, #tpu.memory_space<vmem_shared>>) target_semaphore(%run_scoped3A_153 : memref<!tpu.dma_semaphore, #tpu.memory_space<semaphore_mem>>)
      %dma_wait3A_158 = arith.constant 0 : i32
      %dma_wait3A_159 = tpu.memref_slice %arg6[%add3A_15, %dma_wait3A_158] : memref<10240x128xf32, #tpu.memory_space<vmem_shared>> -> memref<128x128xf32, #tpu.memory_space<vmem_shared>>
      %dma_wait3A_160 = arith.constant 0 : i32
      %dma_wait3A_161 = tpu.memref_slice %arg6[%add3A_15, %dma_wait3A_160] : memref<10240x128xf32, #tpu.memory_space<vmem_shared>> -> memref<128x128xf32, #tpu.memory_space<vmem_shared>>
      tpu.wait_dma2 semaphore(%run_scoped3A_153 : memref<!tpu.dma_semaphore, #tpu.memory_space<semaphore_mem>>) src(%arg9 : memref<128x128xf32, #tpu.memory_space<vmem>>) dst(%dma_wait3A_161 : memref<128x128xf32, #tpu.memory_space<vmem_shared>>)
      tpu.yield
    }) : () -> ()
    %mul3A_16 = arith.constant 640 : i32
    %mul3A_17 = arith.muli %arg1, %mul3A_16 : i32
    %add3A_18 = arith.constant 384 : i32
    %add3A_19 = arith.addi %mul3A_17, %add3A_18 : i32
    "tpu.region"() ({
      %run_scoped3A_153 = tpu.sem_alloc : memref<!tpu.dma_semaphore, #tpu.memory_space<semaphore_mem>>
      %dma_start3A_154 = arith.constant 0 : i32
      %dma_start3A_155 = tpu.memref_slice %arg6[%add3A_19, %dma_start3A_154] : memref<10240x128xf32, #tpu.memory_space<vmem_shared>> -> memref<128x128xf32, #tpu.memory_space<vmem_shared>>
      %dma_start3A_156 = arith.constant 0 : i32
      %dma_start3A_157 = tpu.memref_slice %arg6[%add3A_19, %dma_start3A_156] : memref<10240x128xf32, #tpu.memory_space<vmem_shared>> -> memref<128x128xf32, #tpu.memory_space<vmem_shared>>
      tpu.enqueue_dma source(%arg9 : memref<128x128xf32, #tpu.memory_space<vmem>>) target(%dma_start3A_157 : memref<128x128xf32, #tpu.memory_space<vmem_shared>>) target_semaphore(%run_scoped3A_153 : memref<!tpu.dma_semaphore, #tpu.memory_space<semaphore_mem>>)
      %dma_wait3A_158 = arith.constant 0 : i32
      %dma_wait3A_159 = tpu.memref_slice %arg6[%add3A_19, %dma_wait3A_158] : memref<10240x128xf32, #tpu.memory_space<vmem_shared>> -> memref<128x128xf32, #tpu.memory_space<vmem_shared>>
      %dma_wait3A_160 = arith.constant 0 : i32
      %dma_wait3A_161 = tpu.memref_slice %arg6[%add3A_19, %dma_wait3A_160] : memref<10240x128xf32, #tpu.memory_space<vmem_shared>> -> memref<128x128xf32, #tpu.memory_space<vmem_shared>>
      tpu.wait_dma2 semaphore(%run_scoped3A_153 : memref<!tpu.dma_semaphore, #tpu.memory_space<semaphore_mem>>) src(%arg9 : memref<128x128xf32, #tpu.memory_space<vmem>>) dst(%dma_wait3A_161 : memref<128x128xf32, #tpu.memory_space<vmem_shared>>)
      tpu.yield
    }) : () -> ()
    %mul3A_20 = arith.constant 640 : i32
    %mul3A_21 = arith.muli %arg1, %mul3A_20 : i32
    %add3A_22 = arith.constant 512 : i32
    %add3A_23 = arith.addi %mul3A_21, %add3A_22 : i32
    "tpu.region"() ({
      %run_scoped3A_153 = tpu.sem_alloc : memref<!tpu.dma_semaphore, #tpu.memory_space<semaphore_mem>>
      %dma_start3A_154 = arith.constant 0 : i32
      %dma_start3A_155 = tpu.memref_slice %arg6[%add3A_23, %dma_start3A_154] : memref<10240x128xf32, #tpu.memory_space<vmem_shared>> -> memref<128x128xf32, #tpu.memory_space<vmem_shared>>
      %dma_start3A_156 = arith.constant 0 : i32
      %dma_start3A_157 = tpu.memref_slice %arg6[%add3A_23, %dma_start3A_156] : memref<10240x128xf32, #tpu.memory_space<vmem_shared>> -> memref<128x128xf32, #tpu.memory_space<vmem_shared>>
      tpu.enqueue_dma source(%arg9 : memref<128x128xf32, #tpu.memory_space<vmem>>) target(%dma_start3A_157 : memref<128x128xf32, #tpu.memory_space<vmem_shared>>) target_semaphore(%run_scoped3A_153 : memref<!tpu.dma_semaphore, #tpu.memory_space<semaphore_mem>>)
      %dma_wait3A_158 = arith.constant 0 : i32
      %dma_wait3A_159 = tpu.memref_slice %arg6[%add3A_23, %dma_wait3A_158] : memref<10240x128xf32, #tpu.memory_space<vmem_shared>> -> memref<128x128xf32, #tpu.memory_space<vmem_shared>>
      %dma_wait3A_160 = arith.constant 0 : i32
      %dma_wait3A_161 = tpu.memref_slice %arg6[%add3A_23, %dma_wait3A_160] : memref<10240x128xf32, #tpu.memory_space<vmem_shared>> -> memref<128x128xf32, #tpu.memory_space<vmem_shared>>
      tpu.wait_dma2 semaphore(%run_scoped3A_153 : memref<!tpu.dma_semaphore, #tpu.memory_space<semaphore_mem>>) src(%arg9 : memref<128x128xf32, #tpu.memory_space<vmem>>) dst(%dma_wait3A_161 : memref<128x128xf32, #tpu.memory_space<vmem_shared>>)
      tpu.yield
    }) : () -> ()
    %mul3A_24 = arith.constant 16 : i32
    %mul3A_25 = arith.muli %arg0, %mul3A_24 : i32
    %add3A_26 = arith.addi %mul3A_25, %arg1 : i32
    "tpu.region"() ({
      %run_scoped3A_153 = tpu.sem_alloc : memref<!tpu.dma_semaphore, #tpu.memory_space<semaphore_mem>>
      %dma_start3A_154 = arith.constant 0 : i32
      %dma_start3A_155 = arith.constant 0 : i32
      %dma_start3A_156 = tpu.memref_slice %arg3[%add3A_26, %dma_start3A_154, %dma_start3A_155] : memref<32x80x128xi32, #tpu.memory_space<hbm>> -> memref<1x80x128xi32, #tpu.memory_space<hbm>>
      %dma_start3A_157 = tpu.memref_squeeze %dma_start3A_156 : memref<1x80x128xi32, #tpu.memory_space<hbm>> -> memref<80x128xi32, #tpu.memory_space<hbm>>
      %dma_start3A_158 = arith.constant 0 : i32
      %dma_start3A_159 = arith.constant 0 : i32
      %dma_start3A_160 = tpu.memref_slice %arg3[%add3A_26, %dma_start3A_158, %dma_start3A_159] : memref<32x80x128xi32, #tpu.memory_space<hbm>> -> memref<1x80x128xi32, #tpu.memory_space<hbm>>
      %dma_start3A_161 = tpu.memref_squeeze %dma_start3A_160 : memref<1x80x128xi32, #tpu.memory_space<hbm>> -> memref<80x128xi32, #tpu.memory_space<hbm>>
      tpu.enqueue_dma source(%dma_start3A_161 : memref<80x128xi32, #tpu.memory_space<hbm>>) target(%arg7 : memref<80x128xi32, #tpu.memory_space<vmem>>) target_semaphore(%run_scoped3A_153 : memref<!tpu.dma_semaphore, #tpu.memory_space<semaphore_mem>>)
      %dma_wait3A_162 = arith.constant 0 : i32
      %dma_wait3A_163 = arith.constant 0 : i32
      %dma_wait3A_164 = tpu.memref_slice %arg3[%add3A_26, %dma_wait3A_162, %dma_wait3A_163] : memref<32x80x128xi32, #tpu.memory_space<hbm>> -> memref<1x80x128xi32, #tpu.memory_space<hbm>>
      %dma_wait3A_165 = tpu.memref_squeeze %dma_wait3A_164 : memref<1x80x128xi32, #tpu.memory_space<hbm>> -> memref<80x128xi32, #tpu.memory_space<hbm>>
      %dma_wait3A_166 = arith.constant 0 : i32
      %dma_wait3A_167 = arith.constant 0 : i32
      %dma_wait3A_168 = tpu.memref_slice %arg3[%add3A_26, %dma_wait3A_166, %dma_wait3A_167] : memref<32x80x128xi32, #tpu.memory_space<hbm>> -> memref<1x80x128xi32, #tpu.memory_space<hbm>>
      %dma_wait3A_169 = tpu.memref_squeeze %dma_wait3A_168 : memref<1x80x128xi32, #tpu.memory_space<hbm>> -> memref<80x128xi32, #tpu.memory_space<hbm>>
      tpu.wait_dma2 semaphore(%run_scoped3A_153 : memref<!tpu.dma_semaphore, #tpu.memory_space<semaphore_mem>>) src(%dma_wait3A_169 : memref<80x128xi32, #tpu.memory_space<hbm>>) dst(%arg7 : memref<80x128xi32, #tpu.memory_space<vmem>>)
      tpu.yield
    }) : () -> ()
    %barrier3A = arith.constant 0 : index
    tpu.barrier barrier_id(%barrier3A)
    %dma_start3A = arith.constant 0 : i32
    %dma_start3A_27 = arith.constant 0 : i32
    %dma_start3A_28 = tpu.memref_slice %arg7[%dma_start3A, %dma_start3A_27] : memref<80x128xi32, #tpu.memory_space<vmem>> -> memref<1x128xi32, #tpu.memory_space<vmem>>
    %dma_start3A_29 = tpu.memref_squeeze %dma_start3A_28 : memref<1x128xi32, #tpu.memory_space<vmem>> -> memref<128xi32, #tpu.memory_space<vmem>>
    %dma_start3A_30 = arith.constant 0 : i32
    %dma_start3A_31 = arith.constant 0 : i32
    %dma_start3A_32 = tpu.memref_slice %arg2[%dma_start3A_30, %dma_start3A_31] : memref<10240x128xf32, #tpu.memory_space<hbm>> -> memref<10240x128xf32, #tpu.memory_space<hbm>>
    tpu.enqueue_indirect_dma source(%dma_start3A_32 : memref<10240x128xf32, #tpu.memory_space<hbm>>) target(%arg9 : memref<128x128xf32, #tpu.memory_space<vmem>>) offsets(%dma_start3A_29 : memref<128xi32, #tpu.memory_space<vmem>>) semaphore(%arg11 : memref<!tpu.dma_semaphore, #tpu.memory_space<semaphore_mem>>)
    %dma_start3A_33 = arith.constant 0 : i32
    %dma_start3A_34 = arith.constant 0 : i32
    %dma_start3A_35 = arith.constant 0 : i32
    %dma_start3A_36 = tpu.memref_slice %arg8[%dma_start3A_34, %dma_start3A_35] : memref<2x128xi32, #tpu.memory_space<vmem>> -> memref<1x128xi32, #tpu.memory_space<vmem>>
    %dma_start3A_37 = tpu.memref_squeeze %dma_start3A_36 : memref<1x128xi32, #tpu.memory_space<vmem>> -> memref<128xi32, #tpu.memory_space<vmem>>
    %dma_start3A_38 = arith.constant 0 : i32
    %dma_start3A_39 = arith.constant 0 : i32
    %dma_start3A_40 = tpu.memref_slice %arg4[%add3A_26, %dma_start3A_38, %dma_start3A_39] : memref<32x80x128xi32, #tpu.memory_space<hbm>> -> memref<1x80x128xi32, #tpu.memory_space<hbm>>
    %dma_start3A_41 = tpu.memref_squeeze %dma_start3A_40 : memref<1x80x128xi32, #tpu.memory_space<hbm>> -> memref<80x128xi32, #tpu.memory_space<hbm>>
    %dma_start3A_42 = arith.constant 0 : i32
    %dma_start3A_43 = tpu.memref_slice %dma_start3A_41[%dma_start3A_33, %dma_start3A_42] : memref<80x128xi32, #tpu.memory_space<hbm>> -> memref<1x128xi32, #tpu.memory_space<hbm>>
    %dma_start3A_44 = tpu.memref_squeeze %dma_start3A_43 : memref<1x128xi32, #tpu.memory_space<hbm>> -> memref<128xi32, #tpu.memory_space<hbm>>
    %dma_start3A_45 = arith.constant 0 : i32
    %dma_start3A_46 = tpu.memref_slice %arg8[%dma_start3A_34, %dma_start3A_45] : memref<2x128xi32, #tpu.memory_space<vmem>> -> memref<1x128xi32, #tpu.memory_space<vmem>>
    %dma_start3A_47 = tpu.memref_squeeze %dma_start3A_46 : memref<1x128xi32, #tpu.memory_space<vmem>> -> memref<128xi32, #tpu.memory_space<vmem>>
    %dma_start3A_48 = arith.constant 0 : i32
    %dma_start3A_49 = arith.constant 0 : i32
    %dma_start3A_50 = tpu.memref_slice %arg4[%add3A_26, %dma_start3A_48, %dma_start3A_49] : memref<32x80x128xi32, #tpu.memory_space<hbm>> -> memref<1x80x128xi32, #tpu.memory_space<hbm>>
    %dma_start3A_51 = tpu.memref_squeeze %dma_start3A_50 : memref<1x80x128xi32, #tpu.memory_space<hbm>> -> memref<80x128xi32, #tpu.memory_space<hbm>>
    %dma_start3A_52 = arith.constant 0 : i32
    %dma_start3A_53 = tpu.memref_slice %dma_start3A_51[%dma_start3A_33, %dma_start3A_52] : memref<80x128xi32, #tpu.memory_space<hbm>> -> memref<1x128xi32, #tpu.memory_space<hbm>>
    %dma_start3A_54 = tpu.memref_squeeze %dma_start3A_53 : memref<1x128xi32, #tpu.memory_space<hbm>> -> memref<128xi32, #tpu.memory_space<hbm>>
    tpu.enqueue_dma source(%dma_start3A_54 : memref<128xi32, #tpu.memory_space<hbm>>) target(%dma_start3A_47 : memref<128xi32, #tpu.memory_space<vmem>>) target_semaphore(%arg11 : memref<!tpu.dma_semaphore, #tpu.memory_space<semaphore_mem>>)
    %dma_start3A_55 = arith.constant 1 : i32
    %dma_start3A_56 = arith.constant 0 : i32
    %dma_start3A_57 = tpu.memref_slice %arg7[%dma_start3A_55, %dma_start3A_56] : memref<80x128xi32, #tpu.memory_space<vmem>> -> memref<1x128xi32, #tpu.memory_space<vmem>>
    %dma_start3A_58 = tpu.memref_squeeze %dma_start3A_57 : memref<1x128xi32, #tpu.memory_space<vmem>> -> memref<128xi32, #tpu.memory_space<vmem>>
    %dma_start3A_59 = arith.constant 0 : i32
    %dma_start3A_60 = arith.constant 0 : i32
    %dma_start3A_61 = tpu.memref_slice %arg2[%dma_start3A_59, %dma_start3A_60] : memref<10240x128xf32, #tpu.memory_space<hbm>> -> memref<10240x128xf32, #tpu.memory_space<hbm>>
    tpu.enqueue_indirect_dma source(%dma_start3A_61 : memref<10240x128xf32, #tpu.memory_space<hbm>>) target(%arg10 : memref<128x128xf32, #tpu.memory_space<vmem>>) offsets(%dma_start3A_58 : memref<128xi32, #tpu.memory_space<vmem>>) semaphore(%arg12 : memref<!tpu.dma_semaphore, #tpu.memory_space<semaphore_mem>>)
    %dma_start3A_62 = arith.constant 1 : i32
    %dma_start3A_63 = arith.constant 1 : i32
    %dma_start3A_64 = arith.constant 0 : i32
    %dma_start3A_65 = tpu.memref_slice %arg8[%dma_start3A_63, %dma_start3A_64] : memref<2x128xi32, #tpu.memory_space<vmem>> -> memref<1x128xi32, #tpu.memory_space<vmem>>
    %dma_start3A_66 = tpu.memref_squeeze %dma_start3A_65 : memref<1x128xi32, #tpu.memory_space<vmem>> -> memref<128xi32, #tpu.memory_space<vmem>>
    %dma_start3A_67 = arith.constant 0 : i32
    %dma_start3A_68 = arith.constant 0 : i32
    %dma_start3A_69 = tpu.memref_slice %arg4[%add3A_26, %dma_start3A_67, %dma_start3A_68] : memref<32x80x128xi32, #tpu.memory_space<hbm>> -> memref<1x80x128xi32, #tpu.memory_space<hbm>>
    %dma_start3A_70 = tpu.memref_squeeze %dma_start3A_69 : memref<1x80x128xi32, #tpu.memory_space<hbm>> -> memref<80x128xi32, #tpu.memory_space<hbm>>
    %dma_start3A_71 = arith.constant 0 : i32
    %dma_start3A_72 = tpu.memref_slice %dma_start3A_70[%dma_start3A_62, %dma_start3A_71] : memref<80x128xi32, #tpu.memory_space<hbm>> -> memref<1x128xi32, #tpu.memory_space<hbm>>
    %dma_start3A_73 = tpu.memref_squeeze %dma_start3A_72 : memref<1x128xi32, #tpu.memory_space<hbm>> -> memref<128xi32, #tpu.memory_space<hbm>>
    %dma_start3A_74 = arith.constant 0 : i32
    %dma_start3A_75 = tpu.memref_slice %arg8[%dma_start3A_63, %dma_start3A_74] : memref<2x128xi32, #tpu.memory_space<vmem>> -> memref<1x128xi32, #tpu.memory_space<vmem>>
    %dma_start3A_76 = tpu.memref_squeeze %dma_start3A_75 : memref<1x128xi32, #tpu.memory_space<vmem>> -> memref<128xi32, #tpu.memory_space<vmem>>
    %dma_start3A_77 = arith.constant 0 : i32
    %dma_start3A_78 = arith.constant 0 : i32
    %dma_start3A_79 = tpu.memref_slice %arg4[%add3A_26, %dma_start3A_77, %dma_start3A_78] : memref<32x80x128xi32, #tpu.memory_space<hbm>> -> memref<1x80x128xi32, #tpu.memory_space<hbm>>
    %dma_start3A_80 = tpu.memref_squeeze %dma_start3A_79 : memref<1x80x128xi32, #tpu.memory_space<hbm>> -> memref<80x128xi32, #tpu.memory_space<hbm>>
    %dma_start3A_81 = arith.constant 0 : i32
    %dma_start3A_82 = tpu.memref_slice %dma_start3A_80[%dma_start3A_62, %dma_start3A_81] : memref<80x128xi32, #tpu.memory_space<hbm>> -> memref<1x128xi32, #tpu.memory_space<hbm>>
    %dma_start3A_83 = tpu.memref_squeeze %dma_start3A_82 : memref<1x128xi32, #tpu.memory_space<hbm>> -> memref<128xi32, #tpu.memory_space<hbm>>
    tpu.enqueue_dma source(%dma_start3A_83 : memref<128xi32, #tpu.memory_space<hbm>>) target(%dma_start3A_76 : memref<128xi32, #tpu.memory_space<vmem>>) target_semaphore(%arg12 : memref<!tpu.dma_semaphore, #tpu.memory_space<semaphore_mem>>)
    %scan3A_84 = arith.constant 0 : i32
    %scan3A_85 = arith.constant 0 : i32
    %scan3A_86 = arith.constant 39 : i32
    %scan3A_87 = arith.addi %scan3A_85, %scan3A_86 : i32
    %scan3A_88 = arith.constant 1 : i32
    scf.for %scan3A_153 = %scan3A_85 to %scan3A_87 step %scan3A_88  : i32 {
      %mul3A_154 = arith.constant 2 : i32
      %mul3A_155 = arith.muli %scan3A_153, %mul3A_154 : i32
      %add3A_156 = arith.constant 0 : i32
      %add3A_157 = arith.addi %mul3A_155, %add3A_156 : i32
      %dma_wait3A_158 = arith.constant 0 : i32
      %dma_wait3A_159 = tpu.memref_slice %arg7[%add3A_157, %dma_wait3A_158] : memref<80x128xi32, #tpu.memory_space<vmem>> -> memref<1x128xi32, #tpu.memory_space<vmem>>
      %dma_wait3A_160 = tpu.memref_squeeze %dma_wait3A_159 : memref<1x128xi32, #tpu.memory_space<vmem>> -> memref<128xi32, #tpu.memory_space<vmem>>
      %dma_wait3A_161 = arith.constant 0 : i32
      %dma_wait3A_162 = arith.constant 0 : i32
      %dma_wait3A_163 = tpu.memref_slice %arg2[%dma_wait3A_161, %dma_wait3A_162] : memref<10240x128xf32, #tpu.memory_space<hbm>> -> memref<10240x128xf32, #tpu.memory_space<hbm>>
      tpu.wait_indirect_dma semaphore(%arg11 : memref<!tpu.dma_semaphore, #tpu.memory_space<semaphore_mem>>) src(%dma_wait3A_163 : memref<10240x128xf32, #tpu.memory_space<hbm>>) dst(%arg9 : memref<128x128xf32, #tpu.memory_space<vmem>>)
      %dma_wait3A_164 = arith.constant 0 : i32
      %dma_wait3A_165 = arith.constant 0 : i32
      %dma_wait3A_166 = tpu.memref_slice %arg8[%dma_wait3A_164, %dma_wait3A_165] : memref<2x128xi32, #tpu.memory_space<vmem>> -> memref<1x128xi32, #tpu.memory_space<vmem>>
      %dma_wait3A_167 = tpu.memref_squeeze %dma_wait3A_166 : memref<1x128xi32, #tpu.memory_space<vmem>> -> memref<128xi32, #tpu.memory_space<vmem>>
      %dma_wait3A_168 = arith.constant 0 : i32
      %dma_wait3A_169 = arith.constant 0 : i32
      %dma_wait3A_170 = tpu.memref_slice %arg4[%add3A_26, %dma_wait3A_168, %dma_wait3A_169] : memref<32x80x128xi32, #tpu.memory_space<hbm>> -> memref<1x80x128xi32, #tpu.memory_space<hbm>>
      %dma_wait3A_171 = tpu.memref_squeeze %dma_wait3A_170 : memref<1x80x128xi32, #tpu.memory_space<hbm>> -> memref<80x128xi32, #tpu.memory_space<hbm>>
      %dma_wait3A_172 = arith.constant 0 : i32
      %dma_wait3A_173 = tpu.memref_slice %dma_wait3A_171[%add3A_157, %dma_wait3A_172] : memref<80x128xi32, #tpu.memory_space<hbm>> -> memref<1x128xi32, #tpu.memory_space<hbm>>
      %dma_wait3A_174 = tpu.memref_squeeze %dma_wait3A_173 : memref<1x128xi32, #tpu.memory_space<hbm>> -> memref<128xi32, #tpu.memory_space<hbm>>
      %dma_wait3A_175 = arith.constant 0 : i32
      %dma_wait3A_176 = tpu.memref_slice %arg8[%dma_wait3A_164, %dma_wait3A_175] : memref<2x128xi32, #tpu.memory_space<vmem>> -> memref<1x128xi32, #tpu.memory_space<vmem>>
      %dma_wait3A_177 = tpu.memref_squeeze %dma_wait3A_176 : memref<1x128xi32, #tpu.memory_space<vmem>> -> memref<128xi32, #tpu.memory_space<vmem>>
      %dma_wait3A_178 = arith.constant 0 : i32
      %dma_wait3A_179 = arith.constant 0 : i32
      %dma_wait3A_180 = tpu.memref_slice %arg4[%add3A_26, %dma_wait3A_178, %dma_wait3A_179] : memref<32x80x128xi32, #tpu.memory_space<hbm>> -> memref<1x80x128xi32, #tpu.memory_space<hbm>>
      %dma_wait3A_181 = tpu.memref_squeeze %dma_wait3A_180 : memref<1x80x128xi32, #tpu.memory_space<hbm>> -> memref<80x128xi32, #tpu.memory_space<hbm>>
      %dma_wait3A_182 = arith.constant 0 : i32
      %dma_wait3A_183 = tpu.memref_slice %dma_wait3A_181[%add3A_157, %dma_wait3A_182] : memref<80x128xi32, #tpu.memory_space<hbm>> -> memref<1x128xi32, #tpu.memory_space<hbm>>
      %dma_wait3A_184 = tpu.memref_squeeze %dma_wait3A_183 : memref<1x128xi32, #tpu.memory_space<hbm>> -> memref<128xi32, #tpu.memory_space<hbm>>
      tpu.wait_dma2 semaphore(%arg11 : memref<!tpu.dma_semaphore, #tpu.memory_space<semaphore_mem>>) src(%dma_wait3A_184 : memref<128xi32, #tpu.memory_space<hbm>>) dst(%dma_wait3A_177 : memref<128xi32, #tpu.memory_space<vmem>>)
      %run_scoped3A_185 = arith.constant 0 : i32
      "tpu.region"() ({
        %run_scoped3A_280 = tpu.sem_alloc : memref<!tpu.dma_semaphore, #tpu.memory_space<semaphore_mem>>
        %dma_start3A_281 = arith.constant 0 : i32
        %dma_start3A_282 = tpu.memref_slice %arg8[%run_scoped3A_185, %dma_start3A_281] : memref<2x128xi32, #tpu.memory_space<vmem>> -> memref<1x128xi32, #tpu.memory_space<vmem>>
        %dma_start3A_283 = tpu.memref_squeeze %dma_start3A_282 : memref<1x128xi32, #tpu.memory_space<vmem>> -> memref<128xi32, #tpu.memory_space<vmem>>
        %dma_start3A_284 = arith.constant 0 : i32
        %dma_start3A_285 = arith.constant 0 : i32
        %dma_start3A_286 = tpu.memref_slice %arg6[%dma_start3A_284, %dma_start3A_285] : memref<10240x128xf32, #tpu.memory_space<vmem_shared>> -> memref<10240x128xf32, #tpu.memory_space<vmem_shared>>
        tpu.enqueue_indirect_dma source(%arg9 : memref<128x128xf32, #tpu.memory_space<vmem>>) target(%dma_start3A_286 : memref<10240x128xf32, #tpu.memory_space<vmem_shared>>) offsets(%dma_start3A_283 : memref<128xi32, #tpu.memory_space<vmem>>) semaphore(%run_scoped3A_280 : memref<!tpu.dma_semaphore, #tpu.memory_space<semaphore_mem>>) {add = true}
        %dma_wait3A_287 = arith.constant 0 : i32
        %dma_wait3A_288 = tpu.memref_slice %arg8[%run_scoped3A_185, %dma_wait3A_287] : memref<2x128xi32, #tpu.memory_space<vmem>> -> memref<1x128xi32, #tpu.memory_space<vmem>>
        %dma_wait3A_289 = tpu.memref_squeeze %dma_wait3A_288 : memref<1x128xi32, #tpu.memory_space<vmem>> -> memref<128xi32, #tpu.memory_space<vmem>>
        %dma_wait3A_290 = arith.constant 0 : i32
        %dma_wait3A_291 = arith.constant 0 : i32
        %dma_wait3A_292 = tpu.memref_slice %arg6[%dma_wait3A_290, %dma_wait3A_291] : memref<10240x128xf32, #tpu.memory_space<vmem_shared>> -> memref<10240x128xf32, #tpu.memory_space<vmem_shared>>
        tpu.wait_indirect_dma semaphore(%run_scoped3A_280 : memref<!tpu.dma_semaphore, #tpu.memory_space<semaphore_mem>>) src(%arg9 : memref<128x128xf32, #tpu.memory_space<vmem>>) dst(%dma_wait3A_292 : memref<10240x128xf32, #tpu.memory_space<vmem_shared>>)
        tpu.yield
      }) : () -> ()
      %add3A_186 = arith.constant 2 : i32
      %add3A_187 = arith.addi %add3A_157, %add3A_186 : i32
      %dma_start3A_188 = arith.constant 0 : i32
      %dma_start3A_189 = tpu.memref_slice %arg7[%add3A_187, %dma_start3A_188] : memref<80x128xi32, #tpu.memory_space<vmem>> -> memref<1x128xi32, #tpu.memory_space<vmem>>
      %dma_start3A_190 = tpu.memref_squeeze %dma_start3A_189 : memref<1x128xi32, #tpu.memory_space<vmem>> -> memref<128xi32, #tpu.memory_space<vmem>>
      %dma_start3A_191 = arith.constant 0 : i32
      %dma_start3A_192 = arith.constant 0 : i32
      %dma_start3A_193 = tpu.memref_slice %arg2[%dma_start3A_191, %dma_start3A_192] : memref<10240x128xf32, #tpu.memory_space<hbm>> -> memref<10240x128xf32, #tpu.memory_space<hbm>>
      tpu.enqueue_indirect_dma source(%dma_start3A_193 : memref<10240x128xf32, #tpu.memory_space<hbm>>) target(%arg9 : memref<128x128xf32, #tpu.memory_space<vmem>>) offsets(%dma_start3A_190 : memref<128xi32, #tpu.memory_space<vmem>>) semaphore(%arg11 : memref<!tpu.dma_semaphore, #tpu.memory_space<semaphore_mem>>)
      %add3A_194 = arith.constant 2 : i32
      %add3A_195 = arith.addi %add3A_157, %add3A_194 : i32
      %dma_start3A_196 = arith.constant 0 : i32
      %dma_start3A_197 = arith.constant 0 : i32
      %dma_start3A_198 = tpu.memref_slice %arg8[%dma_start3A_196, %dma_start3A_197] : memref<2x128xi32, #tpu.memory_space<vmem>> -> memref<1x128xi32, #tpu.memory_space<vmem>>
      %dma_start3A_199 = tpu.memref_squeeze %dma_start3A_198 : memref<1x128xi32, #tpu.memory_space<vmem>> -> memref<128xi32, #tpu.memory_space<vmem>>
      %dma_start3A_200 = arith.constant 0 : i32
      %dma_start3A_201 = arith.constant 0 : i32
      %dma_start3A_202 = tpu.memref_slice %arg4[%add3A_26, %dma_start3A_200, %dma_start3A_201] : memref<32x80x128xi32, #tpu.memory_space<hbm>> -> memref<1x80x128xi32, #tpu.memory_space<hbm>>
      %dma_start3A_203 = tpu.memref_squeeze %dma_start3A_202 : memref<1x80x128xi32, #tpu.memory_space<hbm>> -> memref<80x128xi32, #tpu.memory_space<hbm>>
      %dma_start3A_204 = arith.constant 0 : i32
      %dma_start3A_205 = tpu.memref_slice %dma_start3A_203[%add3A_195, %dma_start3A_204] : memref<80x128xi32, #tpu.memory_space<hbm>> -> memref<1x128xi32, #tpu.memory_space<hbm>>
      %dma_start3A_206 = tpu.memref_squeeze %dma_start3A_205 : memref<1x128xi32, #tpu.memory_space<hbm>> -> memref<128xi32, #tpu.memory_space<hbm>>
      %dma_start3A_207 = arith.constant 0 : i32
      %dma_start3A_208 = tpu.memref_slice %arg8[%dma_start3A_196, %dma_start3A_207] : memref<2x128xi32, #tpu.memory_space<vmem>> -> memref<1x128xi32, #tpu.memory_space<vmem>>
      %dma_start3A_209 = tpu.memref_squeeze %dma_start3A_208 : memref<1x128xi32, #tpu.memory_space<vmem>> -> memref<128xi32, #tpu.memory_space<vmem>>
      %dma_start3A_210 = arith.constant 0 : i32
      %dma_start3A_211 = arith.constant 0 : i32
      %dma_start3A_212 = tpu.memref_slice %arg4[%add3A_26, %dma_start3A_210, %dma_start3A_211] : memref<32x80x128xi32, #tpu.memory_space<hbm>> -> memref<1x80x128xi32, #tpu.memory_space<hbm>>
      %dma_start3A_213 = tpu.memref_squeeze %dma_start3A_212 : memref<1x80x128xi32, #tpu.memory_space<hbm>> -> memref<80x128xi32, #tpu.memory_space<hbm>>
      %dma_start3A_214 = arith.constant 0 : i32
      %dma_start3A_215 = tpu.memref_slice %dma_start3A_213[%add3A_195, %dma_start3A_214] : memref<80x128xi32, #tpu.memory_space<hbm>> -> memref<1x128xi32, #tpu.memory_space<hbm>>
      %dma_start3A_216 = tpu.memref_squeeze %dma_start3A_215 : memref<1x128xi32, #tpu.memory_space<hbm>> -> memref<128xi32, #tpu.memory_space<hbm>>
      tpu.enqueue_dma source(%dma_start3A_216 : memref<128xi32, #tpu.memory_space<hbm>>) target(%dma_start3A_209 : memref<128xi32, #tpu.memory_space<vmem>>) target_semaphore(%arg11 : memref<!tpu.dma_semaphore, #tpu.memory_space<semaphore_mem>>)
      %mul3A_217 = arith.constant 2 : i32
      %mul3A_218 = arith.muli %scan3A_153, %mul3A_217 : i32
      %add3A_219 = arith.constant 1 : i32
      %add3A_220 = arith.addi %mul3A_218, %add3A_219 : i32
      %dma_wait3A_221 = arith.constant 0 : i32
      %dma_wait3A_222 = tpu.memref_slice %arg7[%add3A_220, %dma_wait3A_221] : memref<80x128xi32, #tpu.memory_space<vmem>> -> memref<1x128xi32, #tpu.memory_space<vmem>>
      %dma_wait3A_223 = tpu.memref_squeeze %dma_wait3A_222 : memref<1x128xi32, #tpu.memory_space<vmem>> -> memref<128xi32, #tpu.memory_space<vmem>>
      %dma_wait3A_224 = arith.constant 0 : i32
      %dma_wait3A_225 = arith.constant 0 : i32
      %dma_wait3A_226 = tpu.memref_slice %arg2[%dma_wait3A_224, %dma_wait3A_225] : memref<10240x128xf32, #tpu.memory_space<hbm>> -> memref<10240x128xf32, #tpu.memory_space<hbm>>
      tpu.wait_indirect_dma semaphore(%arg12 : memref<!tpu.dma_semaphore, #tpu.memory_space<semaphore_mem>>) src(%dma_wait3A_226 : memref<10240x128xf32, #tpu.memory_space<hbm>>) dst(%arg10 : memref<128x128xf32, #tpu.memory_space<vmem>>)
      %dma_wait3A_227 = arith.constant 1 : i32
      %dma_wait3A_228 = arith.constant 0 : i32
      %dma_wait3A_229 = tpu.memref_slice %arg8[%dma_wait3A_227, %dma_wait3A_228] : memref<2x128xi32, #tpu.memory_space<vmem>> -> memref<1x128xi32, #tpu.memory_space<vmem>>
      %dma_wait3A_230 = tpu.memref_squeeze %dma_wait3A_229 : memref<1x128xi32, #tpu.memory_space<vmem>> -> memref<128xi32, #tpu.memory_space<vmem>>
      %dma_wait3A_231 = arith.constant 0 : i32
      %dma_wait3A_232 = arith.constant 0 : i32
      %dma_wait3A_233 = tpu.memref_slice %arg4[%add3A_26, %dma_wait3A_231, %dma_wait3A_232] : memref<32x80x128xi32, #tpu.memory_space<hbm>> -> memref<1x80x128xi32, #tpu.memory_space<hbm>>
      %dma_wait3A_234 = tpu.memref_squeeze %dma_wait3A_233 : memref<1x80x128xi32, #tpu.memory_space<hbm>> -> memref<80x128xi32, #tpu.memory_space<hbm>>
      %dma_wait3A_235 = arith.constant 0 : i32
      %dma_wait3A_236 = tpu.memref_slice %dma_wait3A_234[%add3A_220, %dma_wait3A_235] : memref<80x128xi32, #tpu.memory_space<hbm>> -> memref<1x128xi32, #tpu.memory_space<hbm>>
      %dma_wait3A_237 = tpu.memref_squeeze %dma_wait3A_236 : memref<1x128xi32, #tpu.memory_space<hbm>> -> memref<128xi32, #tpu.memory_space<hbm>>
      %dma_wait3A_238 = arith.constant 0 : i32
      %dma_wait3A_239 = tpu.memref_slice %arg8[%dma_wait3A_227, %dma_wait3A_238] : memref<2x128xi32, #tpu.memory_space<vmem>> -> memref<1x128xi32, #tpu.memory_space<vmem>>
      %dma_wait3A_240 = tpu.memref_squeeze %dma_wait3A_239 : memref<1x128xi32, #tpu.memory_space<vmem>> -> memref<128xi32, #tpu.memory_space<vmem>>
      %dma_wait3A_241 = arith.constant 0 : i32
      %dma_wait3A_242 = arith.constant 0 : i32
      %dma_wait3A_243 = tpu.memref_slice %arg4[%add3A_26, %dma_wait3A_241, %dma_wait3A_242] : memref<32x80x128xi32, #tpu.memory_space<hbm>> -> memref<1x80x128xi32, #tpu.memory_space<hbm>>
      %dma_wait3A_244 = tpu.memref_squeeze %dma_wait3A_243 : memref<1x80x128xi32, #tpu.memory_space<hbm>> -> memref<80x128xi32, #tpu.memory_space<hbm>>
      %dma_wait3A_245 = arith.constant 0 : i32
      %dma_wait3A_246 = tpu.memref_slice %dma_wait3A_244[%add3A_220, %dma_wait3A_245] : memref<80x128xi32, #tpu.memory_space<hbm>> -> memref<1x128xi32, #tpu.memory_space<hbm>>
      %dma_wait3A_247 = tpu.memref_squeeze %dma_wait3A_246 : memref<1x128xi32, #tpu.memory_space<hbm>> -> memref<128xi32, #tpu.memory_space<hbm>>
      tpu.wait_dma2 semaphore(%arg12 : memref<!tpu.dma_semaphore, #tpu.memory_space<semaphore_mem>>) src(%dma_wait3A_247 : memref<128xi32, #tpu.memory_space<hbm>>) dst(%dma_wait3A_240 : memref<128xi32, #tpu.memory_space<vmem>>)
      %run_scoped3A_248 = arith.constant 1 : i32
      "tpu.region"() ({
        %run_scoped3A_280 = tpu.sem_alloc : memref<!tpu.dma_semaphore, #tpu.memory_space<semaphore_mem>>
        %dma_start3A_281 = arith.constant 0 : i32
        %dma_start3A_282 = tpu.memref_slice %arg8[%run_scoped3A_248, %dma_start3A_281] : memref<2x128xi32, #tpu.memory_space<vmem>> -> memref<1x128xi32, #tpu.memory_space<vmem>>
        %dma_start3A_283 = tpu.memref_squeeze %dma_start3A_282 : memref<1x128xi32, #tpu.memory_space<vmem>> -> memref<128xi32, #tpu.memory_space<vmem>>
        %dma_start3A_284 = arith.constant 0 : i32
        %dma_start3A_285 = arith.constant 0 : i32
        %dma_start3A_286 = tpu.memref_slice %arg6[%dma_start3A_284, %dma_start3A_285] : memref<10240x128xf32, #tpu.memory_space<vmem_shared>> -> memref<10240x128xf32, #tpu.memory_space<vmem_shared>>
        tpu.enqueue_indirect_dma source(%arg10 : memref<128x128xf32, #tpu.memory_space<vmem>>) target(%dma_start3A_286 : memref<10240x128xf32, #tpu.memory_space<vmem_shared>>) offsets(%dma_start3A_283 : memref<128xi32, #tpu.memory_space<vmem>>) semaphore(%run_scoped3A_280 : memref<!tpu.dma_semaphore, #tpu.memory_space<semaphore_mem>>) {add = true}
        %dma_wait3A_287 = arith.constant 0 : i32
        %dma_wait3A_288 = tpu.memref_slice %arg8[%run_scoped3A_248, %dma_wait3A_287] : memref<2x128xi32, #tpu.memory_space<vmem>> -> memref<1x128xi32, #tpu.memory_space<vmem>>
        %dma_wait3A_289 = tpu.memref_squeeze %dma_wait3A_288 : memref<1x128xi32, #tpu.memory_space<vmem>> -> memref<128xi32, #tpu.memory_space<vmem>>
        %dma_wait3A_290 = arith.constant 0 : i32
        %dma_wait3A_291 = arith.constant 0 : i32
        %dma_wait3A_292 = tpu.memref_slice %arg6[%dma_wait3A_290, %dma_wait3A_291] : memref<10240x128xf32, #tpu.memory_space<vmem_shared>> -> memref<10240x128xf32, #tpu.memory_space<vmem_shared>>
        tpu.wait_indirect_dma semaphore(%run_scoped3A_280 : memref<!tpu.dma_semaphore, #tpu.memory_space<semaphore_mem>>) src(%arg10 : memref<128x128xf32, #tpu.memory_space<vmem>>) dst(%dma_wait3A_292 : memref<10240x128xf32, #tpu.memory_space<vmem_shared>>)
        tpu.yield
      }) : () -> ()
      %add3A_249 = arith.constant 2 : i32
      %add3A_250 = arith.addi %add3A_220, %add3A_249 : i32
      %dma_start3A_251 = arith.constant 0 : i32
      %dma_start3A_252 = tpu.memref_slice %arg7[%add3A_250, %dma_start3A_251] : memref<80x128xi32, #tpu.memory_space<vmem>> -> memref<1x128xi32, #tpu.memory_space<vmem>>
      %dma_start3A_253 = tpu.memref_squeeze %dma_start3A_252 : memref<1x128xi32, #tpu.memory_space<vmem>> -> memref<128xi32, #tpu.memory_space<vmem>>
      %dma_start3A_254 = arith.constant 0 : i32
      %dma_start3A_255 = arith.constant 0 : i32
      %dma_start3A_256 = tpu.memref_slice %arg2[%dma_start3A_254, %dma_start3A_255] : memref<10240x128xf32, #tpu.memory_space<hbm>> -> memref<10240x128xf32, #tpu.memory_space<hbm>>
      tpu.enqueue_indirect_dma source(%dma_start3A_256 : memref<10240x128xf32, #tpu.memory_space<hbm>>) target(%arg10 : memref<128x128xf32, #tpu.memory_space<vmem>>) offsets(%dma_start3A_253 : memref<128xi32, #tpu.memory_space<vmem>>) semaphore(%arg12 : memref<!tpu.dma_semaphore, #tpu.memory_space<semaphore_mem>>)
      %add3A_257 = arith.constant 2 : i32
      %add3A_258 = arith.addi %add3A_220, %add3A_257 : i32
      %dma_start3A_259 = arith.constant 1 : i32
      %dma_start3A_260 = arith.constant 0 : i32
      %dma_start3A_261 = tpu.memref_slice %arg8[%dma_start3A_259, %dma_start3A_260] : memref<2x128xi32, #tpu.memory_space<vmem>> -> memref<1x128xi32, #tpu.memory_space<vmem>>
      %dma_start3A_262 = tpu.memref_squeeze %dma_start3A_261 : memref<1x128xi32, #tpu.memory_space<vmem>> -> memref<128xi32, #tpu.memory_space<vmem>>
      %dma_start3A_263 = arith.constant 0 : i32
      %dma_start3A_264 = arith.constant 0 : i32
      %dma_start3A_265 = tpu.memref_slice %arg4[%add3A_26, %dma_start3A_263, %dma_start3A_264] : memref<32x80x128xi32, #tpu.memory_space<hbm>> -> memref<1x80x128xi32, #tpu.memory_space<hbm>>
      %dma_start3A_266 = tpu.memref_squeeze %dma_start3A_265 : memref<1x80x128xi32, #tpu.memory_space<hbm>> -> memref<80x128xi32, #tpu.memory_space<hbm>>
      %dma_start3A_267 = arith.constant 0 : i32
      %dma_start3A_268 = tpu.memref_slice %dma_start3A_266[%add3A_258, %dma_start3A_267] : memref<80x128xi32, #tpu.memory_space<hbm>> -> memref<1x128xi32, #tpu.memory_space<hbm>>
      %dma_start3A_269 = tpu.memref_squeeze %dma_start3A_268 : memref<1x128xi32, #tpu.memory_space<hbm>> -> memref<128xi32, #tpu.memory_space<hbm>>
      %dma_start3A_270 = arith.constant 0 : i32
      %dma_start3A_271 = tpu.memref_slice %arg8[%dma_start3A_259, %dma_start3A_270] : memref<2x128xi32, #tpu.memory_space<vmem>> -> memref<1x128xi32, #tpu.memory_space<vmem>>
      %dma_start3A_272 = tpu.memref_squeeze %dma_start3A_271 : memref<1x128xi32, #tpu.memory_space<vmem>> -> memref<128xi32, #tpu.memory_space<vmem>>
      %dma_start3A_273 = arith.constant 0 : i32
      %dma_start3A_274 = arith.constant 0 : i32
      %dma_start3A_275 = tpu.memref_slice %arg4[%add3A_26, %dma_start3A_273, %dma_start3A_274] : memref<32x80x128xi32, #tpu.memory_space<hbm>> -> memref<1x80x128xi32, #tpu.memory_space<hbm>>
      %dma_start3A_276 = tpu.memref_squeeze %dma_start3A_275 : memref<1x80x128xi32, #tpu.memory_space<hbm>> -> memref<80x128xi32, #tpu.memory_space<hbm>>
      %dma_start3A_277 = arith.constant 0 : i32
      %dma_start3A_278 = tpu.memref_slice %dma_start3A_276[%add3A_258, %dma_start3A_277] : memref<80x128xi32, #tpu.memory_space<hbm>> -> memref<1x128xi32, #tpu.memory_space<hbm>>
      %dma_start3A_279 = tpu.memref_squeeze %dma_start3A_278 : memref<1x128xi32, #tpu.memory_space<hbm>> -> memref<128xi32, #tpu.memory_space<hbm>>
      tpu.enqueue_dma source(%dma_start3A_279 : memref<128xi32, #tpu.memory_space<hbm>>) target(%dma_start3A_272 : memref<128xi32, #tpu.memory_space<vmem>>) target_semaphore(%arg12 : memref<!tpu.dma_semaphore, #tpu.memory_space<semaphore_mem>>)
    }
    %scan3A_89 = arith.constant 39 : i32
    %dma_wait3A = arith.constant 78 : i32
    %dma_wait3A_90 = arith.constant 0 : i32
    %dma_wait3A_91 = tpu.memref_slice %arg7[%dma_wait3A, %dma_wait3A_90] : memref<80x128xi32, #tpu.memory_space<vmem>> -> memref<1x128xi32, #tpu.memory_space<vmem>>
    %dma_wait3A_92 = tpu.memref_squeeze %dma_wait3A_91 : memref<1x128xi32, #tpu.memory_space<vmem>> -> memref<128xi32, #tpu.memory_space<vmem>>
    %dma_wait3A_93 = arith.constant 0 : i32
    %dma_wait3A_94 = arith.constant 0 : i32
    %dma_wait3A_95 = tpu.memref_slice %arg2[%dma_wait3A_93, %dma_wait3A_94] : memref<10240x128xf32, #tpu.memory_space<hbm>> -> memref<10240x128xf32, #tpu.memory_space<hbm>>
    tpu.wait_indirect_dma semaphore(%arg11 : memref<!tpu.dma_semaphore, #tpu.memory_space<semaphore_mem>>) src(%dma_wait3A_95 : memref<10240x128xf32, #tpu.memory_space<hbm>>) dst(%arg9 : memref<128x128xf32, #tpu.memory_space<vmem>>)
    %dma_wait3A_96 = arith.constant 78 : i32
    %dma_wait3A_97 = arith.constant 0 : i32
    %dma_wait3A_98 = arith.constant 0 : i32
    %dma_wait3A_99 = tpu.memref_slice %arg8[%dma_wait3A_97, %dma_wait3A_98] : memref<2x128xi32, #tpu.memory_space<vmem>> -> memref<1x128xi32, #tpu.memory_space<vmem>>
    %dma_wait3A_100 = tpu.memref_squeeze %dma_wait3A_99 : memref<1x128xi32, #tpu.memory_space<vmem>> -> memref<128xi32, #tpu.memory_space<vmem>>
    %dma_wait3A_101 = arith.constant 0 : i32
    %dma_wait3A_102 = arith.constant 0 : i32
    %dma_wait3A_103 = tpu.memref_slice %arg4[%add3A_26, %dma_wait3A_101, %dma_wait3A_102] : memref<32x80x128xi32, #tpu.memory_space<hbm>> -> memref<1x80x128xi32, #tpu.memory_space<hbm>>
    %dma_wait3A_104 = tpu.memref_squeeze %dma_wait3A_103 : memref<1x80x128xi32, #tpu.memory_space<hbm>> -> memref<80x128xi32, #tpu.memory_space<hbm>>
    %dma_wait3A_105 = arith.constant 0 : i32
    %dma_wait3A_106 = tpu.memref_slice %dma_wait3A_104[%dma_wait3A_96, %dma_wait3A_105] : memref<80x128xi32, #tpu.memory_space<hbm>> -> memref<1x128xi32, #tpu.memory_space<hbm>>
    %dma_wait3A_107 = tpu.memref_squeeze %dma_wait3A_106 : memref<1x128xi32, #tpu.memory_space<hbm>> -> memref<128xi32, #tpu.memory_space<hbm>>
    %dma_wait3A_108 = arith.constant 0 : i32
    %dma_wait3A_109 = tpu.memref_slice %arg8[%dma_wait3A_97, %dma_wait3A_108] : memref<2x128xi32, #tpu.memory_space<vmem>> -> memref<1x128xi32, #tpu.memory_space<vmem>>
    %dma_wait3A_110 = tpu.memref_squeeze %dma_wait3A_109 : memref<1x128xi32, #tpu.memory_space<vmem>> -> memref<128xi32, #tpu.memory_space<vmem>>
    %dma_wait3A_111 = arith.constant 0 : i32
    %dma_wait3A_112 = arith.constant 0 : i32
    %dma_wait3A_113 = tpu.memref_slice %arg4[%add3A_26, %dma_wait3A_111, %dma_wait3A_112] : memref<32x80x128xi32, #tpu.memory_space<hbm>> -> memref<1x80x128xi32, #tpu.memory_space<hbm>>
    %dma_wait3A_114 = tpu.memref_squeeze %dma_wait3A_113 : memref<1x80x128xi32, #tpu.memory_space<hbm>> -> memref<80x128xi32, #tpu.memory_space<hbm>>
    %dma_wait3A_115 = arith.constant 0 : i32
    %dma_wait3A_116 = tpu.memref_slice %dma_wait3A_114[%dma_wait3A_96, %dma_wait3A_115] : memref<80x128xi32, #tpu.memory_space<hbm>> -> memref<1x128xi32, #tpu.memory_space<hbm>>
    %dma_wait3A_117 = tpu.memref_squeeze %dma_wait3A_116 : memref<1x128xi32, #tpu.memory_space<hbm>> -> memref<128xi32, #tpu.memory_space<hbm>>
    tpu.wait_dma2 semaphore(%arg11 : memref<!tpu.dma_semaphore, #tpu.memory_space<semaphore_mem>>) src(%dma_wait3A_117 : memref<128xi32, #tpu.memory_space<hbm>>) dst(%dma_wait3A_110 : memref<128xi32, #tpu.memory_space<vmem>>)
    %run_scoped3A = arith.constant 0 : i32
    "tpu.region"() ({
      %run_scoped3A_153 = tpu.sem_alloc : memref<!tpu.dma_semaphore, #tpu.memory_space<semaphore_mem>>
      %dma_start3A_154 = arith.constant 0 : i32
      %dma_start3A_155 = tpu.memref_slice %arg8[%run_scoped3A, %dma_start3A_154] : memref<2x128xi32, #tpu.memory_space<vmem>> -> memref<1x128xi32, #tpu.memory_space<vmem>>
      %dma_start3A_156 = tpu.memref_squeeze %dma_start3A_155 : memref<1x128xi32, #tpu.memory_space<vmem>> -> memref<128xi32, #tpu.memory_space<vmem>>
      %dma_start3A_157 = arith.constant 0 : i32
      %dma_start3A_158 = arith.constant 0 : i32
      %dma_start3A_159 = tpu.memref_slice %arg6[%dma_start3A_157, %dma_start3A_158] : memref<10240x128xf32, #tpu.memory_space<vmem_shared>> -> memref<10240x128xf32, #tpu.memory_space<vmem_shared>>
      tpu.enqueue_indirect_dma source(%arg9 : memref<128x128xf32, #tpu.memory_space<vmem>>) target(%dma_start3A_159 : memref<10240x128xf32, #tpu.memory_space<vmem_shared>>) offsets(%dma_start3A_156 : memref<128xi32, #tpu.memory_space<vmem>>) semaphore(%run_scoped3A_153 : memref<!tpu.dma_semaphore, #tpu.memory_space<semaphore_mem>>) {add = true}
      %dma_wait3A_160 = arith.constant 0 : i32
      %dma_wait3A_161 = tpu.memref_slice %arg8[%run_scoped3A, %dma_wait3A_160] : memref<2x128xi32, #tpu.memory_space<vmem>> -> memref<1x128xi32, #tpu.memory_space<vmem>>
      %dma_wait3A_162 = tpu.memref_squeeze %dma_wait3A_161 : memref<1x128xi32, #tpu.memory_space<vmem>> -> memref<128xi32, #tpu.memory_space<vmem>>
      %dma_wait3A_163 = arith.constant 0 : i32
      %dma_wait3A_164 = arith.constant 0 : i32
      %dma_wait3A_165 = tpu.memref_slice %arg6[%dma_wait3A_163, %dma_wait3A_164] : memref<10240x128xf32, #tpu.memory_space<vmem_shared>> -> memref<10240x128xf32, #tpu.memory_space<vmem_shared>>
      tpu.wait_indirect_dma semaphore(%run_scoped3A_153 : memref<!tpu.dma_semaphore, #tpu.memory_space<semaphore_mem>>) src(%arg9 : memref<128x128xf32, #tpu.memory_space<vmem>>) dst(%dma_wait3A_165 : memref<10240x128xf32, #tpu.memory_space<vmem_shared>>)
      tpu.yield
    }) : () -> ()
    %dma_wait3A_118 = arith.constant 79 : i32
    %dma_wait3A_119 = arith.constant 0 : i32
    %dma_wait3A_120 = tpu.memref_slice %arg7[%dma_wait3A_118, %dma_wait3A_119] : memref<80x128xi32, #tpu.memory_space<vmem>> -> memref<1x128xi32, #tpu.memory_space<vmem>>
    %dma_wait3A_121 = tpu.memref_squeeze %dma_wait3A_120 : memref<1x128xi32, #tpu.memory_space<vmem>> -> memref<128xi32, #tpu.memory_space<vmem>>
    %dma_wait3A_122 = arith.constant 0 : i32
    %dma_wait3A_123 = arith.constant 0 : i32
    %dma_wait3A_124 = tpu.memref_slice %arg2[%dma_wait3A_122, %dma_wait3A_123] : memref<10240x128xf32, #tpu.memory_space<hbm>> -> memref<10240x128xf32, #tpu.memory_space<hbm>>
    tpu.wait_indirect_dma semaphore(%arg12 : memref<!tpu.dma_semaphore, #tpu.memory_space<semaphore_mem>>) src(%dma_wait3A_124 : memref<10240x128xf32, #tpu.memory_space<hbm>>) dst(%arg10 : memref<128x128xf32, #tpu.memory_space<vmem>>)
    %dma_wait3A_125 = arith.constant 79 : i32
    %dma_wait3A_126 = arith.constant 1 : i32
    %dma_wait3A_127 = arith.constant 0 : i32
    %dma_wait3A_128 = tpu.memref_slice %arg8[%dma_wait3A_126, %dma_wait3A_127] : memref<2x128xi32, #tpu.memory_space<vmem>> -> memref<1x128xi32, #tpu.memory_space<vmem>>
    %dma_wait3A_129 = tpu.memref_squeeze %dma_wait3A_128 : memref<1x128xi32, #tpu.memory_space<vmem>> -> memref<128xi32, #tpu.memory_space<vmem>>
    %dma_wait3A_130 = arith.constant 0 : i32
    %dma_wait3A_131 = arith.constant 0 : i32
    %dma_wait3A_132 = tpu.memref_slice %arg4[%add3A_26, %dma_wait3A_130, %dma_wait3A_131] : memref<32x80x128xi32, #tpu.memory_space<hbm>> -> memref<1x80x128xi32, #tpu.memory_space<hbm>>
    %dma_wait3A_133 = tpu.memref_squeeze %dma_wait3A_132 : memref<1x80x128xi32, #tpu.memory_space<hbm>> -> memref<80x128xi32, #tpu.memory_space<hbm>>
    %dma_wait3A_134 = arith.constant 0 : i32
    %dma_wait3A_135 = tpu.memref_slice %dma_wait3A_133[%dma_wait3A_125, %dma_wait3A_134] : memref<80x128xi32, #tpu.memory_space<hbm>> -> memref<1x128xi32, #tpu.memory_space<hbm>>
    %dma_wait3A_136 = tpu.memref_squeeze %dma_wait3A_135 : memref<1x128xi32, #tpu.memory_space<hbm>> -> memref<128xi32, #tpu.memory_space<hbm>>
    %dma_wait3A_137 = arith.constant 0 : i32
    %dma_wait3A_138 = tpu.memref_slice %arg8[%dma_wait3A_126, %dma_wait3A_137] : memref<2x128xi32, #tpu.memory_space<vmem>> -> memref<1x128xi32, #tpu.memory_space<vmem>>
    %dma_wait3A_139 = tpu.memref_squeeze %dma_wait3A_138 : memref<1x128xi32, #tpu.memory_space<vmem>> -> memref<128xi32, #tpu.memory_space<vmem>>
    %dma_wait3A_140 = arith.constant 0 : i32
    %dma_wait3A_141 = arith.constant 0 : i32
    %dma_wait3A_142 = tpu.memref_slice %arg4[%add3A_26, %dma_wait3A_140, %dma_wait3A_141] : memref<32x80x128xi32, #tpu.memory_space<hbm>> -> memref<1x80x128xi32, #tpu.memory_space<hbm>>
    %dma_wait3A_143 = tpu.memref_squeeze %dma_wait3A_142 : memref<1x80x128xi32, #tpu.memory_space<hbm>> -> memref<80x128xi32, #tpu.memory_space<hbm>>
    %dma_wait3A_144 = arith.constant 0 : i32
    %dma_wait3A_145 = tpu.memref_slice %dma_wait3A_143[%dma_wait3A_125, %dma_wait3A_144] : memref<80x128xi32, #tpu.memory_space<hbm>> -> memref<1x128xi32, #tpu.memory_space<hbm>>
    %dma_wait3A_146 = tpu.memref_squeeze %dma_wait3A_145 : memref<1x128xi32, #tpu.memory_space<hbm>> -> memref<128xi32, #tpu.memory_space<hbm>>
    tpu.wait_dma2 semaphore(%arg12 : memref<!tpu.dma_semaphore, #tpu.memory_space<semaphore_mem>>) src(%dma_wait3A_146 : memref<128xi32, #tpu.memory_space<hbm>>) dst(%dma_wait3A_139 : memref<128xi32, #tpu.memory_space<vmem>>)
    %run_scoped3A_147 = arith.constant 1 : i32
    "tpu.region"() ({
      %run_scoped3A_153 = tpu.sem_alloc : memref<!tpu.dma_semaphore, #tpu.memory_space<semaphore_mem>>
      %dma_start3A_154 = arith.constant 0 : i32
      %dma_start3A_155 = tpu.memref_slice %arg8[%run_scoped3A_147, %dma_start3A_154] : memref<2x128xi32, #tpu.memory_space<vmem>> -> memref<1x128xi32, #tpu.memory_space<vmem>>
      %dma_start3A_156 = tpu.memref_squeeze %dma_start3A_155 : memref<1x128xi32, #tpu.memory_space<vmem>> -> memref<128xi32, #tpu.memory_space<vmem>>
      %dma_start3A_157 = arith.constant 0 : i32
      %dma_start3A_158 = arith.constant 0 : i32
      %dma_start3A_159 = tpu.memref_slice %arg6[%dma_start3A_157, %dma_start3A_158] : memref<10240x128xf32, #tpu.memory_space<vmem_shared>> -> memref<10240x128xf32, #tpu.memory_space<vmem_shared>>
      tpu.enqueue_indirect_dma source(%arg10 : memref<128x128xf32, #tpu.memory_space<vmem>>) target(%dma_start3A_159 : memref<10240x128xf32, #tpu.memory_space<vmem_shared>>) offsets(%dma_start3A_156 : memref<128xi32, #tpu.memory_space<vmem>>) semaphore(%run_scoped3A_153 : memref<!tpu.dma_semaphore, #tpu.memory_space<semaphore_mem>>) {add = true}
      %dma_wait3A_160 = arith.constant 0 : i32
      %dma_wait3A_161 = tpu.memref_slice %arg8[%run_scoped3A_147, %dma_wait3A_160] : memref<2x128xi32, #tpu.memory_space<vmem>> -> memref<1x128xi32, #tpu.memory_space<vmem>>
      %dma_wait3A_162 = tpu.memref_squeeze %dma_wait3A_161 : memref<1x128xi32, #tpu.memory_space<vmem>> -> memref<128xi32, #tpu.memory_space<vmem>>
      %dma_wait3A_163 = arith.constant 0 : i32
      %dma_wait3A_164 = arith.constant 0 : i32
      %dma_wait3A_165 = tpu.memref_slice %arg6[%dma_wait3A_163, %dma_wait3A_164] : memref<10240x128xf32, #tpu.memory_space<vmem_shared>> -> memref<10240x128xf32, #tpu.memory_space<vmem_shared>>
      tpu.wait_indirect_dma semaphore(%run_scoped3A_153 : memref<!tpu.dma_semaphore, #tpu.memory_space<semaphore_mem>>) src(%arg10 : memref<128x128xf32, #tpu.memory_space<vmem>>) dst(%dma_wait3A_165 : memref<10240x128xf32, #tpu.memory_space<vmem_shared>>)
      tpu.yield
    }) : () -> ()
    %barrier3A_148 = arith.constant 0 : index
    tpu.barrier barrier_id(%barrier3A_148)
    %mul3A_149 = arith.constant 640 : i32
    %mul3A_150 = arith.muli %arg1, %mul3A_149 : i32
    %mul3A_151 = arith.constant 640 : i32
    %mul3A_152 = arith.muli %arg1, %mul3A_151 : i32
    "tpu.region"() ({
      %run_scoped3A_153 = tpu.sem_alloc : memref<!tpu.dma_semaphore, #tpu.memory_space<semaphore_mem>>
      %dma_start3A_154 = arith.constant 0 : i32
      %dma_start3A_155 = tpu.memref_slice %arg5[%arg0, %mul3A_152, %dma_start3A_154] : memref<2x10240x128xf32, #tpu.memory_space<hbm>> -> memref<1x640x128xf32, #tpu.memory_space<hbm>>
      %dma_start3A_156 = tpu.memref_squeeze %dma_start3A_155 : memref<1x640x128xf32, #tpu.memory_space<hbm>> -> memref<640x128xf32, #tpu.memory_space<hbm>>
      %dma_start3A_157 = arith.constant 0 : i32
      %dma_start3A_158 = tpu.memref_slice %arg6[%mul3A_150, %dma_start3A_157] : memref<10240x128xf32, #tpu.memory_space<vmem_shared>> -> memref<640x128xf32, #tpu.memory_space<vmem_shared>>
      tpu.enqueue_dma source(%dma_start3A_158 : memref<640x128xf32, #tpu.memory_space<vmem_shared>>) target(%dma_start3A_156 : memref<640x128xf32, #tpu.memory_space<hbm>>) target_semaphore(%run_scoped3A_153 : memref<!tpu.dma_semaphore, #tpu.memory_space<semaphore_mem>>)
      %dma_wait3A_159 = arith.constant 0 : i32
      %dma_wait3A_160 = tpu.memref_slice %arg5[%arg0, %mul3A_152, %dma_wait3A_159] : memref<2x10240x128xf32, #tpu.memory_space<hbm>> -> memref<1x640x128xf32, #tpu.memory_space<hbm>>
      %dma_wait3A_161 = tpu.memref_squeeze %dma_wait3A_160 : memref<1x640x128xf32, #tpu.memory_space<hbm>> -> memref<640x128xf32, #tpu.memory_space<hbm>>
      %dma_wait3A_162 = arith.constant 0 : i32
      %dma_wait3A_163 = tpu.memref_slice %arg6[%mul3A_150, %dma_wait3A_162] : memref<10240x128xf32, #tpu.memory_space<vmem_shared>> -> memref<640x128xf32, #tpu.memory_space<vmem_shared>>
      tpu.wait_dma2 semaphore(%run_scoped3A_153 : memref<!tpu.dma_semaphore, #tpu.memory_space<semaphore_mem>>) src(%dma_wait3A_163 : memref<640x128xf32, #tpu.memory_space<vmem_shared>>) dst(%dma_wait3A_161 : memref<640x128xf32, #tpu.memory_space<hbm>>)
      tpu.yield
    }) : () -> ()
    return
  }
}

#map = affine_map<(d0, d1) -> (0, 0)>
#map1 = affine_map<(d0, d1) -> (0, 0, 0)>
module attributes {stable_mosaic.version = 14 : i64} {
  func.func @body(%arg0: i32, %arg1: i32, %arg2: memref<10240x128xf32, #tpu.memory_space<hbm>>, %arg3: memref<32x80x128xi32, #tpu.memory_space<hbm>>, %arg4: memref<32x80x128xi32, #tpu.memory_space<hbm>>, %arg5: memref<2x10240x128xf32, #tpu.memory_space<hbm>>, %arg6: memref<10240x128xf32, #tpu.memory_space<vmem_shared>>, %arg7: memref<80x128xi32, #tpu.memory_space<vmem>>, %arg8: memref<2x128xi32, #tpu.memory_space<vmem>>, %arg9: memref<128x128xf32, #tpu.memory_space<vmem>>, %arg10: memref<128x128xf32, #tpu.memory_space<vmem>>, %arg11: memref<!tpu.dma_semaphore, #tpu.memory_space<semaphore_mem>>, %arg12: memref<!tpu.dma_semaphore, #tpu.memory_space<semaphore_mem>>) attributes {dimension_semantics = [#tpu.dimension_semantics<core_parallel>, #tpu.dimension_semantics<subcore_parallel>], iteration_bounds = array<i64: 2, 16>, scalar_prefetch = 0 : i64, scratch_operands = 7 : i64, tpu.core_type = #tpu.core_type<sc_vector_subcore>, window_params = [{transform_indices = #map}, {transform_indices = #map1}, {transform_indices = #map1}, {transform_indices = #map1}]} {
    %broadcast_in_dim3A = arith.constant 0.000000e+00 : f32
    %broadcast_in_dim3A_0 = vector.broadcast %broadcast_in_dim3A : f32 to vector<16xf32>
    %scan3A = arith.constant 0 : i32
    %scan3A_1 = arith.constant 0 : i32
    %scan3A_2 = arith.constant 128 : i32
    %scan3A_3 = arith.addi %scan3A_1, %scan3A_2 : i32
    %scan3A_4 = arith.constant 1 : i32
    scf.for %scan3A_153 = %scan3A_1 to %scan3A_3 step %scan3A_4  : i32 {
      %swap3A = arith.index_cast %scan3A_153 : i32 to index
      %swap3A_154 = arith.constant 0 : index
      %swap3A_155 = tpu.vector_load %arg9[%swap3A, %swap3A_154] {strides = array<i32>} : memref<128x128xf32, #tpu.memory_space<vmem>>, vector<1x16xf32>,
      %swap3A_156 = vector.shape_cast %swap3A_155 : vector<1x16xf32> to vector<16xf32>
      %swap3A_157 = vector.shape_cast %broadcast_in_dim3A_0 : vector<16xf32> to vector<1x16xf32>
      tpu.vector_store %arg9[%swap3A, %swap3A_154], %swap3A_157 {strides = array<i32>} : memref<128x128xf32, #tpu.memory_space<vmem>>, vector<1x16xf32>,
      %swap3A_158 = arith.index_cast %scan3A_153 : i32 to index
      %swap3A_159 = arith.constant 16 : index
      %swap3A_160 = tpu.vector_load %arg9[%swap3A_158, %swap3A_159] {strides = array<i32>} : memref<128x128xf32, #tpu.memory_space<vmem>>, vector<1x16xf32>,
      %swap3A_161 = vector.shape_cast %swap3A_160 : vector<1x16xf32> to vector<16xf32>
      %swap3A_162 = vector.shape_cast %broadcast_in_dim3A_0 : vector<16xf32> to vector<1x16xf32>
      tpu.vector_store %arg9[%swap3A_158, %swap3A_159], %swap3A_162 {strides = array<i32>} : memref<128x128xf32, #tpu.memory_space<vmem>>, vector<1x16xf32>,
      %swap3A_163 = arith.index_cast %scan3A_153 : i32 to index
      %swap3A_164 = arith.constant 32 : index
      %swap3A_165 = tpu.vector_load %arg9[%swap3A_163, %swap3A_164] {strides = array<i32>} : memref<128x128xf32, #tpu.memory_space<vmem>>, vector<1x16xf32>,
      %swap3A_166 = vector.shape_cast %swap3A_165 : vector<1x16xf32> to vector<16xf32>
      %swap3A_167 = vector.shape_cast %broadcast_in_dim3A_0 : vector<16xf32> to vector<1x16xf32>
      tpu.vector_store %arg9[%swap3A_163, %swap3A_164], %swap3A_167 {strides = array<i32>} : memref<128x128xf32, #tpu.memory_space<vmem>>, vector<1x16xf32>,
      %swap3A_168 = arith.index_cast %scan3A_153 : i32 to index
      %swap3A_169 = arith.constant 48 : index
      %swap3A_170 = tpu.vector_load %arg9[%swap3A_168, %swap3A_169] {strides = array<i32>} : memref<128x128xf32, #tpu.memory_space<vmem>>, vector<1x16xf32>,
      %swap3A_171 = vector.shape_cast %swap3A_170 : vector<1x16xf32> to vector<16xf32>
      %swap3A_172 = vector.shape_cast %broadcast_in_dim3A_0 : vector<16xf32> to vector<1x16xf32>
      tpu.vector_store %arg9[%swap3A_168, %swap3A_169], %swap3A_172 {strides = array<i32>} : memref<128x128xf32, #tpu.memory_space<vmem>>, vector<1x16xf32>,
      %swap3A_173 = arith.index_cast %scan3A_153 : i32 to index
      %swap3A_174 = arith.constant 64 : index
      %swap3A_175 = tpu.vector_load %arg9[%swap3A_173, %swap3A_174] {strides = array<i32>} : memref<128x128xf32, #tpu.memory_space<vmem>>, vector<1x16xf32>,
      %swap3A_176 = vector.shape_cast %swap3A_175 : vector<1x16xf32> to vector<16xf32>
      %swap3A_177 = vector.shape_cast %broadcast_in_dim3A_0 : vector<16xf32> to vector<1x16xf32>
      tpu.vector_store %arg9[%swap3A_173, %swap3A_174], %swap3A_177 {strides = array<i32>} : memref<128x128xf32, #tpu.memory_space<vmem>>, vector<1x16xf32>,
      %swap3A_178 = arith.index_cast %scan3A_153 : i32 to index
      %swap3A_179 = arith.constant 80 : index
      %swap3A_180 = tpu.vector_load %arg9[%swap3A_178, %swap3A_179] {strides = array<i32>} : memref<128x128xf32, #tpu.memory_space<vmem>>, vector<1x16xf32>,
      %swap3A_181 = vector.shape_cast %swap3A_180 : vector<1x16xf32> to vector<16xf32>
      %swap3A_182 = vector.shape_cast %broadcast_in_dim3A_0 : vector<16xf32> to vector<1x16xf32>
      tpu.vector_store %arg9[%swap3A_178, %swap3A_179], %swap3A_182 {strides = array<i32>} : memref<128x128xf32, #tpu.memory_space<vmem>>, vector<1x16xf32>,
      %swap3A_183 = arith.index_cast %scan3A_153 : i32 to index
      %swap3A_184 = arith.constant 96 : index
      %swap3A_185 = tpu.vector_load %arg9[%swap3A_183, %swap3A_184] {strides = array<i32>} : memref<128x128xf32, #tpu.memory_space<vmem>>, vector<1x16xf32>,
      %swap3A_186 = vector.shape_cast %swap3A_185 : vector<1x16xf32> to vector<16xf32>
      %swap3A_187 = vector.shape_cast %broadcast_in_dim3A_0 : vector<16xf32> to vector<1x16xf32>
      tpu.vector_store %arg9[%swap3A_183, %swap3A_184], %swap3A_187 {strides = array<i32>} : memref<128x128xf32, #tpu.memory_space<vmem>>, vector<1x16xf32>,
      %swap3A_188 = arith.index_cast %scan3A_153 : i32 to index
      %swap3A_189 = arith.constant 112 : index
      %swap3A_190 = tpu.vector_load %arg9[%swap3A_188, %swap3A_189] {strides = array<i32>} : memref<128x128xf32, #tpu.memory_space<vmem>>, vector<1x16xf32>,
      %swap3A_191 = vector.shape_cast %swap3A_190 : vector<1x16xf32> to vector<16xf32>
      %swap3A_192 = vector.shape_cast %broadcast_in_dim3A_0 : vector<16xf32> to vector<1x16xf32>
      tpu.vector_store %arg9[%swap3A_188, %swap3A_189], %swap3A_192 {strides = array<i32>} : memref<128x128xf32, #tpu.memory_space<vmem>>, vector<1x16xf32>,
    }
    %scan3A_5 = arith.constant 128 : i32
    %mul3A = arith.constant 640 : i32
    %mul3A_6 = arith.muli %arg1, %mul3A : i32
    %add3A = arith.constant 0 : i32
    %add3A_7 = arith.addi %mul3A_6, %add3A : i32
    "tpu.region"() ({
      %run_scoped3A_153 = tpu.sem_alloc : memref<!tpu.dma_semaphore, #tpu.memory_space<semaphore_mem>>
      %dma_start3A_154 = arith.constant 0 : i32
      %dma_start3A_155 = tpu.memref_slice %arg6[%add3A_7, %dma_start3A_154] : memref<10240x128xf32, #tpu.memory_space<vmem_shared>> -> memref<128x128xf32, #tpu.memory_space<vmem_shared>>
      %dma_start3A_156 = arith.constant 0 : i32
      %dma_start3A_157 = tpu.memref_slice %arg6[%add3A_7, %dma_start3A_156] : memref<10240x128xf32, #tpu.memory_space<vmem_shared>> -> memref<128x128xf32, #tpu.memory_space<vmem_shared>>
      tpu.enqueue_dma source(%arg9 : memref<128x128xf32, #tpu.memory_space<vmem>>) target(%dma_start3A_157 : memref<128x128xf32, #tpu.memory_space<vmem_shared>>) target_semaphore(%run_scoped3A_153 : memref<!tpu.dma_semaphore, #tpu.memory_space<semaphore_mem>>)
      %dma_wait3A_158 = arith.constant 0 : i32
      %dma_wait3A_159 = tpu.memref_slice %arg6[%add3A_7, %dma_wait3A_158] : memref<10240x128xf32, #tpu.memory_space<vmem_shared>> -> memref<128x128xf32, #tpu.memory_space<vmem_shared>>
      %dma_wait3A_160 = arith.constant 0 : i32
      %dma_wait3A_161 = tpu.memref_slice %arg6[%add3A_7, %dma_wait3A_160] : memref<10240x128xf32, #tpu.memory_space<vmem_shared>> -> memref<128x128xf32, #tpu.memory_space<vmem_shared>>
      tpu.wait_dma2 semaphore(%run_scoped3A_153 : memref<!tpu.dma_semaphore, #tpu.memory_space<semaphore_mem>>) src(%arg9 : memref<128x128xf32, #tpu.memory_space<vmem>>) dst(%dma_wait3A_161 : memref<128x128xf32, #tpu.memory_space<vmem_shared>>)
      tpu.yield
    }) : () -> ()
    %mul3A_8 = arith.constant 640 : i32
    %mul3A_9 = arith.muli %arg1, %mul3A_8 : i32
    %add3A_10 = arith.constant 128 : i32
    %add3A_11 = arith.addi %mul3A_9, %add3A_10 : i32
    "tpu.region"() ({
      %run_scoped3A_153 = tpu.sem_alloc : memref<!tpu.dma_semaphore, #tpu.memory_space<semaphore_mem>>
      %dma_start3A_154 = arith.constant 0 : i32
      %dma_start3A_155 = tpu.memref_slice %arg6[%add3A_11, %dma_start3A_154] : memref<10240x128xf32, #tpu.memory_space<vmem_shared>> -> memref<128x128xf32, #tpu.memory_space<vmem_shared>>
      %dma_start3A_156 = arith.constant 0 : i32
      %dma_start3A_157 = tpu.memref_slice %arg6[%add3A_11, %dma_start3A_156] : memref<10240x128xf32, #tpu.memory_space<vmem_shared>> -> memref<128x128xf32, #tpu.memory_space<vmem_shared>>
      tpu.enqueue_dma source(%arg9 : memref<128x128xf32, #tpu.memory_space<vmem>>) target(%dma_start3A_157 : memref<128x128xf32, #tpu.memory_space<vmem_shared>>) target_semaphore(%run_scoped3A_153 : memref<!tpu.dma_semaphore, #tpu.memory_space<semaphore_mem>>)
      %dma_wait3A_158 = arith.constant 0 : i32
      %dma_wait3A_159 = tpu.memref_slice %arg6[%add3A_11, %dma_wait3A_158] : memref<10240x128xf32, #tpu.memory_space<vmem_shared>> -> memref<128x128xf32, #tpu.memory_space<vmem_shared>>
      %dma_wait3A_160 = arith.constant 0 : i32
      %dma_wait3A_161 = tpu.memref_slice %arg6[%add3A_11, %dma_wait3A_160] : memref<10240x128xf32, #tpu.memory_space<vmem_shared>> -> memref<128x128xf32, #tpu.memory_space<vmem_shared>>
      tpu.wait_dma2 semaphore(%run_scoped3A_153 : memref<!tpu.dma_semaphore, #tpu.memory_space<semaphore_mem>>) src(%arg9 : memref<128x128xf32, #tpu.memory_space<vmem>>) dst(%dma_wait3A_161 : memref<128x128xf32, #tpu.memory_space<vmem_shared>>)
      tpu.yield
    }) : () -> ()
    %mul3A_12 = arith.constant 640 : i32
    %mul3A_13 = arith.muli %arg1, %mul3A_12 : i32
    %add3A_14 = arith.constant 256 : i32
    %add3A_15 = arith.addi %mul3A_13, %add3A_14 : i32
    "tpu.region"() ({
      %run_scoped3A_153 = tpu.sem_alloc : memref<!tpu.dma_semaphore, #tpu.memory_space<semaphore_mem>>
      %dma_start3A_154 = arith.constant 0 : i32
      %dma_start3A_155 = tpu.memref_slice %arg6[%add3A_15, %dma_start3A_154] : memref<10240x128xf32, #tpu.memory_space<vmem_shared>> -> memref<128x128xf32, #tpu.memory_space<vmem_shared>>
      %dma_start3A_156 = arith.constant 0 : i32
      %dma_start3A_157 = tpu.memref_slice %arg6[%add3A_15, %dma_start3A_156] : memref<10240x128xf32, #tpu.memory_space<vmem_shared>> -> memref<128x128xf32, #tpu.memory_space<vmem_shared>>
      tpu.enqueue_dma source(%arg9 : memref<128x128xf32, #tpu.memory_space<vmem>>) target(%dma_start3A_157 : memref<128x128xf32, #tpu.memory_space<vmem_shared>>) target_semaphore(%run_scoped3A_153 : memref<!tpu.dma_semaphore, #tpu.memory_space<semaphore_mem>>)
      %dma_wait3A_158 = arith.constant 0 : i32
      %dma_wait3A_159 = tpu.memref_slice %arg6[%add3A_15, %dma_wait3A_158] : memref<10240x128xf32, #tpu.memory_space<vmem_shared>> -> memref<128x128xf32, #tpu.memory_space<vmem_shared>>
      %dma_wait3A_160 = arith.constant 0 : i32
      %dma_wait3A_161 = tpu.memref_slice %arg6[%add3A_15, %dma_wait3A_160] : memref<10240x128xf32, #tpu.memory_space<vmem_shared>> -> memref<128x128xf32, #tpu.memory_space<vmem_shared>>
      tpu.wait_dma2 semaphore(%run_scoped3A_153 : memref<!tpu.dma_semaphore, #tpu.memory_space<semaphore_mem>>) src(%arg9 : memref<128x128xf32, #tpu.memory_space<vmem>>) dst(%dma_wait3A_161 : memref<128x128xf32, #tpu.memory_space<vmem_shared>>)
      tpu.yield
    }) : () -> ()
    %mul3A_16 = arith.constant 640 : i32
    %mul3A_17 = arith.muli %arg1, %mul3A_16 : i32
    %add3A_18 = arith.constant 384 : i32
    %add3A_19 = arith.addi %mul3A_17, %add3A_18 : i32
    "tpu.region"() ({
      %run_scoped3A_153 = tpu.sem_alloc : memref<!tpu.dma_semaphore, #tpu.memory_space<semaphore_mem>>
      %dma_start3A_154 = arith.constant 0 : i32
      %dma_start3A_155 = tpu.memref_slice %arg6[%add3A_19, %dma_start3A_154] : memref<10240x128xf32, #tpu.memory_space<vmem_shared>> -> memref<128x128xf32, #tpu.memory_space<vmem_shared>>
      %dma_start3A_156 = arith.constant 0 : i32
      %dma_start3A_157 = tpu.memref_slice %arg6[%add3A_19, %dma_start3A_156] : memref<10240x128xf32, #tpu.memory_space<vmem_shared>> -> memref<128x128xf32, #tpu.memory_space<vmem_shared>>
      tpu.enqueue_dma source(%arg9 : memref<128x128xf32, #tpu.memory_space<vmem>>) target(%dma_start3A_157 : memref<128x128xf32, #tpu.memory_space<vmem_shared>>) target_semaphore(%run_scoped3A_153 : memref<!tpu.dma_semaphore, #tpu.memory_space<semaphore_mem>>)
      %dma_wait3A_158 = arith.constant 0 : i32
      %dma_wait3A_159 = tpu.memref_slice %arg6[%add3A_19, %dma_wait3A_158] : memref<10240x128xf32, #tpu.memory_space<vmem_shared>> -> memref<128x128xf32, #tpu.memory_space<vmem_shared>>
      %dma_wait3A_160 = arith.constant 0 : i32
      %dma_wait3A_161 = tpu.memref_slice %arg6[%add3A_19, %dma_wait3A_160] : memref<10240x128xf32, #tpu.memory_space<vmem_shared>> -> memref<128x128xf32, #tpu.memory_space<vmem_shared>>
      tpu.wait_dma2 semaphore(%run_scoped3A_153 : memref<!tpu.dma_semaphore, #tpu.memory_space<semaphore_mem>>) src(%arg9 : memref<128x128xf32, #tpu.memory_space<vmem>>) dst(%dma_wait3A_161 : memref<128x128xf32, #tpu.memory_space<vmem_shared>>)
      tpu.yield
    }) : () -> ()
    %mul3A_20 = arith.constant 640 : i32
    %mul3A_21 = arith.muli %arg1, %mul3A_20 : i32
    %add3A_22 = arith.constant 512 : i32
    %add3A_23 = arith.addi %mul3A_21, %add3A_22 : i32
    "tpu.region"() ({
      %run_scoped3A_153 = tpu.sem_alloc : memref<!tpu.dma_semaphore, #tpu.memory_space<semaphore_mem>>
      %dma_start3A_154 = arith.constant 0 : i32
      %dma_start3A_155 = tpu.memref_slice %arg6[%add3A_23, %dma_start3A_154] : memref<10240x128xf32, #tpu.memory_space<vmem_shared>> -> memref<128x128xf32, #tpu.memory_space<vmem_shared>>
      %dma_start3A_156 = arith.constant 0 : i32
      %dma_start3A_157 = tpu.memref_slice %arg6[%add3A_23, %dma_start3A_156] : memref<10240x128xf32, #tpu.memory_space<vmem_shared>> -> memref<128x128xf32, #tpu.memory_space<vmem_shared>>
      tpu.enqueue_dma source(%arg9 : memref<128x128xf32, #tpu.memory_space<vmem>>) target(%dma_start3A_157 : memref<128x128xf32, #tpu.memory_space<vmem_shared>>) target_semaphore(%run_scoped3A_153 : memref<!tpu.dma_semaphore, #tpu.memory_space<semaphore_mem>>)
      %dma_wait3A_158 = arith.constant 0 : i32
      %dma_wait3A_159 = tpu.memref_slice %arg6[%add3A_23, %dma_wait3A_158] : memref<10240x128xf32, #tpu.memory_space<vmem_shared>> -> memref<128x128xf32, #tpu.memory_space<vmem_shared>>
      %dma_wait3A_160 = arith.constant 0 : i32
      %dma_wait3A_161 = tpu.memref_slice %arg6[%add3A_23, %dma_wait3A_160] : memref<10240x128xf32, #tpu.memory_space<vmem_shared>> -> memref<128x128xf32, #tpu.memory_space<vmem_shared>>
      tpu.wait_dma2 semaphore(%run_scoped3A_153 : memref<!tpu.dma_semaphore, #tpu.memory_space<semaphore_mem>>) src(%arg9 : memref<128x128xf32, #tpu.memory_space<vmem>>) dst(%dma_wait3A_161 : memref<128x128xf32, #tpu.memory_space<vmem_shared>>)
      tpu.yield
    }) : () -> ()
    %mul3A_24 = arith.constant 16 : i32
    %mul3A_25 = arith.muli %arg0, %mul3A_24 : i32
    %add3A_26 = arith.addi %mul3A_25, %arg1 : i32
    "tpu.region"() ({
      %run_scoped3A_153 = tpu.sem_alloc : memref<!tpu.dma_semaphore, #tpu.memory_space<semaphore_mem>>
      %dma_start3A_154 = arith.constant 0 : i32
      %dma_start3A_155 = arith.constant 0 : i32
      %dma_start3A_156 = tpu.memref_slice %arg3[%add3A_26, %dma_start3A_154, %dma_start3A_155] : memref<32x80x128xi32, #tpu.memory_space<hbm>> -> memref<1x80x128xi32, #tpu.memory_space<hbm>>
      %dma_start3A_157 = tpu.memref_squeeze %dma_start3A_156 : memref<1x80x128xi32, #tpu.memory_space<hbm>> -> memref<80x128xi32, #tpu.memory_space<hbm>>
      %dma_start3A_158 = arith.constant 0 : i32
      %dma_start3A_159 = arith.constant 0 : i32
      %dma_start3A_160 = tpu.memref_slice %arg3[%add3A_26, %dma_start3A_158, %dma_start3A_159] : memref<32x80x128xi32, #tpu.memory_space<hbm>> -> memref<1x80x128xi32, #tpu.memory_space<hbm>>
      %dma_start3A_161 = tpu.memref_squeeze %dma_start3A_160 : memref<1x80x128xi32, #tpu.memory_space<hbm>> -> memref<80x128xi32, #tpu.memory_space<hbm>>
      tpu.enqueue_dma source(%dma_start3A_161 : memref<80x128xi32, #tpu.memory_space<hbm>>) target(%arg7 : memref<80x128xi32, #tpu.memory_space<vmem>>) target_semaphore(%run_scoped3A_153 : memref<!tpu.dma_semaphore, #tpu.memory_space<semaphore_mem>>)
      %dma_wait3A_162 = arith.constant 0 : i32
      %dma_wait3A_163 = arith.constant 0 : i32
      %dma_wait3A_164 = tpu.memref_slice %arg3[%add3A_26, %dma_wait3A_162, %dma_wait3A_163] : memref<32x80x128xi32, #tpu.memory_space<hbm>> -> memref<1x80x128xi32, #tpu.memory_space<hbm>>
      %dma_wait3A_165 = tpu.memref_squeeze %dma_wait3A_164 : memref<1x80x128xi32, #tpu.memory_space<hbm>> -> memref<80x128xi32, #tpu.memory_space<hbm>>
      %dma_wait3A_166 = arith.constant 0 : i32
      %dma_wait3A_167 = arith.constant 0 : i32
      %dma_wait3A_168 = tpu.memref_slice %arg3[%add3A_26, %dma_wait3A_166, %dma_wait3A_167] : memref<32x80x128xi32, #tpu.memory_space<hbm>> -> memref<1x80x128xi32, #tpu.memory_space<hbm>>
      %dma_wait3A_169 = tpu.memref_squeeze %dma_wait3A_168 : memref<1x80x128xi32, #tpu.memory_space<hbm>> -> memref<80x128xi32, #tpu.memory_space<hbm>>
      tpu.wait_dma2 semaphore(%run_scoped3A_153 : memref<!tpu.dma_semaphore, #tpu.memory_space<semaphore_mem>>) src(%dma_wait3A_169 : memref<80x128xi32, #tpu.memory_space<hbm>>) dst(%arg7 : memref<80x128xi32, #tpu.memory_space<vmem>>)
      tpu.yield
    }) : () -> ()
    %barrier3A = arith.constant 0 : index
    tpu.barrier barrier_id(%barrier3A)
    %dma_start3A = arith.constant 0 : i32
    %dma_start3A_27 = arith.constant 0 : i32
    %dma_start3A_28 = tpu.memref_slice %arg7[%dma_start3A, %dma_start3A_27] : memref<80x128xi32, #tpu.memory_space<vmem>> -> memref<1x128xi32, #tpu.memory_space<vmem>>
    %dma_start3A_29 = tpu.memref_squeeze %dma_start3A_28 : memref<1x128xi32, #tpu.memory_space<vmem>> -> memref<128xi32, #tpu.memory_space<vmem>>
    %dma_start3A_30 = arith.constant 0 : i32
    %dma_start3A_31 = arith.constant 0 : i32
    %dma_start3A_32 = tpu.memref_slice %arg2[%dma_start3A_30, %dma_start3A_31] : memref<10240x128xf32, #tpu.memory_space<hbm>> -> memref<10240x128xf32, #tpu.memory_space<hbm>>
    tpu.enqueue_indirect_dma source(%dma_start3A_32 : memref<10240x128xf32, #tpu.memory_space<hbm>>) target(%arg9 : memref<128x128xf32, #tpu.memory_space<vmem>>) offsets(%dma_start3A_29 : memref<128xi32, #tpu.memory_space<vmem>>) semaphore(%arg11 : memref<!tpu.dma_semaphore, #tpu.memory_space<semaphore_mem>>)
    %dma_start3A_33 = arith.constant 0 : i32
    %dma_start3A_34 = arith.constant 0 : i32
    %dma_start3A_35 = arith.constant 0 : i32
    %dma_start3A_36 = tpu.memref_slice %arg8[%dma_start3A_34, %dma_start3A_35] : memref<2x128xi32, #tpu.memory_space<vmem>> -> memref<1x128xi32, #tpu.memory_space<vmem>>
    %dma_start3A_37 = tpu.memref_squeeze %dma_start3A_36 : memref<1x128xi32, #tpu.memory_space<vmem>> -> memref<128xi32, #tpu.memory_space<vmem>>
    %dma_start3A_38 = arith.constant 0 : i32
    %dma_start3A_39 = arith.constant 0 : i32
    %dma_start3A_40 = tpu.memref_slice %arg4[%add3A_26, %dma_start3A_38, %dma_start3A_39] : memref<32x80x128xi32, #tpu.memory_space<hbm>> -> memref<1x80x128xi32, #tpu.memory_space<hbm>>
    %dma_start3A_41 = tpu.memref_squeeze %dma_start3A_40 : memref<1x80x128xi32, #tpu.memory_space<hbm>> -> memref<80x128xi32, #tpu.memory_space<hbm>>
    %dma_start3A_42 = arith.constant 0 : i32
    %dma_start3A_43 = tpu.memref_slice %dma_start3A_41[%dma_start3A_33, %dma_start3A_42] : memref<80x128xi32, #tpu.memory_space<hbm>> -> memref<1x128xi32, #tpu.memory_space<hbm>>
    %dma_start3A_44 = tpu.memref_squeeze %dma_start3A_43 : memref<1x128xi32, #tpu.memory_space<hbm>> -> memref<128xi32, #tpu.memory_space<hbm>>
    %dma_start3A_45 = arith.constant 0 : i32
    %dma_start3A_46 = tpu.memref_slice %arg8[%dma_start3A_34, %dma_start3A_45] : memref<2x128xi32, #tpu.memory_space<vmem>> -> memref<1x128xi32, #tpu.memory_space<vmem>>
    %dma_start3A_47 = tpu.memref_squeeze %dma_start3A_46 : memref<1x128xi32, #tpu.memory_space<vmem>> -> memref<128xi32, #tpu.memory_space<vmem>>
    %dma_start3A_48 = arith.constant 0 : i32
    %dma_start3A_49 = arith.constant 0 : i32
    %dma_start3A_50 = tpu.memref_slice %arg4[%add3A_26, %dma_start3A_48, %dma_start3A_49] : memref<32x80x128xi32, #tpu.memory_space<hbm>> -> memref<1x80x128xi32, #tpu.memory_space<hbm>>
    %dma_start3A_51 = tpu.memref_squeeze %dma_start3A_50 : memref<1x80x128xi32, #tpu.memory_space<hbm>> -> memref<80x128xi32, #tpu.memory_space<hbm>>
    %dma_start3A_52 = arith.constant 0 : i32
    %dma_start3A_53 = tpu.memref_slice %dma_start3A_51[%dma_start3A_33, %dma_start3A_52] : memref<80x128xi32, #tpu.memory_space<hbm>> -> memref<1x128xi32, #tpu.memory_space<hbm>>
    %dma_start3A_54 = tpu.memref_squeeze %dma_start3A_53 : memref<1x128xi32, #tpu.memory_space<hbm>> -> memref<128xi32, #tpu.memory_space<hbm>>
    tpu.enqueue_dma source(%dma_start3A_54 : memref<128xi32, #tpu.memory_space<hbm>>) target(%dma_start3A_47 : memref<128xi32, #tpu.memory_space<vmem>>) target_semaphore(%arg11 : memref<!tpu.dma_semaphore, #tpu.memory_space<semaphore_mem>>)
    %dma_start3A_55 = arith.constant 1 : i32
    %dma_start3A_56 = arith.constant 0 : i32
    %dma_start3A_57 = tpu.memref_slice %arg7[%dma_start3A_55, %dma_start3A_56] : memref<80x128xi32, #tpu.memory_space<vmem>> -> memref<1x128xi32, #tpu.memory_space<vmem>>
    %dma_start3A_58 = tpu.memref_squeeze %dma_start3A_57 : memref<1x128xi32, #tpu.memory_space<vmem>> -> memref<128xi32, #tpu.memory_space<vmem>>
    %dma_start3A_59 = arith.constant 0 : i32
    %dma_start3A_60 = arith.constant 0 : i32
    %dma_start3A_61 = tpu.memref_slice %arg2[%dma_start3A_59, %dma_start3A_60] : memref<10240x128xf32, #tpu.memory_space<hbm>> -> memref<10240x128xf32, #tpu.memory_space<hbm>>
    tpu.enqueue_indirect_dma source(%dma_start3A_61 : memref<10240x128xf32, #tpu.memory_space<hbm>>) target(%arg10 : memref<128x128xf32, #tpu.memory_space<vmem>>) offsets(%dma_start3A_58 : memref<128xi32, #tpu.memory_space<vmem>>) semaphore(%arg12 : memref<!tpu.dma_semaphore, #tpu.memory_space<semaphore_mem>>)
    %dma_start3A_62 = arith.constant 1 : i32
    %dma_start3A_63 = arith.constant 1 : i32
    %dma_start3A_64 = arith.constant 0 : i32
    %dma_start3A_65 = tpu.memref_slice %arg8[%dma_start3A_63, %dma_start3A_64] : memref<2x128xi32, #tpu.memory_space<vmem>> -> memref<1x128xi32, #tpu.memory_space<vmem>>
    %dma_start3A_66 = tpu.memref_squeeze %dma_start3A_65 : memref<1x128xi32, #tpu.memory_space<vmem>> -> memref<128xi32, #tpu.memory_space<vmem>>
    %dma_start3A_67 = arith.constant 0 : i32
    %dma_start3A_68 = arith.constant 0 : i32
    %dma_start3A_69 = tpu.memref_slice %arg4[%add3A_26, %dma_start3A_67, %dma_start3A_68] : memref<32x80x128xi32, #tpu.memory_space<hbm>> -> memref<1x80x128xi32, #tpu.memory_space<hbm>>
    %dma_start3A_70 = tpu.memref_squeeze %dma_start3A_69 : memref<1x80x128xi32, #tpu.memory_space<hbm>> -> memref<80x128xi32, #tpu.memory_space<hbm>>
    %dma_start3A_71 = arith.constant 0 : i32
    %dma_start3A_72 = tpu.memref_slice %dma_start3A_70[%dma_start3A_62, %dma_start3A_71] : memref<80x128xi32, #tpu.memory_space<hbm>> -> memref<1x128xi32, #tpu.memory_space<hbm>>
    %dma_start3A_73 = tpu.memref_squeeze %dma_start3A_72 : memref<1x128xi32, #tpu.memory_space<hbm>> -> memref<128xi32, #tpu.memory_space<hbm>>
    %dma_start3A_74 = arith.constant 0 : i32
    %dma_start3A_75 = tpu.memref_slice %arg8[%dma_start3A_63, %dma_start3A_74] : memref<2x128xi32, #tpu.memory_space<vmem>> -> memref<1x128xi32, #tpu.memory_space<vmem>>
    %dma_start3A_76 = tpu.memref_squeeze %dma_start3A_75 : memref<1x128xi32, #tpu.memory_space<vmem>> -> memref<128xi32, #tpu.memory_space<vmem>>
    %dma_start3A_77 = arith.constant 0 : i32
    %dma_start3A_78 = arith.constant 0 : i32
    %dma_start3A_79 = tpu.memref_slice %arg4[%add3A_26, %dma_start3A_77, %dma_start3A_78] : memref<32x80x128xi32, #tpu.memory_space<hbm>> -> memref<1x80x128xi32, #tpu.memory_space<hbm>>
    %dma_start3A_80 = tpu.memref_squeeze %dma_start3A_79 : memref<1x80x128xi32, #tpu.memory_space<hbm>> -> memref<80x128xi32, #tpu.memory_space<hbm>>
    %dma_start3A_81 = arith.constant 0 : i32
    %dma_start3A_82 = tpu.memref_slice %dma_start3A_80[%dma_start3A_62, %dma_start3A_81] : memref<80x128xi32, #tpu.memory_space<hbm>> -> memref<1x128xi32, #tpu.memory_space<hbm>>
    %dma_start3A_83 = tpu.memref_squeeze %dma_start3A_82 : memref<1x128xi32, #tpu.memory_space<hbm>> -> memref<128xi32, #tpu.memory_space<hbm>>
    tpu.enqueue_dma source(%dma_start3A_83 : memref<128xi32, #tpu.memory_space<hbm>>) target(%dma_start3A_76 : memref<128xi32, #tpu.memory_space<vmem>>) target_semaphore(%arg12 : memref<!tpu.dma_semaphore, #tpu.memory_space<semaphore_mem>>)
    %scan3A_84 = arith.constant 0 : i32
    %scan3A_85 = arith.constant 0 : i32
    %scan3A_86 = arith.constant 39 : i32
    %scan3A_87 = arith.addi %scan3A_85, %scan3A_86 : i32
    %scan3A_88 = arith.constant 1 : i32
    scf.for %scan3A_153 = %scan3A_85 to %scan3A_87 step %scan3A_88  : i32 {
      %mul3A_154 = arith.constant 2 : i32
      %mul3A_155 = arith.muli %scan3A_153, %mul3A_154 : i32
      %add3A_156 = arith.constant 0 : i32
      %add3A_157 = arith.addi %mul3A_155, %add3A_156 : i32
      %dma_wait3A_158 = arith.constant 0 : i32
      %dma_wait3A_159 = tpu.memref_slice %arg7[%add3A_157, %dma_wait3A_158] : memref<80x128xi32, #tpu.memory_space<vmem>> -> memref<1x128xi32, #tpu.memory_space<vmem>>
      %dma_wait3A_160 = tpu.memref_squeeze %dma_wait3A_159 : memref<1x128xi32, #tpu.memory_space<vmem>> -> memref<128xi32, #tpu.memory_space<vmem>>
      %dma_wait3A_161 = arith.constant 0 : i32
      %dma_wait3A_162 = arith.constant 0 : i32
      %dma_wait3A_163 = tpu.memref_slice %arg2[%dma_wait3A_161, %dma_wait3A_162] : memref<10240x128xf32, #tpu.memory_space<hbm>> -> memref<10240x128xf32, #tpu.memory_space<hbm>>
      tpu.wait_indirect_dma semaphore(%arg11 : memref<!tpu.dma_semaphore, #tpu.memory_space<semaphore_mem>>) src(%dma_wait3A_163 : memref<10240x128xf32, #tpu.memory_space<hbm>>) dst(%arg9 : memref<128x128xf32, #tpu.memory_space<vmem>>)
      %dma_wait3A_164 = arith.constant 0 : i32
      %dma_wait3A_165 = arith.constant 0 : i32
      %dma_wait3A_166 = tpu.memref_slice %arg8[%dma_wait3A_164, %dma_wait3A_165] : memref<2x128xi32, #tpu.memory_space<vmem>> -> memref<1x128xi32, #tpu.memory_space<vmem>>
      %dma_wait3A_167 = tpu.memref_squeeze %dma_wait3A_166 : memref<1x128xi32, #tpu.memory_space<vmem>> -> memref<128xi32, #tpu.memory_space<vmem>>
      %dma_wait3A_168 = arith.constant 0 : i32
      %dma_wait3A_169 = arith.constant 0 : i32
      %dma_wait3A_170 = tpu.memref_slice %arg4[%add3A_26, %dma_wait3A_168, %dma_wait3A_169] : memref<32x80x128xi32, #tpu.memory_space<hbm>> -> memref<1x80x128xi32, #tpu.memory_space<hbm>>
      %dma_wait3A_171 = tpu.memref_squeeze %dma_wait3A_170 : memref<1x80x128xi32, #tpu.memory_space<hbm>> -> memref<80x128xi32, #tpu.memory_space<hbm>>
      %dma_wait3A_172 = arith.constant 0 : i32
      %dma_wait3A_173 = tpu.memref_slice %dma_wait3A_171[%add3A_157, %dma_wait3A_172] : memref<80x128xi32, #tpu.memory_space<hbm>> -> memref<1x128xi32, #tpu.memory_space<hbm>>
      %dma_wait3A_174 = tpu.memref_squeeze %dma_wait3A_173 : memref<1x128xi32, #tpu.memory_space<hbm>> -> memref<128xi32, #tpu.memory_space<hbm>>
      %dma_wait3A_175 = arith.constant 0 : i32
      %dma_wait3A_176 = tpu.memref_slice %arg8[%dma_wait3A_164, %dma_wait3A_175] : memref<2x128xi32, #tpu.memory_space<vmem>> -> memref<1x128xi32, #tpu.memory_space<vmem>>
      %dma_wait3A_177 = tpu.memref_squeeze %dma_wait3A_176 : memref<1x128xi32, #tpu.memory_space<vmem>> -> memref<128xi32, #tpu.memory_space<vmem>>
      %dma_wait3A_178 = arith.constant 0 : i32
      %dma_wait3A_179 = arith.constant 0 : i32
      %dma_wait3A_180 = tpu.memref_slice %arg4[%add3A_26, %dma_wait3A_178, %dma_wait3A_179] : memref<32x80x128xi32, #tpu.memory_space<hbm>> -> memref<1x80x128xi32, #tpu.memory_space<hbm>>
      %dma_wait3A_181 = tpu.memref_squeeze %dma_wait3A_180 : memref<1x80x128xi32, #tpu.memory_space<hbm>> -> memref<80x128xi32, #tpu.memory_space<hbm>>
      %dma_wait3A_182 = arith.constant 0 : i32
      %dma_wait3A_183 = tpu.memref_slice %dma_wait3A_181[%add3A_157, %dma_wait3A_182] : memref<80x128xi32, #tpu.memory_space<hbm>> -> memref<1x128xi32, #tpu.memory_space<hbm>>
      %dma_wait3A_184 = tpu.memref_squeeze %dma_wait3A_183 : memref<1x128xi32, #tpu.memory_space<hbm>> -> memref<128xi32, #tpu.memory_space<hbm>>
      tpu.wait_dma2 semaphore(%arg11 : memref<!tpu.dma_semaphore, #tpu.memory_space<semaphore_mem>>) src(%dma_wait3A_184 : memref<128xi32, #tpu.memory_space<hbm>>) dst(%dma_wait3A_177 : memref<128xi32, #tpu.memory_space<vmem>>)
      %run_scoped3A_185 = arith.constant 0 : i32
      "tpu.region"() ({
        %run_scoped3A_280 = tpu.sem_alloc : memref<!tpu.dma_semaphore, #tpu.memory_space<semaphore_mem>>
        %dma_start3A_281 = arith.constant 0 : i32
        %dma_start3A_282 = tpu.memref_slice %arg8[%run_scoped3A_185, %dma_start3A_281] : memref<2x128xi32, #tpu.memory_space<vmem>> -> memref<1x128xi32, #tpu.memory_space<vmem>>
        %dma_start3A_283 = tpu.memref_squeeze %dma_start3A_282 : memref<1x128xi32, #tpu.memory_space<vmem>> -> memref<128xi32, #tpu.memory_space<vmem>>
        %dma_start3A_284 = arith.constant 0 : i32
        %dma_start3A_285 = arith.constant 0 : i32
        %dma_start3A_286 = tpu.memref_slice %arg6[%dma_start3A_284, %dma_start3A_285] : memref<10240x128xf32, #tpu.memory_space<vmem_shared>> -> memref<10240x128xf32, #tpu.memory_space<vmem_shared>>
        tpu.enqueue_indirect_dma source(%arg9 : memref<128x128xf32, #tpu.memory_space<vmem>>) target(%dma_start3A_286 : memref<10240x128xf32, #tpu.memory_space<vmem_shared>>) offsets(%dma_start3A_283 : memref<128xi32, #tpu.memory_space<vmem>>) semaphore(%run_scoped3A_280 : memref<!tpu.dma_semaphore, #tpu.memory_space<semaphore_mem>>) {add = true}
        %dma_wait3A_287 = arith.constant 0 : i32
        %dma_wait3A_288 = tpu.memref_slice %arg8[%run_scoped3A_185, %dma_wait3A_287] : memref<2x128xi32, #tpu.memory_space<vmem>> -> memref<1x128xi32, #tpu.memory_space<vmem>>
        %dma_wait3A_289 = tpu.memref_squeeze %dma_wait3A_288 : memref<1x128xi32, #tpu.memory_space<vmem>> -> memref<128xi32, #tpu.memory_space<vmem>>
        %dma_wait3A_290 = arith.constant 0 : i32
        %dma_wait3A_291 = arith.constant 0 : i32
        %dma_wait3A_292 = tpu.memref_slice %arg6[%dma_wait3A_290, %dma_wait3A_291] : memref<10240x128xf32, #tpu.memory_space<vmem_shared>> -> memref<10240x128xf32, #tpu.memory_space<vmem_shared>>
        tpu.wait_indirect_dma semaphore(%run_scoped3A_280 : memref<!tpu.dma_semaphore, #tpu.memory_space<semaphore_mem>>) src(%arg9 : memref<128x128xf32, #tpu.memory_space<vmem>>) dst(%dma_wait3A_292 : memref<10240x128xf32, #tpu.memory_space<vmem_shared>>)
        tpu.yield
      }) : () -> ()
      %add3A_186 = arith.constant 2 : i32
      %add3A_187 = arith.addi %add3A_157, %add3A_186 : i32
      %dma_start3A_188 = arith.constant 0 : i32
      %dma_start3A_189 = tpu.memref_slice %arg7[%add3A_187, %dma_start3A_188] : memref<80x128xi32, #tpu.memory_space<vmem>> -> memref<1x128xi32, #tpu.memory_space<vmem>>
      %dma_start3A_190 = tpu.memref_squeeze %dma_start3A_189 : memref<1x128xi32, #tpu.memory_space<vmem>> -> memref<128xi32, #tpu.memory_space<vmem>>
      %dma_start3A_191 = arith.constant 0 : i32
      %dma_start3A_192 = arith.constant 0 : i32
      %dma_start3A_193 = tpu.memref_slice %arg2[%dma_start3A_191, %dma_start3A_192] : memref<10240x128xf32, #tpu.memory_space<hbm>> -> memref<10240x128xf32, #tpu.memory_space<hbm>>
      tpu.enqueue_indirect_dma source(%dma_start3A_193 : memref<10240x128xf32, #tpu.memory_space<hbm>>) target(%arg9 : memref<128x128xf32, #tpu.memory_space<vmem>>) offsets(%dma_start3A_190 : memref<128xi32, #tpu.memory_space<vmem>>) semaphore(%arg11 : memref<!tpu.dma_semaphore, #tpu.memory_space<semaphore_mem>>)
      %add3A_194 = arith.constant 2 : i32
      %add3A_195 = arith.addi %add3A_157, %add3A_194 : i32
      %dma_start3A_196 = arith.constant 0 : i32
      %dma_start3A_197 = arith.constant 0 : i32
      %dma_start3A_198 = tpu.memref_slice %arg8[%dma_start3A_196, %dma_start3A_197] : memref<2x128xi32, #tpu.memory_space<vmem>> -> memref<1x128xi32, #tpu.memory_space<vmem>>
      %dma_start3A_199 = tpu.memref_squeeze %dma_start3A_198 : memref<1x128xi32, #tpu.memory_space<vmem>> -> memref<128xi32, #tpu.memory_space<vmem>>
      %dma_start3A_200 = arith.constant 0 : i32
      %dma_start3A_201 = arith.constant 0 : i32
      %dma_start3A_202 = tpu.memref_slice %arg4[%add3A_26, %dma_start3A_200, %dma_start3A_201] : memref<32x80x128xi32, #tpu.memory_space<hbm>> -> memref<1x80x128xi32, #tpu.memory_space<hbm>>
      %dma_start3A_203 = tpu.memref_squeeze %dma_start3A_202 : memref<1x80x128xi32, #tpu.memory_space<hbm>> -> memref<80x128xi32, #tpu.memory_space<hbm>>
      %dma_start3A_204 = arith.constant 0 : i32
      %dma_start3A_205 = tpu.memref_slice %dma_start3A_203[%add3A_195, %dma_start3A_204] : memref<80x128xi32, #tpu.memory_space<hbm>> -> memref<1x128xi32, #tpu.memory_space<hbm>>
      %dma_start3A_206 = tpu.memref_squeeze %dma_start3A_205 : memref<1x128xi32, #tpu.memory_space<hbm>> -> memref<128xi32, #tpu.memory_space<hbm>>
      %dma_start3A_207 = arith.constant 0 : i32
      %dma_start3A_208 = tpu.memref_slice %arg8[%dma_start3A_196, %dma_start3A_207] : memref<2x128xi32, #tpu.memory_space<vmem>> -> memref<1x128xi32, #tpu.memory_space<vmem>>
      %dma_start3A_209 = tpu.memref_squeeze %dma_start3A_208 : memref<1x128xi32, #tpu.memory_space<vmem>> -> memref<128xi32, #tpu.memory_space<vmem>>
      %dma_start3A_210 = arith.constant 0 : i32
      %dma_start3A_211 = arith.constant 0 : i32
      %dma_start3A_212 = tpu.memref_slice %arg4[%add3A_26, %dma_start3A_210, %dma_start3A_211] : memref<32x80x128xi32, #tpu.memory_space<hbm>> -> memref<1x80x128xi32, #tpu.memory_space<hbm>>
      %dma_start3A_213 = tpu.memref_squeeze %dma_start3A_212 : memref<1x80x128xi32, #tpu.memory_space<hbm>> -> memref<80x128xi32, #tpu.memory_space<hbm>>
      %dma_start3A_214 = arith.constant 0 : i32
      %dma_start3A_215 = tpu.memref_slice %dma_start3A_213[%add3A_195, %dma_start3A_214] : memref<80x128xi32, #tpu.memory_space<hbm>> -> memref<1x128xi32, #tpu.memory_space<hbm>>
      %dma_start3A_216 = tpu.memref_squeeze %dma_start3A_215 : memref<1x128xi32, #tpu.memory_space<hbm>> -> memref<128xi32, #tpu.memory_space<hbm>>
      tpu.enqueue_dma source(%dma_start3A_216 : memref<128xi32, #tpu.memory_space<hbm>>) target(%dma_start3A_209 : memref<128xi32, #tpu.memory_space<vmem>>) target_semaphore(%arg11 : memref<!tpu.dma_semaphore, #tpu.memory_space<semaphore_mem>>)
      %mul3A_217 = arith.constant 2 : i32
      %mul3A_218 = arith.muli %scan3A_153, %mul3A_217 : i32
      %add3A_219 = arith.constant 1 : i32
      %add3A_220 = arith.addi %mul3A_218, %add3A_219 : i32
      %dma_wait3A_221 = arith.constant 0 : i32
      %dma_wait3A_222 = tpu.memref_slice %arg7[%add3A_220, %dma_wait3A_221] : memref<80x128xi32, #tpu.memory_space<vmem>> -> memref<1x128xi32, #tpu.memory_space<vmem>>
      %dma_wait3A_223 = tpu.memref_squeeze %dma_wait3A_222 : memref<1x128xi32, #tpu.memory_space<vmem>> -> memref<128xi32, #tpu.memory_space<vmem>>
      %dma_wait3A_224 = arith.constant 0 : i32
      %dma_wait3A_225 = arith.constant 0 : i32
      %dma_wait3A_226 = tpu.memref_slice %arg2[%dma_wait3A_224, %dma_wait3A_225] : memref<10240x128xf32, #tpu.memory_space<hbm>> -> memref<10240x128xf32, #tpu.memory_space<hbm>>
      tpu.wait_indirect_dma semaphore(%arg12 : memref<!tpu.dma_semaphore, #tpu.memory_space<semaphore_mem>>) src(%dma_wait3A_226 : memref<10240x128xf32, #tpu.memory_space<hbm>>) dst(%arg10 : memref<128x128xf32, #tpu.memory_space<vmem>>)
      %dma_wait3A_227 = arith.constant 1 : i32
      %dma_wait3A_228 = arith.constant 0 : i32
      %dma_wait3A_229 = tpu.memref_slice %arg8[%dma_wait3A_227, %dma_wait3A_228] : memref<2x128xi32, #tpu.memory_space<vmem>> -> memref<1x128xi32, #tpu.memory_space<vmem>>
      %dma_wait3A_230 = tpu.memref_squeeze %dma_wait3A_229 : memref<1x128xi32, #tpu.memory_space<vmem>> -> memref<128xi32, #tpu.memory_space<vmem>>
      %dma_wait3A_231 = arith.constant 0 : i32
      %dma_wait3A_232 = arith.constant 0 : i32
      %dma_wait3A_233 = tpu.memref_slice %arg4[%add3A_26, %dma_wait3A_231, %dma_wait3A_232] : memref<32x80x128xi32, #tpu.memory_space<hbm>> -> memref<1x80x128xi32, #tpu.memory_space<hbm>>
      %dma_wait3A_234 = tpu.memref_squeeze %dma_wait3A_233 : memref<1x80x128xi32, #tpu.memory_space<hbm>> -> memref<80x128xi32, #tpu.memory_space<hbm>>
      %dma_wait3A_235 = arith.constant 0 : i32
      %dma_wait3A_236 = tpu.memref_slice %dma_wait3A_234[%add3A_220, %dma_wait3A_235] : memref<80x128xi32, #tpu.memory_space<hbm>> -> memref<1x128xi32, #tpu.memory_space<hbm>>
      %dma_wait3A_237 = tpu.memref_squeeze %dma_wait3A_236 : memref<1x128xi32, #tpu.memory_space<hbm>> -> memref<128xi32, #tpu.memory_space<hbm>>
      %dma_wait3A_238 = arith.constant 0 : i32
      %dma_wait3A_239 = tpu.memref_slice %arg8[%dma_wait3A_227, %dma_wait3A_238] : memref<2x128xi32, #tpu.memory_space<vmem>> -> memref<1x128xi32, #tpu.memory_space<vmem>>
      %dma_wait3A_240 = tpu.memref_squeeze %dma_wait3A_239 : memref<1x128xi32, #tpu.memory_space<vmem>> -> memref<128xi32, #tpu.memory_space<vmem>>
      %dma_wait3A_241 = arith.constant 0 : i32
      %dma_wait3A_242 = arith.constant 0 : i32
      %dma_wait3A_243 = tpu.memref_slice %arg4[%add3A_26, %dma_wait3A_241, %dma_wait3A_242] : memref<32x80x128xi32, #tpu.memory_space<hbm>> -> memref<1x80x128xi32, #tpu.memory_space<hbm>>
      %dma_wait3A_244 = tpu.memref_squeeze %dma_wait3A_243 : memref<1x80x128xi32, #tpu.memory_space<hbm>> -> memref<80x128xi32, #tpu.memory_space<hbm>>
      %dma_wait3A_245 = arith.constant 0 : i32
      %dma_wait3A_246 = tpu.memref_slice %dma_wait3A_244[%add3A_220, %dma_wait3A_245] : memref<80x128xi32, #tpu.memory_space<hbm>> -> memref<1x128xi32, #tpu.memory_space<hbm>>
      %dma_wait3A_247 = tpu.memref_squeeze %dma_wait3A_246 : memref<1x128xi32, #tpu.memory_space<hbm>> -> memref<128xi32, #tpu.memory_space<hbm>>
      tpu.wait_dma2 semaphore(%arg12 : memref<!tpu.dma_semaphore, #tpu.memory_space<semaphore_mem>>) src(%dma_wait3A_247 : memref<128xi32, #tpu.memory_space<hbm>>) dst(%dma_wait3A_240 : memref<128xi32, #tpu.memory_space<vmem>>)
      %run_scoped3A_248 = arith.constant 1 : i32
      "tpu.region"() ({
        %run_scoped3A_280 = tpu.sem_alloc : memref<!tpu.dma_semaphore, #tpu.memory_space<semaphore_mem>>
        %dma_start3A_281 = arith.constant 0 : i32
        %dma_start3A_282 = tpu.memref_slice %arg8[%run_scoped3A_248, %dma_start3A_281] : memref<2x128xi32, #tpu.memory_space<vmem>> -> memref<1x128xi32, #tpu.memory_space<vmem>>
        %dma_start3A_283 = tpu.memref_squeeze %dma_start3A_282 : memref<1x128xi32, #tpu.memory_space<vmem>> -> memref<128xi32, #tpu.memory_space<vmem>>
        %dma_start3A_284 = arith.constant 0 : i32
        %dma_start3A_285 = arith.constant 0 : i32
        %dma_start3A_286 = tpu.memref_slice %arg6[%dma_start3A_284, %dma_start3A_285] : memref<10240x128xf32, #tpu.memory_space<vmem_shared>> -> memref<10240x128xf32, #tpu.memory_space<vmem_shared>>
        tpu.enqueue_indirect_dma source(%arg10 : memref<128x128xf32, #tpu.memory_space<vmem>>) target(%dma_start3A_286 : memref<10240x128xf32, #tpu.memory_space<vmem_shared>>) offsets(%dma_start3A_283 : memref<128xi32, #tpu.memory_space<vmem>>) semaphore(%run_scoped3A_280 : memref<!tpu.dma_semaphore, #tpu.memory_space<semaphore_mem>>) {add = true}
        %dma_wait3A_287 = arith.constant 0 : i32
        %dma_wait3A_288 = tpu.memref_slice %arg8[%run_scoped3A_248, %dma_wait3A_287] : memref<2x128xi32, #tpu.memory_space<vmem>> -> memref<1x128xi32, #tpu.memory_space<vmem>>
        %dma_wait3A_289 = tpu.memref_squeeze %dma_wait3A_288 : memref<1x128xi32, #tpu.memory_space<vmem>> -> memref<128xi32, #tpu.memory_space<vmem>>
        %dma_wait3A_290 = arith.constant 0 : i32
        %dma_wait3A_291 = arith.constant 0 : i32
        %dma_wait3A_292 = tpu.memref_slice %arg6[%dma_wait3A_290, %dma_wait3A_291] : memref<10240x128xf32, #tpu.memory_space<vmem_shared>> -> memref<10240x128xf32, #tpu.memory_space<vmem_shared>>
        tpu.wait_indirect_dma semaphore(%run_scoped3A_280 : memref<!tpu.dma_semaphore, #tpu.memory_space<semaphore_mem>>) src(%arg10 : memref<128x128xf32, #tpu.memory_space<vmem>>) dst(%dma_wait3A_292 : memref<10240x128xf32, #tpu.memory_space<vmem_shared>>)
        tpu.yield
      }) : () -> ()
      %add3A_249 = arith.constant 2 : i32
      %add3A_250 = arith.addi %add3A_220, %add3A_249 : i32
      %dma_start3A_251 = arith.constant 0 : i32
      %dma_start3A_252 = tpu.memref_slice %arg7[%add3A_250, %dma_start3A_251] : memref<80x128xi32, #tpu.memory_space<vmem>> -> memref<1x128xi32, #tpu.memory_space<vmem>>
      %dma_start3A_253 = tpu.memref_squeeze %dma_start3A_252 : memref<1x128xi32, #tpu.memory_space<vmem>> -> memref<128xi32, #tpu.memory_space<vmem>>
      %dma_start3A_254 = arith.constant 0 : i32
      %dma_start3A_255 = arith.constant 0 : i32
      %dma_start3A_256 = tpu.memref_slice %arg2[%dma_start3A_254, %dma_start3A_255] : memref<10240x128xf32, #tpu.memory_space<hbm>> -> memref<10240x128xf32, #tpu.memory_space<hbm>>
      tpu.enqueue_indirect_dma source(%dma_start3A_256 : memref<10240x128xf32, #tpu.memory_space<hbm>>) target(%arg10 : memref<128x128xf32, #tpu.memory_space<vmem>>) offsets(%dma_start3A_253 : memref<128xi32, #tpu.memory_space<vmem>>) semaphore(%arg12 : memref<!tpu.dma_semaphore, #tpu.memory_space<semaphore_mem>>)
      %add3A_257 = arith.constant 2 : i32
      %add3A_258 = arith.addi %add3A_220, %add3A_257 : i32
      %dma_start3A_259 = arith.constant 1 : i32
      %dma_start3A_260 = arith.constant 0 : i32
      %dma_start3A_261 = tpu.memref_slice %arg8[%dma_start3A_259, %dma_start3A_260] : memref<2x128xi32, #tpu.memory_space<vmem>> -> memref<1x128xi32, #tpu.memory_space<vmem>>
      %dma_start3A_262 = tpu.memref_squeeze %dma_start3A_261 : memref<1x128xi32, #tpu.memory_space<vmem>> -> memref<128xi32, #tpu.memory_space<vmem>>
      %dma_start3A_263 = arith.constant 0 : i32
      %dma_start3A_264 = arith.constant 0 : i32
      %dma_start3A_265 = tpu.memref_slice %arg4[%add3A_26, %dma_start3A_263, %dma_start3A_264] : memref<32x80x128xi32, #tpu.memory_space<hbm>> -> memref<1x80x128xi32, #tpu.memory_space<hbm>>
      %dma_start3A_266 = tpu.memref_squeeze %dma_start3A_265 : memref<1x80x128xi32, #tpu.memory_space<hbm>> -> memref<80x128xi32, #tpu.memory_space<hbm>>
      %dma_start3A_267 = arith.constant 0 : i32
      %dma_start3A_268 = tpu.memref_slice %dma_start3A_266[%add3A_258, %dma_start3A_267] : memref<80x128xi32, #tpu.memory_space<hbm>> -> memref<1x128xi32, #tpu.memory_space<hbm>>
      %dma_start3A_269 = tpu.memref_squeeze %dma_start3A_268 : memref<1x128xi32, #tpu.memory_space<hbm>> -> memref<128xi32, #tpu.memory_space<hbm>>
      %dma_start3A_270 = arith.constant 0 : i32
      %dma_start3A_271 = tpu.memref_slice %arg8[%dma_start3A_259, %dma_start3A_270] : memref<2x128xi32, #tpu.memory_space<vmem>> -> memref<1x128xi32, #tpu.memory_space<vmem>>
      %dma_start3A_272 = tpu.memref_squeeze %dma_start3A_271 : memref<1x128xi32, #tpu.memory_space<vmem>> -> memref<128xi32, #tpu.memory_space<vmem>>
      %dma_start3A_273 = arith.constant 0 : i32
      %dma_start3A_274 = arith.constant 0 : i32
      %dma_start3A_275 = tpu.memref_slice %arg4[%add3A_26, %dma_start3A_273, %dma_start3A_274] : memref<32x80x128xi32, #tpu.memory_space<hbm>> -> memref<1x80x128xi32, #tpu.memory_space<hbm>>
      %dma_start3A_276 = tpu.memref_squeeze %dma_start3A_275 : memref<1x80x128xi32, #tpu.memory_space<hbm>> -> memref<80x128xi32, #tpu.memory_space<hbm>>
      %dma_start3A_277 = arith.constant 0 : i32
      %dma_start3A_278 = tpu.memref_slice %dma_start3A_276[%add3A_258, %dma_start3A_277] : memref<80x128xi32, #tpu.memory_space<hbm>> -> memref<1x128xi32, #tpu.memory_space<hbm>>
      %dma_start3A_279 = tpu.memref_squeeze %dma_start3A_278 : memref<1x128xi32, #tpu.memory_space<hbm>> -> memref<128xi32, #tpu.memory_space<hbm>>
      tpu.enqueue_dma source(%dma_start3A_279 : memref<128xi32, #tpu.memory_space<hbm>>) target(%dma_start3A_272 : memref<128xi32, #tpu.memory_space<vmem>>) target_semaphore(%arg12 : memref<!tpu.dma_semaphore, #tpu.memory_space<semaphore_mem>>)
    }
    %scan3A_89 = arith.constant 39 : i32
    %dma_wait3A = arith.constant 78 : i32
    %dma_wait3A_90 = arith.constant 0 : i32
    %dma_wait3A_91 = tpu.memref_slice %arg7[%dma_wait3A, %dma_wait3A_90] : memref<80x128xi32, #tpu.memory_space<vmem>> -> memref<1x128xi32, #tpu.memory_space<vmem>>
    %dma_wait3A_92 = tpu.memref_squeeze %dma_wait3A_91 : memref<1x128xi32, #tpu.memory_space<vmem>> -> memref<128xi32, #tpu.memory_space<vmem>>
    %dma_wait3A_93 = arith.constant 0 : i32
    %dma_wait3A_94 = arith.constant 0 : i32
    %dma_wait3A_95 = tpu.memref_slice %arg2[%dma_wait3A_93, %dma_wait3A_94] : memref<10240x128xf32, #tpu.memory_space<hbm>> -> memref<10240x128xf32, #tpu.memory_space<hbm>>
    tpu.wait_indirect_dma semaphore(%arg11 : memref<!tpu.dma_semaphore, #tpu.memory_space<semaphore_mem>>) src(%dma_wait3A_95 : memref<10240x128xf32, #tpu.memory_space<hbm>>) dst(%arg9 : memref<128x128xf32, #tpu.memory_space<vmem>>)
    %dma_wait3A_96 = arith.constant 78 : i32
    %dma_wait3A_97 = arith.constant 0 : i32
    %dma_wait3A_98 = arith.constant 0 : i32
    %dma_wait3A_99 = tpu.memref_slice %arg8[%dma_wait3A_97, %dma_wait3A_98] : memref<2x128xi32, #tpu.memory_space<vmem>> -> memref<1x128xi32, #tpu.memory_space<vmem>>
    %dma_wait3A_100 = tpu.memref_squeeze %dma_wait3A_99 : memref<1x128xi32, #tpu.memory_space<vmem>> -> memref<128xi32, #tpu.memory_space<vmem>>
    %dma_wait3A_101 = arith.constant 0 : i32
    %dma_wait3A_102 = arith.constant 0 : i32
    %dma_wait3A_103 = tpu.memref_slice %arg4[%add3A_26, %dma_wait3A_101, %dma_wait3A_102] : memref<32x80x128xi32, #tpu.memory_space<hbm>> -> memref<1x80x128xi32, #tpu.memory_space<hbm>>
    %dma_wait3A_104 = tpu.memref_squeeze %dma_wait3A_103 : memref<1x80x128xi32, #tpu.memory_space<hbm>> -> memref<80x128xi32, #tpu.memory_space<hbm>>
    %dma_wait3A_105 = arith.constant 0 : i32
    %dma_wait3A_106 = tpu.memref_slice %dma_wait3A_104[%dma_wait3A_96, %dma_wait3A_105] : memref<80x128xi32, #tpu.memory_space<hbm>> -> memref<1x128xi32, #tpu.memory_space<hbm>>
    %dma_wait3A_107 = tpu.memref_squeeze %dma_wait3A_106 : memref<1x128xi32, #tpu.memory_space<hbm>> -> memref<128xi32, #tpu.memory_space<hbm>>
    %dma_wait3A_108 = arith.constant 0 : i32
    %dma_wait3A_109 = tpu.memref_slice %arg8[%dma_wait3A_97, %dma_wait3A_108] : memref<2x128xi32, #tpu.memory_space<vmem>> -> memref<1x128xi32, #tpu.memory_space<vmem>>
    %dma_wait3A_110 = tpu.memref_squeeze %dma_wait3A_109 : memref<1x128xi32, #tpu.memory_space<vmem>> -> memref<128xi32, #tpu.memory_space<vmem>>
    %dma_wait3A_111 = arith.constant 0 : i32
    %dma_wait3A_112 = arith.constant 0 : i32
    %dma_wait3A_113 = tpu.memref_slice %arg4[%add3A_26, %dma_wait3A_111, %dma_wait3A_112] : memref<32x80x128xi32, #tpu.memory_space<hbm>> -> memref<1x80x128xi32, #tpu.memory_space<hbm>>
    %dma_wait3A_114 = tpu.memref_squeeze %dma_wait3A_113 : memref<1x80x128xi32, #tpu.memory_space<hbm>> -> memref<80x128xi32, #tpu.memory_space<hbm>>
    %dma_wait3A_115 = arith.constant 0 : i32
    %dma_wait3A_116 = tpu.memref_slice %dma_wait3A_114[%dma_wait3A_96, %dma_wait3A_115] : memref<80x128xi32, #tpu.memory_space<hbm>> -> memref<1x128xi32, #tpu.memory_space<hbm>>
    %dma_wait3A_117 = tpu.memref_squeeze %dma_wait3A_116 : memref<1x128xi32, #tpu.memory_space<hbm>> -> memref<128xi32, #tpu.memory_space<hbm>>
    tpu.wait_dma2 semaphore(%arg11 : memref<!tpu.dma_semaphore, #tpu.memory_space<semaphore_mem>>) src(%dma_wait3A_117 : memref<128xi32, #tpu.memory_space<hbm>>) dst(%dma_wait3A_110 : memref<128xi32, #tpu.memory_space<vmem>>)
    %run_scoped3A = arith.constant 0 : i32
    "tpu.region"() ({
      %run_scoped3A_153 = tpu.sem_alloc : memref<!tpu.dma_semaphore, #tpu.memory_space<semaphore_mem>>
      %dma_start3A_154 = arith.constant 0 : i32
      %dma_start3A_155 = tpu.memref_slice %arg8[%run_scoped3A, %dma_start3A_154] : memref<2x128xi32, #tpu.memory_space<vmem>> -> memref<1x128xi32, #tpu.memory_space<vmem>>
      %dma_start3A_156 = tpu.memref_squeeze %dma_start3A_155 : memref<1x128xi32, #tpu.memory_space<vmem>> -> memref<128xi32, #tpu.memory_space<vmem>>
      %dma_start3A_157 = arith.constant 0 : i32
      %dma_start3A_158 = arith.constant 0 : i32
      %dma_start3A_159 = tpu.memref_slice %arg6[%dma_start3A_157, %dma_start3A_158] : memref<10240x128xf32, #tpu.memory_space<vmem_shared>> -> memref<10240x128xf32, #tpu.memory_space<vmem_shared>>
      tpu.enqueue_indirect_dma source(%arg9 : memref<128x128xf32, #tpu.memory_space<vmem>>) target(%dma_start3A_159 : memref<10240x128xf32, #tpu.memory_space<vmem_shared>>) offsets(%dma_start3A_156 : memref<128xi32, #tpu.memory_space<vmem>>) semaphore(%run_scoped3A_153 : memref<!tpu.dma_semaphore, #tpu.memory_space<semaphore_mem>>) {add = true}
      %dma_wait3A_160 = arith.constant 0 : i32
      %dma_wait3A_161 = tpu.memref_slice %arg8[%run_scoped3A, %dma_wait3A_160] : memref<2x128xi32, #tpu.memory_space<vmem>> -> memref<1x128xi32, #tpu.memory_space<vmem>>
      %dma_wait3A_162 = tpu.memref_squeeze %dma_wait3A_161 : memref<1x128xi32, #tpu.memory_space<vmem>> -> memref<128xi32, #tpu.memory_space<vmem>>
      %dma_wait3A_163 = arith.constant 0 : i32
      %dma_wait3A_164 = arith.constant 0 : i32
      %dma_wait3A_165 = tpu.memref_slice %arg6[%dma_wait3A_163, %dma_wait3A_164] : memref<10240x128xf32, #tpu.memory_space<vmem_shared>> -> memref<10240x128xf32, #tpu.memory_space<vmem_shared>>
      tpu.wait_indirect_dma semaphore(%run_scoped3A_153 : memref<!tpu.dma_semaphore, #tpu.memory_space<semaphore_mem>>) src(%arg9 : memref<128x128xf32, #tpu.memory_space<vmem>>) dst(%dma_wait3A_165 : memref<10240x128xf32, #tpu.memory_space<vmem_shared>>)
      tpu.yield
    }) : () -> ()
    %dma_wait3A_118 = arith.constant 79 : i32
    %dma_wait3A_119 = arith.constant 0 : i32
    %dma_wait3A_120 = tpu.memref_slice %arg7[%dma_wait3A_118, %dma_wait3A_119] : memref<80x128xi32, #tpu.memory_space<vmem>> -> memref<1x128xi32, #tpu.memory_space<vmem>>
    %dma_wait3A_121 = tpu.memref_squeeze %dma_wait3A_120 : memref<1x128xi32, #tpu.memory_space<vmem>> -> memref<128xi32, #tpu.memory_space<vmem>>
    %dma_wait3A_122 = arith.constant 0 : i32
    %dma_wait3A_123 = arith.constant 0 : i32
    %dma_wait3A_124 = tpu.memref_slice %arg2[%dma_wait3A_122, %dma_wait3A_123] : memref<10240x128xf32, #tpu.memory_space<hbm>> -> memref<10240x128xf32, #tpu.memory_space<hbm>>
    tpu.wait_indirect_dma semaphore(%arg12 : memref<!tpu.dma_semaphore, #tpu.memory_space<semaphore_mem>>) src(%dma_wait3A_124 : memref<10240x128xf32, #tpu.memory_space<hbm>>) dst(%arg10 : memref<128x128xf32, #tpu.memory_space<vmem>>)
    %dma_wait3A_125 = arith.constant 79 : i32
    %dma_wait3A_126 = arith.constant 1 : i32
    %dma_wait3A_127 = arith.constant 0 : i32
    %dma_wait3A_128 = tpu.memref_slice %arg8[%dma_wait3A_126, %dma_wait3A_127] : memref<2x128xi32, #tpu.memory_space<vmem>> -> memref<1x128xi32, #tpu.memory_space<vmem>>
    %dma_wait3A_129 = tpu.memref_squeeze %dma_wait3A_128 : memref<1x128xi32, #tpu.memory_space<vmem>> -> memref<128xi32, #tpu.memory_space<vmem>>
    %dma_wait3A_130 = arith.constant 0 : i32
    %dma_wait3A_131 = arith.constant 0 : i32
    %dma_wait3A_132 = tpu.memref_slice %arg4[%add3A_26, %dma_wait3A_130, %dma_wait3A_131] : memref<32x80x128xi32, #tpu.memory_space<hbm>> -> memref<1x80x128xi32, #tpu.memory_space<hbm>>
    %dma_wait3A_133 = tpu.memref_squeeze %dma_wait3A_132 : memref<1x80x128xi32, #tpu.memory_space<hbm>> -> memref<80x128xi32, #tpu.memory_space<hbm>>
    %dma_wait3A_134 = arith.constant 0 : i32
    %dma_wait3A_135 = tpu.memref_slice %dma_wait3A_133[%dma_wait3A_125, %dma_wait3A_134] : memref<80x128xi32, #tpu.memory_space<hbm>> -> memref<1x128xi32, #tpu.memory_space<hbm>>
    %dma_wait3A_136 = tpu.memref_squeeze %dma_wait3A_135 : memref<1x128xi32, #tpu.memory_space<hbm>> -> memref<128xi32, #tpu.memory_space<hbm>>
    %dma_wait3A_137 = arith.constant 0 : i32
    %dma_wait3A_138 = tpu.memref_slice %arg8[%dma_wait3A_126, %dma_wait3A_137] : memref<2x128xi32, #tpu.memory_space<vmem>> -> memref<1x128xi32, #tpu.memory_space<vmem>>
    %dma_wait3A_139 = tpu.memref_squeeze %dma_wait3A_138 : memref<1x128xi32, #tpu.memory_space<vmem>> -> memref<128xi32, #tpu.memory_space<vmem>>
    %dma_wait3A_140 = arith.constant 0 : i32
    %dma_wait3A_141 = arith.constant 0 : i32
    %dma_wait3A_142 = tpu.memref_slice %arg4[%add3A_26, %dma_wait3A_140, %dma_wait3A_141] : memref<32x80x128xi32, #tpu.memory_space<hbm>> -> memref<1x80x128xi32, #tpu.memory_space<hbm>>
    %dma_wait3A_143 = tpu.memref_squeeze %dma_wait3A_142 : memref<1x80x128xi32, #tpu.memory_space<hbm>> -> memref<80x128xi32, #tpu.memory_space<hbm>>
    %dma_wait3A_144 = arith.constant 0 : i32
    %dma_wait3A_145 = tpu.memref_slice %dma_wait3A_143[%dma_wait3A_125, %dma_wait3A_144] : memref<80x128xi32, #tpu.memory_space<hbm>> -> memref<1x128xi32, #tpu.memory_space<hbm>>
    %dma_wait3A_146 = tpu.memref_squeeze %dma_wait3A_145 : memref<1x128xi32, #tpu.memory_space<hbm>> -> memref<128xi32, #tpu.memory_space<hbm>>
    tpu.wait_dma2 semaphore(%arg12 : memref<!tpu.dma_semaphore, #tpu.memory_space<semaphore_mem>>) src(%dma_wait3A_146 : memref<128xi32, #tpu.memory_space<hbm>>) dst(%dma_wait3A_139 : memref<128xi32, #tpu.memory_space<vmem>>)
    %run_scoped3A_147 = arith.constant 1 : i32
    "tpu.region"() ({
      %run_scoped3A_153 = tpu.sem_alloc : memref<!tpu.dma_semaphore, #tpu.memory_space<semaphore_mem>>
      %dma_start3A_154 = arith.constant 0 : i32
      %dma_start3A_155 = tpu.memref_slice %arg8[%run_scoped3A_147, %dma_start3A_154] : memref<2x128xi32, #tpu.memory_space<vmem>> -> memref<1x128xi32, #tpu.memory_space<vmem>>
      %dma_start3A_156 = tpu.memref_squeeze %dma_start3A_155 : memref<1x128xi32, #tpu.memory_space<vmem>> -> memref<128xi32, #tpu.memory_space<vmem>>
      %dma_start3A_157 = arith.constant 0 : i32
      %dma_start3A_158 = arith.constant 0 : i32
      %dma_start3A_159 = tpu.memref_slice %arg6[%dma_start3A_157, %dma_start3A_158] : memref<10240x128xf32, #tpu.memory_space<vmem_shared>> -> memref<10240x128xf32, #tpu.memory_space<vmem_shared>>
      tpu.enqueue_indirect_dma source(%arg10 : memref<128x128xf32, #tpu.memory_space<vmem>>) target(%dma_start3A_159 : memref<10240x128xf32, #tpu.memory_space<vmem_shared>>) offsets(%dma_start3A_156 : memref<128xi32, #tpu.memory_space<vmem>>) semaphore(%run_scoped3A_153 : memref<!tpu.dma_semaphore, #tpu.memory_space<semaphore_mem>>) {add = true}
      %dma_wait3A_160 = arith.constant 0 : i32
      %dma_wait3A_161 = tpu.memref_slice %arg8[%run_scoped3A_147, %dma_wait3A_160] : memref<2x128xi32, #tpu.memory_space<vmem>> -> memref<1x128xi32, #tpu.memory_space<vmem>>
      %dma_wait3A_162 = tpu.memref_squeeze %dma_wait3A_161 : memref<1x128xi32, #tpu.memory_space<vmem>> -> memref<128xi32, #tpu.memory_space<vmem>>
      %dma_wait3A_163 = arith.constant 0 : i32
      %dma_wait3A_164 = arith.constant 0 : i32
      %dma_wait3A_165 = tpu.memref_slice %arg6[%dma_wait3A_163, %dma_wait3A_164] : memref<10240x128xf32, #tpu.memory_space<vmem_shared>> -> memref<10240x128xf32, #tpu.memory_space<vmem_shared>>
      tpu.wait_indirect_dma semaphore(%run_scoped3A_153 : memref<!tpu.dma_semaphore, #tpu.memory_space<semaphore_mem>>) src(%arg10 : memref<128x128xf32, #tpu.memory_space<vmem>>) dst(%dma_wait3A_165 : memref<10240x128xf32, #tpu.memory_space<vmem_shared>>)
      tpu.yield
    }) : () -> ()
    %barrier3A_148 = arith.constant 0 : index
    tpu.barrier barrier_id(%barrier3A_148)
    %mul3A_149 = arith.constant 640 : i32
    %mul3A_150 = arith.muli %arg1, %mul3A_149 : i32
    %mul3A_151 = arith.constant 640 : i32
    %mul3A_152 = arith.muli %arg1, %mul3A_151 : i32
    "tpu.region"() ({
      %run_scoped3A_153 = tpu.sem_alloc : memref<!tpu.dma_semaphore, #tpu.memory_space<semaphore_mem>>
      %dma_start3A_154 = arith.constant 0 : i32
      %dma_start3A_155 = tpu.memref_slice %arg5[%arg0, %mul3A_152, %dma_start3A_154] : memref<2x10240x128xf32, #tpu.memory_space<hbm>> -> memref<1x640x128xf32, #tpu.memory_space<hbm>>
      %dma_start3A_156 = tpu.memref_squeeze %dma_start3A_155 : memref<1x640x128xf32, #tpu.memory_space<hbm>> -> memref<640x128xf32, #tpu.memory_space<hbm>>
      %dma_start3A_157 = arith.constant 0 : i32
      %dma_start3A_158 = tpu.memref_slice %arg6[%mul3A_150, %dma_start3A_157] : memref<10240x128xf32, #tpu.memory_space<vmem_shared>> -> memref<640x128xf32, #tpu.memory_space<vmem_shared>>
      tpu.enqueue_dma source(%dma_start3A_158 : memref<640x128xf32, #tpu.memory_space<vmem_shared>>) target(%dma_start3A_156 : memref<640x128xf32, #tpu.memory_space<hbm>>) target_semaphore(%run_scoped3A_153 : memref<!tpu.dma_semaphore, #tpu.memory_space<semaphore_mem>>)
      %dma_wait3A_159 = arith.constant 0 : i32
      %dma_wait3A_160 = tpu.memref_slice %arg5[%arg0, %mul3A_152, %dma_wait3A_159] : memref<2x10240x128xf32, #tpu.memory_space<hbm>> -> memref<1x640x128xf32, #tpu.memory_space<hbm>>
      %dma_wait3A_161 = tpu.memref_squeeze %dma_wait3A_160 : memref<1x640x128xf32, #tpu.memory_space<hbm>> -> memref<640x128xf32, #tpu.memory_space<hbm>>
      %dma_wait3A_162 = arith.constant 0 : i32
      %dma_wait3A_163 = tpu.memref_slice %arg6[%mul3A_150, %dma_wait3A_162] : memref<10240x128xf32, #tpu.memory_space<vmem_shared>> -> memref<640x128xf32, #tpu.memory_space<vmem_shared>>
      tpu.wait_dma2 semaphore(%run_scoped3A_153 : memref<!tpu.dma_semaphore, #tpu.memory_space<semaphore_mem>>) src(%dma_wait3A_163 : memref<640x128xf32, #tpu.memory_space<vmem_shared>>) dst(%dma_wait3A_161 : memref<640x128xf32, #tpu.memory_space<hbm>>)
      tpu.yield
    }) : () -> ()
    return
  }
}

module attributes {stable_mosaic.version = 14 : i64} {
  func.func @body(%arg0: i32, %arg1: memref<512x4xf32, #tpu.memory_space<vmem>>, %arg2: memref<512x128xf32, #tpu.memory_space<vmem>>, %arg3: memref<512x128xf32, #tpu.memory_space<vmem>>, %arg4: memref<512x2xf32, #tpu.memory_space<vmem>>) attributes {dimension_semantics = [#tpu.dimension_semantics<arbitrary>], iteration_bounds = array<i64: 20>, scalar_prefetch = 0 : i64, scratch_operands = 0 : i64, tpu.core_type = #tpu.core_type<tc>, window_params = [{transform_indices = @transform_0, window_bounds = array<i64: 512, 4>}, {transform_indices = @transform_1, window_bounds = array<i64: 512, 128>}, {transform_indices = @transform_2, window_bounds = array<i64: 512, 128>}, {transform_indices = @transform_3, window_bounds = array<i64: 512, 2>}]} {
    %get3A = arith.constant 0 : index
    %get3A_0 = arith.constant 0 : index
    %get3A_1 = vector.load %arg1[%get3A, %get3A_0] : memref<512x4xf32, #tpu.memory_space<vmem>>, vector<512x4xf32>
    %slice3A = vector.extract_strided_slice %get3A_1 {offsets = [0, 0], sizes = [512, 1], strides = [1, 1]} : vector<512x4xf32> to vector<512x1xf32>
    %slice3A_2 = vector.extract_strided_slice %get3A_1 {offsets = [0, 2], sizes = [512, 1], strides = [1, 1]} : vector<512x4xf32> to vector<512x1xf32>
    %add3A = arith.addf %slice3A, %slice3A_2 : vector<512x1xf32>
    %slice3A_3 = vector.extract_strided_slice %get3A_1 {offsets = [0, 1], sizes = [512, 1], strides = [1, 1]} : vector<512x4xf32> to vector<512x1xf32>
    %slice3A_4 = vector.extract_strided_slice %get3A_1 {offsets = [0, 3], sizes = [512, 1], strides = [1, 1]} : vector<512x4xf32> to vector<512x1xf32>
    %add3A_5 = arith.addf %slice3A_3, %slice3A_4 : vector<512x1xf32>
    %gt3A = arith.constant 0.000000e+00 : f32
    %gt3A_6 = vector.broadcast %gt3A : f32 to vector<512x1xf32>
    %gt3A_7 = arith.cmpf ogt, %add3A, %gt3A_6 : vector<512x1xf32>
    %jit3A = arith.constant 1.000000e+00 : f32
    %broadcast_in_dim3A = vector.broadcast %jit3A : f32 to vector<512x1xf32>
    %select_n3A = arith.select %gt3A_7, %add3A, %broadcast_in_dim3A : vector<512x1xi1>, vector<512x1xf32>
    %rsqrt3A = math.rsqrt %select_n3A : vector<512x1xf32>
    %gt3A_8 = arith.constant 0.000000e+00 : f32
    %gt3A_9 = vector.broadcast %gt3A_8 : f32 to vector<512x1xf32>
    %gt3A_10 = arith.cmpf ogt, %add3A_5, %gt3A_9 : vector<512x1xf32>
    %jit3A_11 = arith.constant 1.000000e+00 : f32
    %broadcast_in_dim3A_12 = vector.broadcast %jit3A_11 : f32 to vector<512x1xf32>
    %select_n3A_13 = arith.select %gt3A_10, %add3A_5, %broadcast_in_dim3A_12 : vector<512x1xi1>, vector<512x1xf32>
    %rsqrt3A_14 = math.rsqrt %select_n3A_13 : vector<512x1xf32>
    %get3A_15 = arith.constant 0 : index
    %get3A_16 = arith.constant 0 : index
    %get3A_17 = vector.load %arg2[%get3A_15, %get3A_16] : memref<512x128xf32, #tpu.memory_space<vmem>>, vector<512x128xf32>
    %mul3A = vector.broadcast %rsqrt3A : vector<512x1xf32> to vector<512x128xf32>
    %mul3A_18 = arith.mulf %get3A_17, %mul3A : vector<512x128xf32>
    %swap3A = arith.constant 0 : index
    %swap3A_19 = arith.constant 0 : index
    %swap3A_20 = vector.load %arg3[%swap3A, %swap3A_19] : memref<512x128xf32, #tpu.memory_space<vmem>>, vector<512x128xf32>
    tpu.vector_store %arg3[%swap3A, %swap3A_19], %mul3A_18 {strides = array<i32>} : memref<512x128xf32, #tpu.memory_space<vmem>>, vector<512x128xf32>,
    %concatenate3A = tpu.concatenate %rsqrt3A, %rsqrt3A_14 in 1 : vector<512x1xf32>, vector<512x1xf32> -> vector<512x2xf32>
    %swap3A_21 = arith.constant 0 : index
    %swap3A_22 = arith.constant 0 : index
    %swap3A_23 = vector.load %arg4[%swap3A_21, %swap3A_22] : memref<512x2xf32, #tpu.memory_space<vmem>>, vector<512x2xf32>
    tpu.vector_store %arg4[%swap3A_21, %swap3A_22], %concatenate3A {strides = array<i32>} : memref<512x2xf32, #tpu.memory_space<vmem>>, vector<512x2xf32>,
    return
  }
  func.func @transform_0(%arg0: i32) -> (i32, i32) {
    %c0_i32 = arith.constant 0 : i32
    %c0_i32_0 = arith.constant 0 : i32
    return %arg0, %c0_i32 : i32, i32
  }
  func.func @transform_1(%arg0: i32) -> (i32, i32) {
    %c0_i32 = arith.constant 0 : i32
    %c0_i32_0 = arith.constant 0 : i32
    return %arg0, %c0_i32 : i32, i32
  }
  func.func @transform_2(%arg0: i32) -> (i32, i32) {
    %c0_i32 = arith.constant 0 : i32
    %c0_i32_0 = arith.constant 0 : i32
    return %arg0, %c0_i32 : i32, i32
  }
  func.func @transform_3(%arg0: i32) -> (i32, i32) {
    %c0_i32 = arith.constant 0 : i32
    %c0_i32_0 = arith.constant 0 : i32
    return %arg0, %c0_i32 : i32, i32
  }
}

module attributes {stable_mosaic.version = 14 : i64} {
  func.func @body(%arg0: i32, %arg1: memref<2x512x128xf32, #tpu.memory_space<vmem>>, %arg2: memref<512x2xf32, #tpu.memory_space<vmem>>, %arg3: memref<128x128xf32, #tpu.memory_space<vmem>>, %arg4: memref<1x128xf32, #tpu.memory_space<vmem>>, %arg5: memref<512x128xf32, #tpu.memory_space<vmem>>) attributes {dimension_semantics = [#tpu.dimension_semantics<arbitrary>], iteration_bounds = array<i64: 20>, scalar_prefetch = 0 : i64, scratch_operands = 0 : i64, tpu.core_type = #tpu.core_type<tc>, window_params = [{transform_indices = @transform_0, window_bounds = array<i64: 2, 512, 128>}, {transform_indices = @transform_1, window_bounds = array<i64: 512, 2>}, {pipeline_mode = #tpu.pipeline_mode<synchronous>, transform_indices = @transform_2, window_bounds = array<i64: 128, 128>}, {pipeline_mode = #tpu.pipeline_mode<synchronous>, transform_indices = @transform_3, window_bounds = array<i64: 1, 128>}, {transform_indices = @transform_4, window_bounds = array<i64: 512, 128>}]} {
    %get3A = arith.constant 0 : index
    %get3A_0 = arith.constant 0 : index
    %get3A_1 = arith.constant 0 : index
    %get3A_2 = vector.load %arg1[%get3A, %get3A_0, %get3A_1] : memref<2x512x128xf32, #tpu.memory_space<vmem>>, vector<1x512x128xf32>
    %get3A_3 = vector.shape_cast %get3A_2 : vector<1x512x128xf32> to vector<512x128xf32>
    %get3A_4 = arith.constant 1 : index
    %get3A_5 = arith.constant 0 : index
    %get3A_6 = arith.constant 0 : index
    %get3A_7 = vector.load %arg1[%get3A_4, %get3A_5, %get3A_6] : memref<2x512x128xf32, #tpu.memory_space<vmem>>, vector<1x512x128xf32>
    %get3A_8 = vector.shape_cast %get3A_7 : vector<1x512x128xf32> to vector<512x128xf32>
    %add3A = arith.addf %get3A_3, %get3A_8 : vector<512x128xf32>
    %get3A_9 = arith.constant 0 : index
    %get3A_10 = arith.constant 1 : index
    %get3A_11 = vector.load %arg2[%get3A_9, %get3A_10] : memref<512x2xf32, #tpu.memory_space<vmem>>, vector<512x1xf32>
    %mul3A = vector.broadcast %get3A_11 : vector<512x1xf32> to vector<512x128xf32>
    %mul3A_12 = arith.mulf %add3A, %mul3A : vector<512x128xf32>
    %get3A_13 = arith.constant 0 : index
    %get3A_14 = arith.constant 0 : index
    %get3A_15 = vector.load %arg3[%get3A_13, %get3A_14] : memref<128x128xf32, #tpu.memory_space<vmem>>, vector<128x128xf32>
    %dot_general3A = arith.constant dense<0.000000e+00> : vector<512x128xf32>
    %dot_general3A_16 = tpu.matmul %mul3A_12, %get3A_15, %dot_general3A {dimension_numbers = #tpu.dot_dimension_numbers<[1], [0], [0], [1], [0, 0, 1, 1], [], []>, precision = #tpu.contract_precision<fp32>, transpose_lhs_hint = false} : vector<512x128xf32>, vector<128x128xf32>, vector<512x128xf32> -> vector<512x128xf32>
    %get3A_17 = arith.constant 0 : index
    %get3A_18 = arith.constant 0 : index
    %get3A_19 = vector.load %arg4[%get3A_17, %get3A_18] : memref<1x128xf32, #tpu.memory_space<vmem>>, vector<1x128xf32>
    %add3A_20 = vector.broadcast %get3A_19 : vector<1x128xf32> to vector<512x128xf32>
    %add3A_21 = arith.addf %dot_general3A_16, %add3A_20 : vector<512x128xf32>
    %max3A = arith.constant 0.000000e+00 : f32
    %max3A_22 = vector.broadcast %max3A : f32 to vector<512x128xf32>
    %max3A_23 = arith.maximumf %add3A_21, %max3A_22 : vector<512x128xf32>
    %get3A_24 = arith.constant 0 : index
    %get3A_25 = arith.constant 0 : index
    %get3A_26 = vector.load %arg2[%get3A_24, %get3A_25] : memref<512x2xf32, #tpu.memory_space<vmem>>, vector<512x1xf32>
    %mul3A_27 = vector.broadcast %get3A_26 : vector<512x1xf32> to vector<512x128xf32>
    %mul3A_28 = arith.mulf %max3A_23, %mul3A_27 : vector<512x128xf32>
    %swap3A = arith.constant 0 : index
    %swap3A_29 = arith.constant 0 : index
    %swap3A_30 = vector.load %arg5[%swap3A, %swap3A_29] : memref<512x128xf32, #tpu.memory_space<vmem>>, vector<512x128xf32>
    tpu.vector_store %arg5[%swap3A, %swap3A_29], %mul3A_28 {strides = array<i32>} : memref<512x128xf32, #tpu.memory_space<vmem>>, vector<512x128xf32>,
    return
  }
  func.func @transform_0(%arg0: i32) -> (i32, i32, i32) {
    %c0_i32 = arith.constant 0 : i32
    %c0_i32_0 = arith.constant 0 : i32
    %c0_i32_1 = arith.constant 0 : i32
    return %c0_i32, %arg0, %c0_i32_0 : i32, i32, i32
  }
  func.func @transform_1(%arg0: i32) -> (i32, i32) {
    %c0_i32 = arith.constant 0 : i32
    %c0_i32_0 = arith.constant 0 : i32
    return %arg0, %c0_i32 : i32, i32
  }
  func.func @transform_2(%arg0: i32) -> (i32, i32) {
    %c0_i32 = arith.constant 0 : i32
    %c0_i32_0 = arith.constant 0 : i32
    %c0_i32_1 = arith.constant 0 : i32
    return %c0_i32, %c0_i32_0 : i32, i32
  }
  func.func @transform_3(%arg0: i32) -> (i32, i32) {
    %c0_i32 = arith.constant 0 : i32
    %c0_i32_0 = arith.constant 0 : i32
    %c0_i32_1 = arith.constant 0 : i32
    return %c0_i32, %c0_i32_0 : i32, i32
  }
  func.func @transform_4(%arg0: i32) -> (i32, i32) {
    %c0_i32 = arith.constant 0 : i32
    %c0_i32_0 = arith.constant 0 : i32
    return %arg0, %c0_i32 : i32, i32
  }
}

module attributes {stable_mosaic.version = 14 : i64} {
  func.func @body(%arg0: i32, %arg1: memref<2x512x128xf32, #tpu.memory_space<vmem>>, %arg2: memref<512x2xf32, #tpu.memory_space<vmem>>, %arg3: memref<128x128xf32, #tpu.memory_space<vmem>>, %arg4: memref<1x128xf32, #tpu.memory_space<vmem>>, %arg5: memref<512x128xf32, #tpu.memory_space<vmem>>) attributes {dimension_semantics = [#tpu.dimension_semantics<arbitrary>], iteration_bounds = array<i64: 20>, scalar_prefetch = 0 : i64, scratch_operands = 0 : i64, tpu.core_type = #tpu.core_type<tc>, window_params = [{transform_indices = @transform_0, window_bounds = array<i64: 2, 512, 128>}, {transform_indices = @transform_1, window_bounds = array<i64: 512, 2>}, {pipeline_mode = #tpu.pipeline_mode<synchronous>, transform_indices = @transform_2, window_bounds = array<i64: 128, 128>}, {pipeline_mode = #tpu.pipeline_mode<synchronous>, transform_indices = @transform_3, window_bounds = array<i64: 1, 128>}, {transform_indices = @transform_4, window_bounds = array<i64: 512, 128>}]} {
    %get3A = arith.constant 0 : index
    %get3A_0 = arith.constant 0 : index
    %get3A_1 = arith.constant 0 : index
    %get3A_2 = vector.load %arg1[%get3A, %get3A_0, %get3A_1] : memref<2x512x128xf32, #tpu.memory_space<vmem>>, vector<1x512x128xf32>
    %get3A_3 = vector.shape_cast %get3A_2 : vector<1x512x128xf32> to vector<512x128xf32>
    %get3A_4 = arith.constant 1 : index
    %get3A_5 = arith.constant 0 : index
    %get3A_6 = arith.constant 0 : index
    %get3A_7 = vector.load %arg1[%get3A_4, %get3A_5, %get3A_6] : memref<2x512x128xf32, #tpu.memory_space<vmem>>, vector<1x512x128xf32>
    %get3A_8 = vector.shape_cast %get3A_7 : vector<1x512x128xf32> to vector<512x128xf32>
    %add3A = arith.addf %get3A_3, %get3A_8 : vector<512x128xf32>
    %get3A_9 = arith.constant 0 : index
    %get3A_10 = arith.constant 1 : index
    %get3A_11 = vector.load %arg2[%get3A_9, %get3A_10] : memref<512x2xf32, #tpu.memory_space<vmem>>, vector<512x1xf32>
    %mul3A = vector.broadcast %get3A_11 : vector<512x1xf32> to vector<512x128xf32>
    %mul3A_12 = arith.mulf %add3A, %mul3A : vector<512x128xf32>
    %get3A_13 = arith.constant 0 : index
    %get3A_14 = arith.constant 0 : index
    %get3A_15 = vector.load %arg3[%get3A_13, %get3A_14] : memref<128x128xf32, #tpu.memory_space<vmem>>, vector<128x128xf32>
    %dot_general3A = arith.constant dense<0.000000e+00> : vector<512x128xf32>
    %dot_general3A_16 = tpu.matmul %mul3A_12, %get3A_15, %dot_general3A {dimension_numbers = #tpu.dot_dimension_numbers<[1], [0], [0], [1], [0, 0, 1, 1], [], []>, precision = #tpu.contract_precision<fp32>, transpose_lhs_hint = false} : vector<512x128xf32>, vector<128x128xf32>, vector<512x128xf32> -> vector<512x128xf32>
    %get3A_17 = arith.constant 0 : index
    %get3A_18 = arith.constant 0 : index
    %get3A_19 = vector.load %arg4[%get3A_17, %get3A_18] : memref<1x128xf32, #tpu.memory_space<vmem>>, vector<1x128xf32>
    %add3A_20 = vector.broadcast %get3A_19 : vector<1x128xf32> to vector<512x128xf32>
    %add3A_21 = arith.addf %dot_general3A_16, %add3A_20 : vector<512x128xf32>
    %swap3A = arith.constant 0 : index
    %swap3A_22 = arith.constant 0 : index
    %swap3A_23 = vector.load %arg5[%swap3A, %swap3A_22] : memref<512x128xf32, #tpu.memory_space<vmem>>, vector<512x128xf32>
    tpu.vector_store %arg5[%swap3A, %swap3A_22], %add3A_21 {strides = array<i32>} : memref<512x128xf32, #tpu.memory_space<vmem>>, vector<512x128xf32>,
    return
  }
  func.func @transform_0(%arg0: i32) -> (i32, i32, i32) {
    %c0_i32 = arith.constant 0 : i32
    %c0_i32_0 = arith.constant 0 : i32
    %c0_i32_1 = arith.constant 0 : i32
    return %c0_i32, %arg0, %c0_i32_0 : i32, i32, i32
  }
  func.func @transform_1(%arg0: i32) -> (i32, i32) {
    %c0_i32 = arith.constant 0 : i32
    %c0_i32_0 = arith.constant 0 : i32
    return %arg0, %c0_i32 : i32, i32
  }
  func.func @transform_2(%arg0: i32) -> (i32, i32) {
    %c0_i32 = arith.constant 0 : i32
    %c0_i32_0 = arith.constant 0 : i32
    %c0_i32_1 = arith.constant 0 : i32
    return %c0_i32, %c0_i32_0 : i32, i32
  }
  func.func @transform_3(%arg0: i32) -> (i32, i32) {
    %c0_i32 = arith.constant 0 : i32
    %c0_i32_0 = arith.constant 0 : i32
    %c0_i32_1 = arith.constant 0 : i32
    return %c0_i32, %c0_i32_0 : i32, i32
  }
  func.func @transform_4(%arg0: i32) -> (i32, i32) {
    %c0_i32 = arith.constant 0 : i32
    %c0_i32_0 = arith.constant 0 : i32
    return %arg0, %c0_i32 : i32, i32
  }
}

</mosaic_0001>

<sc_bundles>
// kernel: kernel.11.cloned.1.call-start
scs
__scs_entry_jumppad:
0x0: {  	(pc) =	sbr.rel $0x88, $3  }
0x1: {  	(tag) =	ssettag $0x0;
	lr =	simm.s32 $0x1  }
0x2: {  	[smem:$0x3F9B] =	sst lr;
	_ =	strace $0xD0000000  }
0x3: {  	_ = 	snop  }
0x4: {  	_ = 	snop  }
0x5: {  	_ = 	snop  }
0x6: {  	_ = 	snop  }
0x7: {  	_ = 	snop  }
__scs_overlays_trampoline_lowered:
0x8: {  	[smem:$0x3FAA] =	sst s0  }
0x9: {  	[smem:$0x3FAB] =	sst s1  }
0xa: {  	[smem:$0x3FAC] =	sst s2  }
0xb: {  	[smem:$0x3FAD] =	sst s3  }
0xc: {  	[smem:$0x3FAE] =	sst s4  }
0xd: {  	[smem:$0x3FAF] =	sst s5  }
0xe: {  	[smem:$0x3FB0] =	sst s6  }
0xf: {  	[smem:$0x3FB1] =	sst s7  }
0x10: {  	[smem:$0x3FB2] =	sst s8  }
0x11: {  	[smem:$0x3FB3] =	sst s9;
	s0 =	simm.s32 @!p0 $0x0  }
0x12: {  	s1 =	sld [smem:$0x3F99];
	s0 =	simm.s32 @p0 $0x1  }
0x13: {  	[smem:$0x3FB4] =	sst s0;
	s0 =	simm.s32 @!p1 $0x0  }
0x14: {  	s2 =	sld [smem:$0x3F98];
	s0 =	simm.s32 @p1 $0x1  }
0x15: {  	[smem:$0x3FB5] =	sst s0;
	s0 =	simm.s32 @!p2 $0x0  }
0x16: {  	s3 =	sld [smem:$0x3FDB];
	s0 =	simm.s32 @p2 $0x1  }
0x17: {  	s4 =	simm.s32 $0x1BF5;
	[smem:$0x3FB7] =	sst s0  }
0x18: {  	s0 =	sld [smem:$0x3F9A];
	_ =	swait.ge [sflag:s4], $0x0  }
0x19: {  	s7 =	sld [smem:$0x3F9B]  }
0x1a: {  	s8 =	sadd.s32 $0xFFFFE003, lr  }
0x1b: {  	s9 =	sadd.s32 $0xFFFFFEF7, lr;
	s5 =	simm.s32 $0xFFFFFFFF;
	p2 =	slt.u32 s8, $0xFFFFF086  }
0x1c: {  	p1 =	slt.u32 s9, $0xF7A;
	s5 =	simm.s32 @!p2 $0x0  }
0x1d: {  	s5 =	simm.s32 @p1 $0x1;
	p0 =	seq.s32 s7, s2  }
0x1e: {  	s7 =	smul.u32 @!p0 $0xF7A, s2;
	p2 =	seq.s32 @!p0 s5, $0x0  }
0x1f: {  	s9 =	smul.u32 $0xF7A, s1;
	s8 =	simm.s32 @!p0 $0x1BF5;
	p2 =	por !p2, p0  }
0x20: {  	[sflag:s8] =	ssyncset.s32 @!p0 $0xFFFFF086;
	s6 =	sadd.s32 @!p0 s3, s7;
	s7 =	simm.s32 @!p0 $0x108  }
0x21: {  	s3 =	sadd.s32 s3, s9;
	s6 =	sadd.s32 @!p0 $0x88, s6;
	s7 =	simm.s32 @p2 $0x1082  }
0x22: {  	[simem:s7], [sflag:s8] =	dma.local @!p0 [hbm:s6], $0xF7A  }
0x23: {  	s9 =	sor.u32 $0xD0000000, s2;
	s6 =	simm.s32 $0x108;
	_ =	swait.ge @!p0 [sflag:s8], $0x0  }
0x24: {  	s3 =	sadd.s32 $0x88, s3;
	s6 =	simm.s32 @!p1 $0x1082;
	[sflag:s4] =	ssyncset.s32 $0xFFFFF086  }
0x25: {  	[simem:s6], [sflag:s4] =	dma.local [hbm:s3], $0xF7A  }
0x26: {  	[smem:$0x3F9B] =	sst s1;
	(tag) =	ssettag s2;
	_ =	strace s9  }
0x27: {  	s1 =	sld [smem:$0x3FAB]  }
0x28: {  	s2 =	sld [smem:$0x3FAC]  }
0x29: {  	s4 =	sld [smem:$0x3FAE]  }
0x2a: {  	p0 =	seq.s32 s5, $0x0;
	s5 =	sld [smem:$0x3FAF]  }
0x2b: {  	s6 =	sld [smem:$0x3FB0]  }
0x2c: {  	s7 =	sld [smem:$0x3FB1]  }
0x2d: {  	s3 =	simm.s32 $0x108;
	s8 =	sld [smem:$0x3FB2]  }
0x2e: {  	s3 =	simm.s32 @!p0 $0x1082;
	s9 =	sld [smem:$0x3FB3]  }
0x2f: {  	lr =	sadd.s32 s0, s3;
	s0 =	sld [smem:$0x3FAA]  }
0x30: {  	s3 =	sld [smem:$0x3FAD]  }
0x31: {  	[smem:$0x3FB6] =	sst s10  }
0x32: {  	s10 =	sld [smem:$0x3FB4];
	_ =	sdelay $0x3  }
0x33: {  	p0 =	seq.s32 s10, $0x1;
	s10 =	sld [smem:$0x3FB6];
	_ =	sdelay $0x3  }
0x34: {  	[smem:$0x3FB6] =	sst s10  }
0x35: {  	s10 =	sld [smem:$0x3FB5];
	_ =	sdelay $0x3  }
0x36: {  	p1 =	seq.s32 s10, $0x1;
	s10 =	sld [smem:$0x3FB6];
	_ =	sdelay $0x3  }
0x37: {  	[smem:$0x3FB6] =	sst s10  }
0x38: {  	s10 =	sld [smem:$0x3FB7]  }
0x39: {  	_ = 	snop;
	(pc) =	sbr.ind lr, $3  }
0x3a: {  	_ = 	snop  }
0x3b: {  	_ = 	snop  }
0x3c: {  	p2 =	seq.s32 s10, $0x1;
	s10 =	sld [smem:$0x3FB6]  }
0x3d: {  	_ =	shalt  }
0x3e: {  	_ =	shalt  }
0x3f: {  	_ =	shalt  }
0x40: {  	_ =	shalt  }
0x41: {  	_ =	shalt  }
0x42: {  	_ =	shalt  }
0x43: {  	_ =	shalt  }
0x44: {  	_ =	shalt  }
0x45: {  	_ =	shalt  }
0x46: {  	_ =	shalt  }
0x47: {  	_ =	shalt  }
0x48: {  	_ =	shalt  }
0x49: {  	_ =	shalt  }
0x4a: {  	_ =	shalt  }
0x4b: {  	_ =	shalt  }
0x4c: {  	_ =	shalt  }
0x4d: {  	_ =	shalt  }
0x4e: {  	_ =	shalt  }
0x4f: {  	_ =	shalt  }
0x50: {  	_ =	shalt  }
0x51: {  	_ =	shalt  }
0x52: {  	_ =	shalt  }
0x53: {  	_ =	shalt  }
0x54: {  	_ =	shalt  }
0x55: {  	_ =	shalt  }
0x56: {  	_ =	shalt  }
0x57: {  	_ =	shalt  }
0x58: {  	_ =	shalt  }
0x59: {  	_ =	shalt  }
0x5a: {  	_ =	shalt  }
0x5b: {  	_ =	shalt  }
0x5c: {  	_ =	shalt  }
0x5d: {  	_ =	shalt  }
0x5e: {  	_ =	shalt  }
0x5f: {  	_ =	shalt  }
0x60: {  	_ =	shalt  }
0x61: {  	_ =	shalt  }
0x62: {  	_ =	shalt  }
0x63: {  	_ =	shalt  }
0x64: {  	_ =	shalt  }
0x65: {  	_ =	shalt  }
0x66: {  	_ =	shalt  }
0x67: {  	_ =	shalt  }
0x68: {  	_ =	shalt  }
0x69: {  	_ =	shalt  }
0x6a: {  	_ =	shalt  }
0x6b: {  	_ =	shalt  }
0x6c: {  	_ =	shalt  }
0x6d: {  	_ =	shalt  }
0x6e: {  	_ =	shalt  }
0x6f: {  	_ =	shalt  }
0x70: {  	_ =	shalt  }
0x71: {  	_ =	shalt  }
0x72: {  	_ =	shalt  }
0x73: {  	_ =	shalt  }
0x74: {  	_ =	shalt  }
0x75: {  	_ =	shalt  }
0x76: {  	_ =	shalt  }
0x77: {  	_ =	shalt  }
0x78: {  	_ =	shalt  }
0x79: {  	_ =	shalt  }
0x7a: {  	_ =	shalt  }
0x7b: {  	_ =	shalt  }
0x7c: {  	_ =	shalt  }
0x7d: {  	_ =	shalt  }
0x7e: {  	_ =	shalt  }
0x7f: {  	_ =	shalt  }
0x80: {  	_ =	shalt  }
0x81: {  	_ =	shalt  }
0x82: {  	_ =	shalt  }
0x83: {  	_ =	shalt  }
0x84: {  	_ =	shalt  }
0x85: {  	_ =	shalt  }
0x86: {  	_ =	shalt  }
0x87: {  	_ =	shalt  }
.Lfunc_end0:
.L_simem_size_0:
called_computation.1_lowered:
.L_overlay_start_0:
0x88: {  	s2 =	sld [smem:$0x3FD9]  }
0x89: {  	s3 =	sld [smem:$0x3FFE];
	_ =	sdelay $0x1  }
0x8a: {  	s1 =	srdreg.scid  }
0x8b: {  	s0 =	sand.u32 $0x1, s1  }
0x8c: {  	s17 =	sshll.u32 s0, $0xA;
	s2 =	sadd.s32 s3, s2  }
0x8d: {  	s2 =	sadd.s32 s2, s17  }
0x8e: {  	[smem:$0x3FC2] =	sst s2  }
0x8f: {  	_ = 	snop  }
0x90: {  	s2 =	sld [smem:$0x3FD0];
	(tm) =	ssettm $0x1  }
0x91: {  	s18 =	sld [smem:$0x3FFB];
	_ =	sdelay $0x3  }
0x92: {  	_ =	strace s18  }
0x93: {  	s3 =	sld [smem:$0x3FFC];
	_ =	sdelay $0x3  }
0x94: {  	_ =	strace s3  }
0x95: {  	s3 =	sld [smem:$0x3FFD];
	_ =	sdelay $0x3  }
0x96: {  	_ =	strace s3  }
0x97: {  	_ =	strace $0x8FFFFFFF  }
0x98: {  	s19 =	sld [smem:$0x3FDB];
	_ =	sdelay $0x1  }
0x99: {  	s4 =	simm.s32 $_scs_section_size  }
0x9a: {  	s5 =	simm.s32 $_size__tile_overlayer_lowered;
	s6 =	simm.s32 $_tile_overlayer_lowered  }
0x9b: {  	s22 =	simm.s32 $0x1BFF;
	s21 =	sshll.u32 s6, $0x1;
	s3 =	sadd.s32 s4, s19  }
0x9c: {  	s7 =	simm.s32 $0x0;
	s20 =	sshll.u32 s5, $0x1;
	s5 =	sadd.s32 s21, s3  }
0x9d: {  	[timem:s7], [sflag:s22] =	dma.local [hbm:s5], s20  }
0x9e: {  	_ =	swait.ge [sflag:s22], s20  }
0x9f: {  	s4 =	ssub.s32 $0x0, s20;
	[sflag:s22] =	ssyncset.done $0x0  }
0xa0: {  	[sflag:s22] =	ssyncadd.s32 s4;
	_ =	sdelay $0x1  }
0xa1: {  	s23 =	simm.s32 $0x1B8B  }
0xa2: {  	_ =	swait.ge [sflag:s23], $0x1  }
0xa3: {  	[sflag:s23] =	ssyncset.done $0x0  }
0xa4: {  	s25 =	simm.s32 $0x1B8E;
	s24 =	sld [smem:$0x3FFE];
	[sflag:s23] =	ssyncadd.s32 $0xFFFFFFFF  }
0xa5: {  	s26 =	simm.s32 $execute0_lowered;
	[smem:$0x3FD2] =	sst s25  }
0xa6: {  	s5 =	sshll.u32 s26, $0x1;
	_ =	strace $0x80000049;
	[dreg:$0x1] =	wrdreg $0xFFFFFFFF  }
0xa7: {  	s28 =	simm.s32 $_size_execute0_lowered;
	s3 =	sadd.s32 s3, s5;
	[dreg:$0x0] =	wrdreg $0x0  }
0xa8: {  	s5 =	sshll.u32 s28, $0x1;
	[dreg:$0x2] =	wrdreg s3  }
0xa9: {  	[dreg:$0x3] =	wrdreg s5  }
0xaa: {  	[dreg:$0x4] =	wrdreg $0xC0  }
0xab: {  	_ =	task [dreg:s7], $0x5FFFF  }
0xac: {  	[dreg:$0x1] =	wrdreg $0xFFFFFFFF  }
0xad: {  	[dreg:$0x0] =	wrdreg $0x60  }
0xae: {  	[dreg:$0x2] =	wrdreg s24  }
0xaf: {  	[dreg:$0x3] =	wrdreg s2  }
0xb0: {  	[dreg:$0x4] =	wrdreg $0x0  }
0xb1: {  	[dreg:$0x5] =	wrdreg $0x9  }
0xb2: {  	_ =	task.clear_ibuf [dreg:s7], $0x6FFFF;
	_ =	strace $0x90000049  }
0xb3: {  	s29 =	simm.s32 $0x9;
	_ =	strace $0x8000004B  }
0xb4: {  	_ =	swait.ge [sflag:s29], $0x1  }
0xb5: {  	[sflag:s29] =	ssyncadd.s32 $0xFFFFFFFF  }
0xb6: {  	_ =	strace $0x9000004B  }
0xb7: {  	_ =	sfence  }
0xb8: {  	s30 =	sld [smem:$0x0];
	_ =	sdelay $0x2  }
0xb9: {  	s31 =	sshll.u32 s1, $0xD;
	s1 =	sshrl.u32 s1, $0x2  }
0xba: {  	s3 =	sand.u32 $0x4000, s31;
	s1 =	sadd.s32 s1, s30  }
0xbb: {  	s0 =	sor.u32 s3, s0;
	s1 =	sshll.u32 s1, $0x11  }
0xbc: {  	s0 =	sor.u32 s1, s0  }
0xbd: {  	s0 =	sadd.s32 $0x8F2B, s0  }
0xbe: {  	[sflag:s0] =	ssyncadd.remote.s32 $0x1  }
0xbf: {  	_ =	sfence.sel $0xFFFF  }
0xc0: {  	[dreg:$0x0] =	wrdreg $0xFFFFFFFF;
	(pc) =	sbr.abs _section_cstart, $3  }
0xc1: {  	[dreg:$0x1] =	wrdreg $0xFFFFFFFF  }
0xc2: {  	_ =	task.clear_ibuf [dreg:s7], $0x2FFFF;
	_ =	strace $0x9FFFFFFF  }
0xc3: {  	(tm) =	ssettm $0x7FFFFFFF  }
tec
execute0_lowered:
.L_overlay_start_1:
0x0: {  	(tag) =	ssettag $0x1  }
0x1: {  	s6 =	rddreg [dreg:$0x0]  }
0x2: {  	s11 =	rddreg [dreg:$0x1]  }
0x3: {  	s0 =	srdreg.scid;
	s2 =	rddreg [dreg:$0x2]  }
0x4: {  	s3 =	simm.s32 $0x0;
	s15 =	simm.s32 $0x3;
	s16 =	simm.s32 $0x14000  }
0x5: {  	s17 =	simm.s32 $0x80;
	s18 =	simm.s32 $0x16800;
	s19 =	simm.s32 $0x14080  }
0x6: {  	s20 =	simm.s32 $0x1A900;
	s22 =	simm.s32 $0x16880;
	s23 =	simm.s32 $0x1  }
0x7: {  	s24 =	simm.s32 $0x2;
	s5 =	sand.u32 $0x1, s0;
	s0 =	stileid.u32  }
0x8: {  	s25 =	simm.s32 $0x0;
	[smem:$0x7FF] =	sst s3;
	s7 =	smul.u32 $0x140000, s5  }
0x9: {  	s4 =	sadd.s32 $0xC000, s6;
	s1 =	sshll.u32 s5, $0x4;
	s8 =	smul.u32 $0x14000, s0  }
0xa: {  	s9 =	smul.u32 $0x50000, s0;
	s29 =	ssub.s32 $0x2, s5;
	s1 =	sor.u32 s0, s1  }
0xb: {  	s31 =	sshrl.u32 s29, $0x1;
	s12 =	smul.u32 $0x500, s1;
	s1 =	rddreg [dreg:$0x3]  }
0xc: {  	_ =	strace $0x8000004A;
	s7 =	sadd.s32 s8, s7;
	s30 =	sshrl.u32 s9, $0x2  }
0xd: {  	s14 =	ssub.s32 s29, s31;
	s7 =	sshrl.u32 s7, $0x3;
	s5 =	sadd.s32 s30, s2  }
0xe: {  	s10 =	sadd.s32 s12, s6;
	s13 =	sadd.s32 s7, s6;
	s6 =	sadd.s32 $0x4000, s5  }
0xf: {  	s7 =	sadd.s32 $0x8000, s5;
	s8 =	sadd.s32 $0xC000, s5;
	s9 =	sadd.s32 $0x10000, s5  }
0x10: {  	s11 =	sadd.s32 s11, s12;
	s10 =	sadd.s32 $0x2000, s10;
	s12 =	sadd.s32 $0x34000, s13  }
0x11: {  	v0 =	vimm.f32 $0.0e+00;
	s13 =	smax.u32 s14, $0x1;
	s14 =	simm.s32 $0x16900;
	s21 =	sadd.s32 $0x10, s11  }
.LBB2_1:
0x12: {  	s26 =	simm.s32 $0x0;
	s28 =	simm.s32 $0x200  }
.LBB2_2:
0x13: {  	p0 =	sne.s32 s28, $0xFE00;
	[tilespmem:s26+$0x16970] =	vst v0  }
0x14: {  	[tilespmem:s26+$0x16900] =	vst v0  }
0x15: {  	[tilespmem:s26+$0x16910] =	vst v0  }
.Ltmp0:
0x16: {  	[tilespmem:s26+$0x16920] =	vst v0;
	(pc) =	sbr.rel @p0 .LBB2_2-.Ltmp0, $4  }
0x17: {  	[tilespmem:s26+$0x16930] =	vst v0  }
0x18: {  	[tilespmem:s26+$0x16940] =	vst v0  }
0x19: {  	[tilespmem:s26+$0x16950] =	vst v0  }
0x1a: {  	[tilespmem:s26+$0x16960] =	vst v0;
	s26 =	sshra.s32 s28, $0x2;
	s28 =	sadd.s32 $0x200, s28  }
0x1b: {  	[tilespmem:s26+$0x16970] =	vst v0  }
0x1c: {  	[tilespmem:s26+$0x16900] =	vst v0  }
0x1d: {  	[tilespmem:s26+$0x16910] =	vst v0  }
0x1e: {  	[tilespmem:s26+$0x16920] =	vst v0  }
0x1f: {  	[tilespmem:s26+$0x16930] =	vst v0  }
0x20: {  	[tilespmem:s26+$0x16940] =	vst v0  }
0x21: {  	[tilespmem:s26+$0x16950] =	vst v0  }
0x22: {  	[tilespmem:s26+$0x16960] =	vst v0  }
0x23: {  	[spmem:s5] =	stream.linear.scatter [tilespmem:s14], [sflag:$0x3], $0x4000, $0x38;
	[tilespmem:$0x1E900] =	vst v63  }
0x24: {  	_ =	swait.ge [sflag:s15], $0x4000  }
0x25: {  	[sflag:s15] =	ssyncset.done $0x0  }
0x26: {  	[sflag:s15] =	ssyncadd.s32 $0xFFFFC000  }
0x27: {  	[spmem:s6] =	stream.linear.scatter [tilespmem:s14], [sflag:$0x3], $0x4000, $0x38;
	[tilespmem:$0x1E900] =	vst v63  }
0x28: {  	_ =	swait.ge [sflag:s15], $0x4000  }
0x29: {  	[sflag:s15] =	ssyncset.done $0x0  }
0x2a: {  	[sflag:s15] =	ssyncadd.s32 $0xFFFFC000  }
0x2b: {  	[spmem:s7] =	stream.linear.scatter [tilespmem:s14], [sflag:$0x3], $0x4000, $0x38;
	[tilespmem:$0x1E900] =	vst v63  }
0x2c: {  	_ =	swait.ge [sflag:s15], $0x4000  }
0x2d: {  	[sflag:s15] =	ssyncset.done $0x0  }
0x2e: {  	[sflag:s15] =	ssyncadd.s32 $0xFFFFC000  }
0x2f: {  	[spmem:s8] =	stream.linear.scatter [tilespmem:s14], [sflag:$0x3], $0x4000, $0x38;
	[tilespmem:$0x1E900] =	vst v63  }
0x30: {  	_ =	swait.ge [sflag:s15], $0x4000  }
0x31: {  	[sflag:s15] =	ssyncset.done $0x0  }
0x32: {  	[sflag:s15] =	ssyncadd.s32 $0xFFFFC000  }
0x33: {  	[spmem:s9] =	stream.linear.scatter [tilespmem:s14], [sflag:$0x3], $0x4000, $0x38;
	[tilespmem:$0x1E900] =	vst v63  }
0x34: {  	_ =	swait.ge [sflag:s15], $0x4000  }
0x35: {  	[sflag:s15] =	ssyncset.done $0x0  }
0x36: {  	[sflag:s15] =	ssyncadd.s32 $0xFFFFC000  }
0x37: {  	[tilespmem:s16], [sflag:$0x3] =	stream.linear.gather [hbm4b:s10+s3], $0x2800, $0x38;
	[tilespmem:$0x1E900] =	vst v63  }
0x38: {  	_ =	swait.ge [sflag:s15], $0x2800  }
0x39: {  	[sflag:s15] =	ssyncset.done $0x0  }
0x3a: {  	[sflag:s15] =	ssyncadd.s32 $0xFFFFD800  }
0x3b: {  	[bflag:$0x0] =	sbarrier.arrive $0xFFFF  }
0x3c: {  	[tilespmem:s14], [sflag:$0x1] =	stream.indirect.gather [hbm4b:s4+s17], $0x80, s16, s17, $0xb8;
	[tilespmem:$0x1E900] =	vst v63  }
0x3d: {  	_ = 	snop  }
0x3e: {  	[tilespmem:s18], [sflag:$0x1] =	stream.linear.gather [hbm4b:s11+s3], $0x80, $0x38;
	[tilespmem:$0x1E900] =	vst v63  }
0x3f: {  	_ = 	snop  }
0x40: {  	[tilespmem:s20], [sflag:$0x2] =	stream.indirect.gather [hbm4b:s4+s17], $0x80, s19, s17, $0xb8;
	[tilespmem:$0x1E900] =	vst v63  }
0x41: {  	_ = 	snop  }
0x42: {  	[tilespmem:s22], [sflag:$0x2] =	stream.linear.gather [hbm4b:s21+s3], $0x80, $0x38;
	[tilespmem:$0x1E900] =	vst v63  }
0x43: {  	_ =	swait.ge [sflag:s23], $0x4000  }
0x44: {  	[sflag:s23] =	ssyncset.done $0x0  }
0x45: {  	[sflag:s23] =	ssyncadd.s32 $0xFFFFC000  }
0x46: {  	_ =	swait.ge [sflag:s23], $0x80  }
0x47: {  	[sflag:s23] =	ssyncset.done $0x0  }
0x48: {  	[sflag:s23] =	ssyncadd.s32 $0xFFFFFF80  }
0x49: {  	[spmem:s2] =	stream.indirect.scatter.add.f32 [tilespmem:s14], [sflag:$0x3], $0x80, s18, s17, $0xb8;
	[tilespmem:$0x1E900] =	vst v63  }
0x4a: {  	_ =	swait.ge [sflag:s15], $0x4000  }
0x4b: {  	[sflag:s15] =	ssyncset.done $0x0  }
0x4c: {  	s31 =	simm.s32 $0x14100;
	s28 =	sadd.s32 $0xFFFFFB20, s11;
	[sflag:s15] =	ssyncadd.s32 $0xFFFFC000  }
0x4d: {  	[tilespmem:s14], [sflag:$0x1] =	stream.indirect.gather [hbm4b:s4+s17], $0x80, s31, s17, $0xb8;
	[tilespmem:$0x1E900] =	vst v63  }
0x4e: {  	s30 =	sadd.s32 $0x500, s28  }
0x4f: {  	[tilespmem:s18], [sflag:$0x1] =	stream.linear.gather [hbm4b:s30+s3], $0x80, $0x38;
	[tilespmem:$0x1E900] =	vst v63  }
0x50: {  	_ =	swait.ge [sflag:s24], $0x4000  }
0x51: {  	[sflag:s24] =	ssyncset.done $0x0  }
0x52: {  	[sflag:s24] =	ssyncadd.s32 $0xFFFFC000  }
0x53: {  	_ =	swait.ge [sflag:s24], $0x80  }
0x54: {  	[sflag:s24] =	ssyncset.done $0x0  }
0x55: {  	[sflag:s24] =	ssyncadd.s32 $0xFFFFFF80  }
0x56: {  	[spmem:s2] =	stream.indirect.scatter.add.f32 [tilespmem:s20], [sflag:$0x3], $0x80, s22, s17, $0xb8;
	[tilespmem:$0x1E900] =	vst v63  }
0x57: {  	_ =	swait.ge [sflag:s15], $0x4000  }
0x58: {  	s26 =	simm.s32 $0xFFFFFB40;
	s29 =	sadd.s32 $0x510, s28;
	[sflag:s15] =	ssyncset.done $0x0  }
0x59: {  	s28 =	simm.s32 $0x14200;
	s31 =	simm.s32 $0x14180;
	[sflag:s15] =	ssyncadd.s32 $0xFFFFC000  }
0x5a: {  	[tilespmem:s20], [sflag:$0x2] =	stream.indirect.gather [hbm4b:s4+s17], $0x80, s31, s17, $0xb8;
	[tilespmem:$0x1E900] =	vst v63  }
.LBB2_4:
0x5b: {  	[tilespmem:s22], [sflag:$0x2] =	stream.linear.gather [hbm4b:s29+s3], $0x80, $0x38;
	[tilespmem:$0x1E900] =	vst v63  }
0x5c: {  	s29 =	smov.u32 s26  }
0x5d: {  	p0 =	sne.s32 s26, $0xFFFFFFE0;
	s26 =	sadd.s32 $0x20, s26;
	_ =	swait.ge [sflag:s23], $0x4000  }
0x5e: {  	[sflag:s23] =	ssyncset.done $0x0  }
0x5f: {  	[sflag:s23] =	ssyncadd.s32 $0xFFFFC000  }
0x60: {  	_ =	swait.ge [sflag:s23], $0x80  }
0x61: {  	[sflag:s23] =	ssyncset.done $0x0  }
0x62: {  	[sflag:s23] =	ssyncadd.s32 $0xFFFFFF80  }
0x63: {  	[spmem:s2] =	stream.indirect.scatter.add.f32 [tilespmem:s14], [sflag:$0x3], $0x80, s18, s17, $0xb8;
	[tilespmem:$0x1E900] =	vst v63  }
0x64: {  	_ =	swait.ge [sflag:s15], $0x4000  }
0x65: {  	[sflag:s15] =	ssyncset.done $0x0  }
0x66: {  	s29 =	sadd.s32 s29, s11;
	[sflag:s15] =	ssyncadd.s32 $0xFFFFC000  }
0x67: {  	[tilespmem:s14], [sflag:$0x1] =	stream.indirect.gather [hbm4b:s4+s17], $0x80, s28, s17, $0xb8;
	[tilespmem:$0x1E900] =	vst v63  }
0x68: {  	s30 =	sadd.s32 $0x500, s29  }
0x69: {  	[tilespmem:s18], [sflag:$0x1] =	stream.linear.gather [hbm4b:s30+s3], $0x80, $0x38;
	[tilespmem:$0x1E900] =	vst v63  }
0x6a: {  	_ =	swait.ge [sflag:s24], $0x4000  }
0x6b: {  	[sflag:s24] =	ssyncset.done $0x0  }
0x6c: {  	[sflag:s24] =	ssyncadd.s32 $0xFFFFC000  }
0x6d: {  	_ =	swait.ge [sflag:s24], $0x80  }
0x6e: {  	[sflag:s24] =	ssyncset.done $0x0  }
0x6f: {  	[sflag:s24] =	ssyncadd.s32 $0xFFFFFF80  }
0x70: {  	[spmem:s2] =	stream.indirect.scatter.add.f32 [tilespmem:s20], [sflag:$0x3], $0x80, s22, s17, $0xb8;
	[tilespmem:$0x1E900] =	vst v63  }
.Ltmp1:
0x71: {  	_ =	swait.ge [sflag:s15], $0x4000;
	(pc) =	sbr.rel @p0 .LBB2_4-.Ltmp1, $4  }
0x72: {  	[sflag:s15] =	ssyncset.done $0x0  }
0x73: {  	s30 =	sadd.s32 $0x80, s28;
	[sflag:s15] =	ssyncadd.s32 $0xFFFFC000  }
0x74: {  	[tilespmem:s20], [sflag:$0x2] =	stream.indirect.gather [hbm4b:s4+s17], $0x80, s30, s17, $0xb8;
	[tilespmem:$0x1E900] =	vst v63  }
0x75: {  	s29 =	sadd.s32 $0x510, s29;
	s28 =	sadd.s32 $0x100, s28  }
0x76: {  	[tilespmem:s22], [sflag:$0x2] =	stream.linear.gather [hbm4b:s29+s3], $0x80, $0x38;
	[tilespmem:$0x1E900] =	vst v63  }
0x77: {  	_ =	swait.ge [sflag:s23], $0x4000  }
0x78: {  	[sflag:s23] =	ssyncset.done $0x0  }
0x79: {  	[sflag:s23] =	ssyncadd.s32 $0xFFFFC000  }
0x7a: {  	_ =	swait.ge [sflag:s23], $0x80  }
0x7b: {  	[sflag:s23] =	ssyncset.done $0x0  }
0x7c: {  	[sflag:s23] =	ssyncadd.s32 $0xFFFFFF80  }
0x7d: {  	[spmem:s2] =	stream.indirect.scatter.add.f32 [tilespmem:s14], [sflag:$0x3], $0x80, s18, s17, $0xb8;
	[tilespmem:$0x1E900] =	vst v63  }
0x7e: {  	_ =	swait.ge [sflag:s15], $0x4000  }
0x7f: {  	[sflag:s15] =	ssyncset.done $0x0  }
0x80: {  	[sflag:s15] =	ssyncadd.s32 $0xFFFFC000  }
0x81: {  	_ =	swait.ge [sflag:s24], $0x4000  }
0x82: {  	[sflag:s24] =	ssyncset.done $0x0  }
0x83: {  	[sflag:s24] =	ssyncadd.s32 $0xFFFFC000  }
0x84: {  	_ =	swait.ge [sflag:s24], $0x80  }
0x85: {  	[sflag:s24] =	ssyncset.done $0x0  }
0x86: {  	[sflag:s24] =	ssyncadd.s32 $0xFFFFFF80  }
0x87: {  	[spmem:s2] =	stream.indirect.scatter.add.f32 [tilespmem:s20], [sflag:$0x3], $0x80, s22, s17, $0xb8;
	[tilespmem:$0x1E900] =	vst v63  }
0x88: {  	_ =	swait.ge [sflag:s15], $0x4000  }
0x89: {  	s26 =	sshll.u32 s0, $0x6;
	s25 =	sadd.s32 $0x1, s25;
	[sflag:s15] =	ssyncset.done $0x0  }
0x8a: {  	s28 =	sshrl.u32 s5, $0x3;
	p0 =	sne.s32 s25, s13;
	[sflag:s15] =	ssyncadd.s32 $0xFFFFC000  }
.Ltmp2:
0x8b: {  	s26 =	sor.u32 $0x1C03, s26;
	[bflag:$0x0] =	sbarrier.arrive $0xFFFF;
	(pc) =	sbr.rel @p0 .LBB2_1-.Ltmp2, $4  }
0x8c: {  	[hbm:s12], [sflag:s26] =	dma.local [spmem:s28], $0x2800  }
0x8d: {  	_ =	swait.ge [sflag:s15], $0x2800  }
0x8e: {  	[sflag:s15] =	ssyncset.done $0x0  }
0x8f: {  	[sflag:s15] =	ssyncadd.s32 $0xFFFFD800  }
0x90: {  	_ =	sfence.sel $0x180000  }
0x91: {  	[bflag:$0x0] =	sbarrier.arrive $0xFFFF  }
0x92: {  	p0 =	sne.s32 s0, $0x0;
	_ =	strace $0x9000004A  }
0x93: {  	s0 =	sadd.s32 @!p0 $0x100000, s1;
	[bflag:$0x2] =	sbarrier.arrive $0xFFFF  }
0x94: {  	[sflag:s0] =	ssyncadd.tile.s32 @!p0 $0x1;
	_ =	shalt  }
.Lfunc_end2:
_tile_overlayer_lowered:
.L_overlay_start_2:
0x95: {  	(tag) =	ssettag $0x2  }
0x96: {  	s0 =	rddreg [dreg:$0x0];
	s2 =	stileid.u32  }
0x97: {  	s1 =	rddreg [dreg:$0x1];
	p0 =	sne.s32 s2, $0x0  }
0x98: {  	s3 =	rddreg [dreg:$0x2];
	[bflag:$0x3] =	sbarrier.arrive $0xFFFF;
	s2 =	simm.s32 @!p0 $0x1C03  }
0x99: {  	[timem:s3], [sflag:s2] =	dma.local @!p0 [hbm:s0], s1  }
0x9a: {  	s0 =	simm.s32 @!p0 $0x3  }
0x9b: {  	_ =	swait.ge @!p0 [sflag:s0], s1  }
0x9c: {  	s1 =	ssub.s32 @!p0 $0x0, s1;
	[sflag:s0] =	ssyncset.done @!p0 $0x0  }
0x9d: {  	[sflag:s0] =	ssyncadd.s32 @!p0 s1  }
0x9e: {  	[bflag:$0x3] =	sbarrier.arrive $0xFFFF  }
0x9f: {  	_ =	shalt  }

// kernel: kernel.14.cloned.1.call-start
scs
__scs_entry_jumppad:
0x0: {  	(pc) =	sbr.rel $0x88, $3  }
0x1: {  	(tag) =	ssettag $0x0;
	lr =	simm.s32 $0x1  }
0x2: {  	[smem:$0x3F9B] =	sst lr;
	_ =	strace $0xD0000000  }
0x3: {  	_ = 	snop  }
0x4: {  	_ = 	snop  }
0x5: {  	_ = 	snop  }
0x6: {  	_ = 	snop  }
0x7: {  	_ = 	snop  }
__scs_overlays_trampoline_lowered:
0x8: {  	[smem:$0x3FAA] =	sst s0  }
0x9: {  	[smem:$0x3FAB] =	sst s1  }
0xa: {  	[smem:$0x3FAC] =	sst s2  }
0xb: {  	[smem:$0x3FAD] =	sst s3  }
0xc: {  	[smem:$0x3FAE] =	sst s4  }
0xd: {  	[smem:$0x3FAF] =	sst s5  }
0xe: {  	[smem:$0x3FB0] =	sst s6  }
0xf: {  	[smem:$0x3FB1] =	sst s7  }
0x10: {  	[smem:$0x3FB2] =	sst s8  }
0x11: {  	[smem:$0x3FB3] =	sst s9;
	s0 =	simm.s32 @!p0 $0x0  }
0x12: {  	s1 =	sld [smem:$0x3F99];
	s0 =	simm.s32 @p0 $0x1  }
0x13: {  	[smem:$0x3FB4] =	sst s0;
	s0 =	simm.s32 @!p1 $0x0  }
0x14: {  	s2 =	sld [smem:$0x3F98];
	s0 =	simm.s32 @p1 $0x1  }
0x15: {  	[smem:$0x3FB5] =	sst s0;
	s0 =	simm.s32 @!p2 $0x0  }
0x16: {  	s3 =	sld [smem:$0x3FDB];
	s0 =	simm.s32 @p2 $0x1  }
0x17: {  	s4 =	simm.s32 $0x1BF5;
	[smem:$0x3FB7] =	sst s0  }
0x18: {  	s0 =	sld [smem:$0x3F9A];
	_ =	swait.ge [sflag:s4], $0x0  }
0x19: {  	s7 =	sld [smem:$0x3F9B]  }
0x1a: {  	s8 =	sadd.s32 $0xFFFFE003, lr  }
0x1b: {  	s9 =	sadd.s32 $0xFFFFFEF7, lr;
	s5 =	simm.s32 $0xFFFFFFFF;
	p2 =	slt.u32 s8, $0xFFFFF086  }
0x1c: {  	p1 =	slt.u32 s9, $0xF7A;
	s5 =	simm.s32 @!p2 $0x0  }
0x1d: {  	s5 =	simm.s32 @p1 $0x1;
	p0 =	seq.s32 s7, s2  }
0x1e: {  	s7 =	smul.u32 @!p0 $0xF7A, s2;
	p2 =	seq.s32 @!p0 s5, $0x0  }
0x1f: {  	s9 =	smul.u32 $0xF7A, s1;
	s8 =	simm.s32 @!p0 $0x1BF5;
	p2 =	por !p2, p0  }
0x20: {  	[sflag:s8] =	ssyncset.s32 @!p0 $0xFFFFF086;
	s6 =	sadd.s32 @!p0 s3, s7;
	s7 =	simm.s32 @!p0 $0x108  }
0x21: {  	s3 =	sadd.s32 s3, s9;
	s6 =	sadd.s32 @!p0 $0x88, s6;
	s7 =	simm.s32 @p2 $0x1082  }
0x22: {  	[simem:s7], [sflag:s8] =	dma.local @!p0 [hbm:s6], $0xF7A  }
0x23: {  	s9 =	sor.u32 $0xD0000000, s2;
	s6 =	simm.s32 $0x108;
	_ =	swait.ge @!p0 [sflag:s8], $0x0  }
0x24: {  	s3 =	sadd.s32 $0x88, s3;
	s6 =	simm.s32 @!p1 $0x1082;
	[sflag:s4] =	ssyncset.s32 $0xFFFFF086  }
0x25: {  	[simem:s6], [sflag:s4] =	dma.local [hbm:s3], $0xF7A  }
0x26: {  	[smem:$0x3F9B] =	sst s1;
	(tag) =	ssettag s2;
	_ =	strace s9  }
0x27: {  	s1 =	sld [smem:$0x3FAB]  }
0x28: {  	s2 =	sld [smem:$0x3FAC]  }
0x29: {  	s4 =	sld [smem:$0x3FAE]  }
0x2a: {  	p0 =	seq.s32 s5, $0x0;
	s5 =	sld [smem:$0x3FAF]  }
0x2b: {  	s6 =	sld [smem:$0x3FB0]  }
0x2c: {  	s7 =	sld [smem:$0x3FB1]  }
0x2d: {  	s3 =	simm.s32 $0x108;
	s8 =	sld [smem:$0x3FB2]  }
0x2e: {  	s3 =	simm.s32 @!p0 $0x1082;
	s9 =	sld [smem:$0x3FB3]  }
0x2f: {  	lr =	sadd.s32 s0, s3;
	s0 =	sld [smem:$0x3FAA]  }
0x30: {  	s3 =	sld [smem:$0x3FAD]  }
0x31: {  	[smem:$0x3FB6] =	sst s10  }
0x32: {  	s10 =	sld [smem:$0x3FB4];
	_ =	sdelay $0x3  }
0x33: {  	p0 =	seq.s32 s10, $0x1;
	s10 =	sld [smem:$0x3FB6];
	_ =	sdelay $0x3  }
0x34: {  	[smem:$0x3FB6] =	sst s10  }
0x35: {  	s10 =	sld [smem:$0x3FB5];
	_ =	sdelay $0x3  }
0x36: {  	p1 =	seq.s32 s10, $0x1;
	s10 =	sld [smem:$0x3FB6];
	_ =	sdelay $0x3  }
0x37: {  	[smem:$0x3FB6] =	sst s10  }
0x38: {  	s10 =	sld [smem:$0x3FB7]  }
0x39: {  	_ = 	snop;
	(pc) =	sbr.ind lr, $3  }
0x3a: {  	_ = 	snop  }
0x3b: {  	_ = 	snop  }
0x3c: {  	p2 =	seq.s32 s10, $0x1;
	s10 =	sld [smem:$0x3FB6]  }
0x3d: {  	_ =	shalt  }
0x3e: {  	_ =	shalt  }
0x3f: {  	_ =	shalt  }
0x40: {  	_ =	shalt  }
0x41: {  	_ =	shalt  }
0x42: {  	_ =	shalt  }
0x43: {  	_ =	shalt  }
0x44: {  	_ =	shalt  }
0x45: {  	_ =	shalt  }
0x46: {  	_ =	shalt  }
0x47: {  	_ =	shalt  }
0x48: {  	_ =	shalt  }
0x49: {  	_ =	shalt  }
0x4a: {  	_ =	shalt  }
0x4b: {  	_ =	shalt  }
0x4c: {  	_ =	shalt  }
0x4d: {  	_ =	shalt  }
0x4e: {  	_ =	shalt  }
0x4f: {  	_ =	shalt  }
0x50: {  	_ =	shalt  }
0x51: {  	_ =	shalt  }
0x52: {  	_ =	shalt  }
0x53: {  	_ =	shalt  }
0x54: {  	_ =	shalt  }
0x55: {  	_ =	shalt  }
0x56: {  	_ =	shalt  }
0x57: {  	_ =	shalt  }
0x58: {  	_ =	shalt  }
0x59: {  	_ =	shalt  }
0x5a: {  	_ =	shalt  }
0x5b: {  	_ =	shalt  }
0x5c: {  	_ =	shalt  }
0x5d: {  	_ =	shalt  }
0x5e: {  	_ =	shalt  }
0x5f: {  	_ =	shalt  }
0x60: {  	_ =	shalt  }
0x61: {  	_ =	shalt  }
0x62: {  	_ =	shalt  }
0x63: {  	_ =	shalt  }
0x64: {  	_ =	shalt  }
0x65: {  	_ =	shalt  }
0x66: {  	_ =	shalt  }
0x67: {  	_ =	shalt  }
0x68: {  	_ =	shalt  }
0x69: {  	_ =	shalt  }
0x6a: {  	_ =	shalt  }
0x6b: {  	_ =	shalt  }
0x6c: {  	_ =	shalt  }
0x6d: {  	_ =	shalt  }
0x6e: {  	_ =	shalt  }
0x6f: {  	_ =	shalt  }
0x70: {  	_ =	shalt  }
0x71: {  	_ =	shalt  }
0x72: {  	_ =	shalt  }
0x73: {  	_ =	shalt  }
0x74: {  	_ =	shalt  }
0x75: {  	_ =	shalt  }
0x76: {  	_ =	shalt  }
0x77: {  	_ =	shalt  }
0x78: {  	_ =	shalt  }
0x79: {  	_ =	shalt  }
0x7a: {  	_ =	shalt  }
0x7b: {  	_ =	shalt  }
0x7c: {  	_ =	shalt  }
0x7d: {  	_ =	shalt  }
0x7e: {  	_ =	shalt  }
0x7f: {  	_ =	shalt  }
0x80: {  	_ =	shalt  }
0x81: {  	_ =	shalt  }
0x82: {  	_ =	shalt  }
0x83: {  	_ =	shalt  }
0x84: {  	_ =	shalt  }
0x85: {  	_ =	shalt  }
0x86: {  	_ =	shalt  }
0x87: {  	_ =	shalt  }
.Lfunc_end0:
.L_simem_size_0:
called_computation.2_lowered:
.L_overlay_start_0:
0x88: {  	s2 =	sld [smem:$0x3FD9]  }
0x89: {  	s3 =	sld [smem:$0x3FFE];
	_ =	sdelay $0x1  }
0x8a: {  	s1 =	srdreg.scid  }
0x8b: {  	s0 =	sand.u32 $0x1, s1  }
0x8c: {  	s17 =	sshll.u32 s0, $0xA;
	s2 =	sadd.s32 s3, s2  }
0x8d: {  	s2 =	sadd.s32 s2, s17  }
0x8e: {  	[smem:$0x3FC2] =	sst s2  }
0x8f: {  	_ = 	snop  }
0x90: {  	s2 =	sld [smem:$0x3FD0];
	(tm) =	ssettm $0x1  }
0x91: {  	s18 =	sld [smem:$0x3FFB];
	_ =	sdelay $0x3  }
0x92: {  	_ =	strace s18  }
0x93: {  	s3 =	sld [smem:$0x3FFC];
	_ =	sdelay $0x3  }
0x94: {  	_ =	strace s3  }
0x95: {  	s3 =	sld [smem:$0x3FFD];
	_ =	sdelay $0x3  }
0x96: {  	_ =	strace s3  }
0x97: {  	_ =	strace $0x8FFFFFFF  }
0x98: {  	s19 =	sld [smem:$0x3FDB];
	_ =	sdelay $0x1  }
0x99: {  	s4 =	simm.s32 $_scs_section_size  }
0x9a: {  	s5 =	simm.s32 $_size__tile_overlayer_lowered;
	s6 =	simm.s32 $_tile_overlayer_lowered  }
0x9b: {  	s22 =	simm.s32 $0x1BFF;
	s21 =	sshll.u32 s6, $0x1;
	s3 =	sadd.s32 s4, s19  }
0x9c: {  	s7 =	simm.s32 $0x0;
	s20 =	sshll.u32 s5, $0x1;
	s5 =	sadd.s32 s21, s3  }
0x9d: {  	[timem:s7], [sflag:s22] =	dma.local [hbm:s5], s20  }
0x9e: {  	_ =	swait.ge [sflag:s22], s20  }
0x9f: {  	s4 =	ssub.s32 $0x0, s20;
	[sflag:s22] =	ssyncset.done $0x0  }
0xa0: {  	[sflag:s22] =	ssyncadd.s32 s4;
	_ =	sdelay $0x1  }
0xa1: {  	s23 =	simm.s32 $0x1B8B  }
0xa2: {  	_ =	swait.ge [sflag:s23], $0x1  }
0xa3: {  	[sflag:s23] =	ssyncset.done $0x0  }
0xa4: {  	s25 =	simm.s32 $0x1B8E;
	s24 =	sld [smem:$0x3FFE];
	[sflag:s23] =	ssyncadd.s32 $0xFFFFFFFF  }
0xa5: {  	s26 =	simm.s32 $execute0_lowered;
	[smem:$0x3FD2] =	sst s25  }
0xa6: {  	s5 =	sshll.u32 s26, $0x1;
	_ =	strace $0x8000004C;
	[dreg:$0x1] =	wrdreg $0xFFFFFFFF  }
0xa7: {  	s28 =	simm.s32 $_size_execute0_lowered;
	s3 =	sadd.s32 s3, s5;
	[dreg:$0x0] =	wrdreg $0x0  }
0xa8: {  	s5 =	sshll.u32 s28, $0x1;
	[dreg:$0x2] =	wrdreg s3  }
0xa9: {  	[dreg:$0x3] =	wrdreg s5  }
0xaa: {  	[dreg:$0x4] =	wrdreg $0xC0  }
0xab: {  	_ =	task [dreg:s7], $0x5FFFF  }
0xac: {  	[dreg:$0x1] =	wrdreg $0xFFFFFFFF  }
0xad: {  	[dreg:$0x0] =	wrdreg $0x60  }
0xae: {  	[dreg:$0x2] =	wrdreg s24  }
0xaf: {  	[dreg:$0x3] =	wrdreg s2  }
0xb0: {  	[dreg:$0x4] =	wrdreg $0x0  }
0xb1: {  	[dreg:$0x5] =	wrdreg $0x9  }
0xb2: {  	_ =	task.clear_ibuf [dreg:s7], $0x6FFFF;
	_ =	strace $0x9000004C  }
0xb3: {  	s29 =	simm.s32 $0x9;
	_ =	strace $0x8000004E  }
0xb4: {  	_ =	swait.ge [sflag:s29], $0x1  }
0xb5: {  	[sflag:s29] =	ssyncadd.s32 $0xFFFFFFFF  }
0xb6: {  	_ =	strace $0x9000004E  }
0xb7: {  	_ =	sfence  }
0xb8: {  	s30 =	sld [smem:$0x0];
	_ =	sdelay $0x2  }
0xb9: {  	s31 =	sshll.u32 s1, $0xD;
	s1 =	sshrl.u32 s1, $0x2  }
0xba: {  	s3 =	sand.u32 $0x4000, s31;
	s1 =	sadd.s32 s1, s30  }
0xbb: {  	s0 =	sor.u32 s3, s0;
	s1 =	sshll.u32 s1, $0x11  }
0xbc: {  	s0 =	sor.u32 s1, s0  }
0xbd: {  	s0 =	sadd.s32 $0x8F2B, s0  }
0xbe: {  	[sflag:s0] =	ssyncadd.remote.s32 $0x1  }
0xbf: {  	_ =	sfence.sel $0xFFFF  }
0xc0: {  	[dreg:$0x0] =	wrdreg $0xFFFFFFFF;
	(pc) =	sbr.abs _section_cstart, $3  }
0xc1: {  	[dreg:$0x1] =	wrdreg $0xFFFFFFFF  }
0xc2: {  	_ =	task.clear_ibuf [dreg:s7], $0x2FFFF;
	_ =	strace $0x9FFFFFFF  }
0xc3: {  	(tm) =	ssettm $0x7FFFFFFF  }
tec
execute0_lowered:
.L_overlay_start_1:
0x0: {  	(tag) =	ssettag $0x1  }
0x1: {  	s6 =	rddreg [dreg:$0x0]  }
0x2: {  	s11 =	rddreg [dreg:$0x1]  }
0x3: {  	s0 =	srdreg.scid;
	s2 =	rddreg [dreg:$0x2]  }
0x4: {  	s3 =	simm.s32 $0x0;
	s15 =	simm.s32 $0x3;
	s16 =	simm.s32 $0x14000  }
0x5: {  	s17 =	simm.s32 $0x80;
	s18 =	simm.s32 $0x16800;
	s19 =	simm.s32 $0x14080  }
0x6: {  	s20 =	simm.s32 $0x1A900;
	s22 =	simm.s32 $0x16880;
	s23 =	simm.s32 $0x1  }
0x7: {  	s24 =	simm.s32 $0x2;
	s5 =	sand.u32 $0x1, s0;
	s0 =	stileid.u32  }
0x8: {  	s25 =	simm.s32 $0x0;
	[smem:$0x7FF] =	sst s3;
	s7 =	smul.u32 $0x140000, s5  }
0x9: {  	s4 =	sadd.s32 $0xC000, s6;
	s1 =	sshll.u32 s5, $0x4;
	s8 =	smul.u32 $0x14000, s0  }
0xa: {  	s9 =	smul.u32 $0x50000, s0;
	s29 =	ssub.s32 $0x2, s5;
	s1 =	sor.u32 s0, s1  }
0xb: {  	s31 =	sshrl.u32 s29, $0x1;
	s12 =	smul.u32 $0x500, s1;
	s1 =	rddreg [dreg:$0x3]  }
0xc: {  	_ =	strace $0x8000004D;
	s7 =	sadd.s32 s8, s7;
	s30 =	sshrl.u32 s9, $0x2  }
0xd: {  	s14 =	ssub.s32 s29, s31;
	s7 =	sshrl.u32 s7, $0x3;
	s5 =	sadd.s32 s30, s2  }
0xe: {  	s10 =	sadd.s32 s12, s6;
	s13 =	sadd.s32 s7, s6;
	s6 =	sadd.s32 $0x4000, s5  }
0xf: {  	s7 =	sadd.s32 $0x8000, s5;
	s8 =	sadd.s32 $0xC000, s5;
	s9 =	sadd.s32 $0x10000, s5  }
0x10: {  	s11 =	sadd.s32 s11, s12;
	s10 =	sadd.s32 $0x2000, s10;
	s12 =	sadd.s32 $0x34000, s13  }
0x11: {  	v0 =	vimm.f32 $0.0e+00;
	s13 =	smax.u32 s14, $0x1;
	s14 =	simm.s32 $0x16900;
	s21 =	sadd.s32 $0x10, s11  }
.LBB2_1:
0x12: {  	s26 =	simm.s32 $0x0;
	s28 =	simm.s32 $0x200  }
.LBB2_2:
0x13: {  	p0 =	sne.s32 s28, $0xFE00;
	[tilespmem:s26+$0x16970] =	vst v0  }
0x14: {  	[tilespmem:s26+$0x16900] =	vst v0  }
0x15: {  	[tilespmem:s26+$0x16910] =	vst v0  }
.Ltmp0:
0x16: {  	[tilespmem:s26+$0x16920] =	vst v0;
	(pc) =	sbr.rel @p0 .LBB2_2-.Ltmp0, $4  }
0x17: {  	[tilespmem:s26+$0x16930] =	vst v0  }
0x18: {  	[tilespmem:s26+$0x16940] =	vst v0  }
0x19: {  	[tilespmem:s26+$0x16950] =	vst v0  }
0x1a: {  	[tilespmem:s26+$0x16960] =	vst v0;
	s26 =	sshra.s32 s28, $0x2;
	s28 =	sadd.s32 $0x200, s28  }
0x1b: {  	[tilespmem:s26+$0x16970] =	vst v0  }
0x1c: {  	[tilespmem:s26+$0x16900] =	vst v0  }
0x1d: {  	[tilespmem:s26+$0x16910] =	vst v0  }
0x1e: {  	[tilespmem:s26+$0x16920] =	vst v0  }
0x1f: {  	[tilespmem:s26+$0x16930] =	vst v0  }
0x20: {  	[tilespmem:s26+$0x16940] =	vst v0  }
0x21: {  	[tilespmem:s26+$0x16950] =	vst v0  }
0x22: {  	[tilespmem:s26+$0x16960] =	vst v0  }
0x23: {  	[spmem:s5] =	stream.linear.scatter [tilespmem:s14], [sflag:$0x3], $0x4000, $0x38;
	[tilespmem:$0x1E900] =	vst v63  }
0x24: {  	_ =	swait.ge [sflag:s15], $0x4000  }
0x25: {  	[sflag:s15] =	ssyncset.done $0x0  }
0x26: {  	[sflag:s15] =	ssyncadd.s32 $0xFFFFC000  }
0x27: {  	[spmem:s6] =	stream.linear.scatter [tilespmem:s14], [sflag:$0x3], $0x4000, $0x38;
	[tilespmem:$0x1E900] =	vst v63  }
0x28: {  	_ =	swait.ge [sflag:s15], $0x4000  }
0x29: {  	[sflag:s15] =	ssyncset.done $0x0  }
0x2a: {  	[sflag:s15] =	ssyncadd.s32 $0xFFFFC000  }
0x2b: {  	[spmem:s7] =	stream.linear.scatter [tilespmem:s14], [sflag:$0x3], $0x4000, $0x38;
	[tilespmem:$0x1E900] =	vst v63  }
0x2c: {  	_ =	swait.ge [sflag:s15], $0x4000  }
0x2d: {  	[sflag:s15] =	ssyncset.done $0x0  }
0x2e: {  	[sflag:s15] =	ssyncadd.s32 $0xFFFFC000  }
0x2f: {  	[spmem:s8] =	stream.linear.scatter [tilespmem:s14], [sflag:$0x3], $0x4000, $0x38;
	[tilespmem:$0x1E900] =	vst v63  }
0x30: {  	_ =	swait.ge [sflag:s15], $0x4000  }
0x31: {  	[sflag:s15] =	ssyncset.done $0x0  }
0x32: {  	[sflag:s15] =	ssyncadd.s32 $0xFFFFC000  }
0x33: {  	[spmem:s9] =	stream.linear.scatter [tilespmem:s14], [sflag:$0x3], $0x4000, $0x38;
	[tilespmem:$0x1E900] =	vst v63  }
0x34: {  	_ =	swait.ge [sflag:s15], $0x4000  }
0x35: {  	[sflag:s15] =	ssyncset.done $0x0  }
0x36: {  	[sflag:s15] =	ssyncadd.s32 $0xFFFFC000  }
0x37: {  	[tilespmem:s16], [sflag:$0x3] =	stream.linear.gather [hbm4b:s10+s3], $0x2800, $0x38;
	[tilespmem:$0x1E900] =	vst v63  }
0x38: {  	_ =	swait.ge [sflag:s15], $0x2800  }
0x39: {  	[sflag:s15] =	ssyncset.done $0x0  }
0x3a: {  	[sflag:s15] =	ssyncadd.s32 $0xFFFFD800  }
0x3b: {  	[bflag:$0x0] =	sbarrier.arrive $0xFFFF  }
0x3c: {  	[tilespmem:s14], [sflag:$0x1] =	stream.indirect.gather [hbm4b:s4+s17], $0x80, s16, s17, $0xb8;
	[tilespmem:$0x1E900] =	vst v63  }
0x3d: {  	_ = 	snop  }
0x3e: {  	[tilespmem:s18], [sflag:$0x1] =	stream.linear.gather [hbm4b:s11+s3], $0x80, $0x38;
	[tilespmem:$0x1E900] =	vst v63  }
0x3f: {  	_ = 	snop  }
0x40: {  	[tilespmem:s20], [sflag:$0x2] =	stream.indirect.gather [hbm4b:s4+s17], $0x80, s19, s17, $0xb8;
	[tilespmem:$0x1E900] =	vst v63  }
0x41: {  	_ = 	snop  }
0x42: {  	[tilespmem:s22], [sflag:$0x2] =	stream.linear.gather [hbm4b:s21+s3], $0x80, $0x38;
	[tilespmem:$0x1E900] =	vst v63  }
0x43: {  	_ =	swait.ge [sflag:s23], $0x4000  }
0x44: {  	[sflag:s23] =	ssyncset.done $0x0  }
0x45: {  	[sflag:s23] =	ssyncadd.s32 $0xFFFFC000  }
0x46: {  	_ =	swait.ge [sflag:s23], $0x80  }
0x47: {  	[sflag:s23] =	ssyncset.done $0x0  }
0x48: {  	[sflag:s23] =	ssyncadd.s32 $0xFFFFFF80  }
0x49: {  	[spmem:s2] =	stream.indirect.scatter.add.f32 [tilespmem:s14], [sflag:$0x3], $0x80, s18, s17, $0xb8;
	[tilespmem:$0x1E900] =	vst v63  }
0x4a: {  	_ =	swait.ge [sflag:s15], $0x4000  }
0x4b: {  	[sflag:s15] =	ssyncset.done $0x0  }
0x4c: {  	s31 =	simm.s32 $0x14100;
	s28 =	sadd.s32 $0xFFFFFB20, s11;
	[sflag:s15] =	ssyncadd.s32 $0xFFFFC000  }
0x4d: {  	[tilespmem:s14], [sflag:$0x1] =	stream.indirect.gather [hbm4b:s4+s17], $0x80, s31, s17, $0xb8;
	[tilespmem:$0x1E900] =	vst v63  }
0x4e: {  	s30 =	sadd.s32 $0x500, s28  }
0x4f: {  	[tilespmem:s18], [sflag:$0x1] =	stream.linear.gather [hbm4b:s30+s3], $0x80, $0x38;
	[tilespmem:$0x1E900] =	vst v63  }
0x50: {  	_ =	swait.ge [sflag:s24], $0x4000  }
0x51: {  	[sflag:s24] =	ssyncset.done $0x0  }
0x52: {  	[sflag:s24] =	ssyncadd.s32 $0xFFFFC000  }
0x53: {  	_ =	swait.ge [sflag:s24], $0x80  }
0x54: {  	[sflag:s24] =	ssyncset.done $0x0  }
0x55: {  	[sflag:s24] =	ssyncadd.s32 $0xFFFFFF80  }
0x56: {  	[spmem:s2] =	stream.indirect.scatter.add.f32 [tilespmem:s20], [sflag:$0x3], $0x80, s22, s17, $0xb8;
	[tilespmem:$0x1E900] =	vst v63  }
0x57: {  	_ =	swait.ge [sflag:s15], $0x4000  }
0x58: {  	s26 =	simm.s32 $0xFFFFFB40;
	s29 =	sadd.s32 $0x510, s28;
	[sflag:s15] =	ssyncset.done $0x0  }
0x59: {  	s28 =	simm.s32 $0x14200;
	s31 =	simm.s32 $0x14180;
	[sflag:s15] =	ssyncadd.s32 $0xFFFFC000  }
0x5a: {  	[tilespmem:s20], [sflag:$0x2] =	stream.indirect.gather [hbm4b:s4+s17], $0x80, s31, s17, $0xb8;
	[tilespmem:$0x1E900] =	vst v63  }
.LBB2_4:
0x5b: {  	[tilespmem:s22], [sflag:$0x2] =	stream.linear.gather [hbm4b:s29+s3], $0x80, $0x38;
	[tilespmem:$0x1E900] =	vst v63  }
0x5c: {  	s29 =	smov.u32 s26  }
0x5d: {  	p0 =	sne.s32 s26, $0xFFFFFFE0;
	s26 =	sadd.s32 $0x20, s26;
	_ =	swait.ge [sflag:s23], $0x4000  }
0x5e: {  	[sflag:s23] =	ssyncset.done $0x0  }
0x5f: {  	[sflag:s23] =	ssyncadd.s32 $0xFFFFC000  }
0x60: {  	_ =	swait.ge [sflag:s23], $0x80  }
0x61: {  	[sflag:s23] =	ssyncset.done $0x0  }
0x62: {  	[sflag:s23] =	ssyncadd.s32 $0xFFFFFF80  }
0x63: {  	[spmem:s2] =	stream.indirect.scatter.add.f32 [tilespmem:s14], [sflag:$0x3], $0x80, s18, s17, $0xb8;
	[tilespmem:$0x1E900] =	vst v63  }
0x64: {  	_ =	swait.ge [sflag:s15], $0x4000  }
0x65: {  	[sflag:s15] =	ssyncset.done $0x0  }
0x66: {  	s29 =	sadd.s32 s29, s11;
	[sflag:s15] =	ssyncadd.s32 $0xFFFFC000  }
0x67: {  	[tilespmem:s14], [sflag:$0x1] =	stream.indirect.gather [hbm4b:s4+s17], $0x80, s28, s17, $0xb8;
	[tilespmem:$0x1E900] =	vst v63  }
0x68: {  	s30 =	sadd.s32 $0x500, s29  }
0x69: {  	[tilespmem:s18], [sflag:$0x1] =	stream.linear.gather [hbm4b:s30+s3], $0x80, $0x38;
	[tilespmem:$0x1E900] =	vst v63  }
0x6a: {  	_ =	swait.ge [sflag:s24], $0x4000  }
0x6b: {  	[sflag:s24] =	ssyncset.done $0x0  }
0x6c: {  	[sflag:s24] =	ssyncadd.s32 $0xFFFFC000  }
0x6d: {  	_ =	swait.ge [sflag:s24], $0x80  }
0x6e: {  	[sflag:s24] =	ssyncset.done $0x0  }
0x6f: {  	[sflag:s24] =	ssyncadd.s32 $0xFFFFFF80  }
0x70: {  	[spmem:s2] =	stream.indirect.scatter.add.f32 [tilespmem:s20], [sflag:$0x3], $0x80, s22, s17, $0xb8;
	[tilespmem:$0x1E900] =	vst v63  }
.Ltmp1:
0x71: {  	_ =	swait.ge [sflag:s15], $0x4000;
	(pc) =	sbr.rel @p0 .LBB2_4-.Ltmp1, $4  }
0x72: {  	[sflag:s15] =	ssyncset.done $0x0  }
0x73: {  	s30 =	sadd.s32 $0x80, s28;
	[sflag:s15] =	ssyncadd.s32 $0xFFFFC000  }
0x74: {  	[tilespmem:s20], [sflag:$0x2] =	stream.indirect.gather [hbm4b:s4+s17], $0x80, s30, s17, $0xb8;
	[tilespmem:$0x1E900] =	vst v63  }
0x75: {  	s29 =	sadd.s32 $0x510, s29;
	s28 =	sadd.s32 $0x100, s28  }
0x76: {  	[tilespmem:s22], [sflag:$0x2] =	stream.linear.gather [hbm4b:s29+s3], $0x80, $0x38;
	[tilespmem:$0x1E900] =	vst v63  }
0x77: {  	_ =	swait.ge [sflag:s23], $0x4000  }
0x78: {  	[sflag:s23] =	ssyncset.done $0x0  }
0x79: {  	[sflag:s23] =	ssyncadd.s32 $0xFFFFC000  }
0x7a: {  	_ =	swait.ge [sflag:s23], $0x80  }
0x7b: {  	[sflag:s23] =	ssyncset.done $0x0  }
0x7c: {  	[sflag:s23] =	ssyncadd.s32 $0xFFFFFF80  }
0x7d: {  	[spmem:s2] =	stream.indirect.scatter.add.f32 [tilespmem:s14], [sflag:$0x3], $0x80, s18, s17, $0xb8;
	[tilespmem:$0x1E900] =	vst v63  }
0x7e: {  	_ =	swait.ge [sflag:s15], $0x4000  }
0x7f: {  	[sflag:s15] =	ssyncset.done $0x0  }
0x80: {  	[sflag:s15] =	ssyncadd.s32 $0xFFFFC000  }
0x81: {  	_ =	swait.ge [sflag:s24], $0x4000  }
0x82: {  	[sflag:s24] =	ssyncset.done $0x0  }
0x83: {  	[sflag:s24] =	ssyncadd.s32 $0xFFFFC000  }
0x84: {  	_ =	swait.ge [sflag:s24], $0x80  }
0x85: {  	[sflag:s24] =	ssyncset.done $0x0  }
0x86: {  	[sflag:s24] =	ssyncadd.s32 $0xFFFFFF80  }
0x87: {  	[spmem:s2] =	stream.indirect.scatter.add.f32 [tilespmem:s20], [sflag:$0x3], $0x80, s22, s17, $0xb8;
	[tilespmem:$0x1E900] =	vst v63  }
0x88: {  	_ =	swait.ge [sflag:s15], $0x4000  }
0x89: {  	s26 =	sshll.u32 s0, $0x6;
	s25 =	sadd.s32 $0x1, s25;
	[sflag:s15] =	ssyncset.done $0x0  }
0x8a: {  	s28 =	sshrl.u32 s5, $0x3;
	p0 =	sne.s32 s25, s13;
	[sflag:s15] =	ssyncadd.s32 $0xFFFFC000  }
.Ltmp2:
0x8b: {  	s26 =	sor.u32 $0x1C03, s26;
	[bflag:$0x0] =	sbarrier.arrive $0xFFFF;
	(pc) =	sbr.rel @p0 .LBB2_1-.Ltmp2, $4  }
0x8c: {  	[hbm:s12], [sflag:s26] =	dma.local [spmem:s28], $0x2800  }
0x8d: {  	_ =	swait.ge [sflag:s15], $0x2800  }
0x8e: {  	[sflag:s15] =	ssyncset.done $0x0  }
0x8f: {  	[sflag:s15] =	ssyncadd.s32 $0xFFFFD800  }
0x90: {  	_ =	sfence.sel $0x180000  }
0x91: {  	[bflag:$0x0] =	sbarrier.arrive $0xFFFF  }
0x92: {  	p0 =	sne.s32 s0, $0x0;
	_ =	strace $0x9000004D  }
0x93: {  	s0 =	sadd.s32 @!p0 $0x100000, s1;
	[bflag:$0x2] =	sbarrier.arrive $0xFFFF  }
0x94: {  	[sflag:s0] =	ssyncadd.tile.s32 @!p0 $0x1;
	_ =	shalt  }
.Lfunc_end2:
_tile_overlayer_lowered:
.L_overlay_start_2:
0x95: {  	(tag) =	ssettag $0x2  }
0x96: {  	s0 =	rddreg [dreg:$0x0];
	s2 =	stileid.u32  }
0x97: {  	s1 =	rddreg [dreg:$0x1];
	p0 =	sne.s32 s2, $0x0  }
0x98: {  	s3 =	rddreg [dreg:$0x2];
	[bflag:$0x3] =	sbarrier.arrive $0xFFFF;
	s2 =	simm.s32 @!p0 $0x1C03  }
0x99: {  	[timem:s3], [sflag:s2] =	dma.local @!p0 [hbm:s0], s1  }
0x9a: {  	s0 =	simm.s32 @!p0 $0x3  }
0x9b: {  	_ =	swait.ge @!p0 [sflag:s0], s1  }
0x9c: {  	s1 =	ssub.s32 @!p0 $0x0, s1;
	[sflag:s0] =	ssyncset.done @!p0 $0x0  }
0x9d: {  	[sflag:s0] =	ssyncadd.s32 @!p0 s1  }
0x9e: {  	[bflag:$0x3] =	sbarrier.arrive $0xFFFF  }
0x9f: {  	_ =	shalt  }

// kernel: kernel.8.cloned.1.call-start
scs
__scs_entry_jumppad:
0x0: {  	(pc) =	sbr.rel $0x88, $3  }
0x1: {  	(tag) =	ssettag $0x0;
	lr =	simm.s32 $0x1  }
0x2: {  	[smem:$0x3F9B] =	sst lr;
	_ =	strace $0xD0000000  }
0x3: {  	_ = 	snop  }
0x4: {  	_ = 	snop  }
0x5: {  	_ = 	snop  }
0x6: {  	_ = 	snop  }
0x7: {  	_ = 	snop  }
__scs_overlays_trampoline_lowered:
0x8: {  	[smem:$0x3FAA] =	sst s0  }
0x9: {  	[smem:$0x3FAB] =	sst s1  }
0xa: {  	[smem:$0x3FAC] =	sst s2  }
0xb: {  	[smem:$0x3FAD] =	sst s3  }
0xc: {  	[smem:$0x3FAE] =	sst s4  }
0xd: {  	[smem:$0x3FAF] =	sst s5  }
0xe: {  	[smem:$0x3FB0] =	sst s6  }
0xf: {  	[smem:$0x3FB1] =	sst s7  }
0x10: {  	[smem:$0x3FB2] =	sst s8  }
0x11: {  	[smem:$0x3FB3] =	sst s9;
	s0 =	simm.s32 @!p0 $0x0  }
0x12: {  	s1 =	sld [smem:$0x3F99];
	s0 =	simm.s32 @p0 $0x1  }
0x13: {  	[smem:$0x3FB4] =	sst s0;
	s0 =	simm.s32 @!p1 $0x0  }
0x14: {  	s2 =	sld [smem:$0x3F98];
	s0 =	simm.s32 @p1 $0x1  }
0x15: {  	[smem:$0x3FB5] =	sst s0;
	s0 =	simm.s32 @!p2 $0x0  }
0x16: {  	s3 =	sld [smem:$0x3FDB];
	s0 =	simm.s32 @p2 $0x1  }
0x17: {  	s4 =	simm.s32 $0x1BF5;
	[smem:$0x3FB7] =	sst s0  }
0x18: {  	s0 =	sld [smem:$0x3F9A];
	_ =	swait.ge [sflag:s4], $0x0  }
0x19: {  	s7 =	sld [smem:$0x3F9B]  }
0x1a: {  	s8 =	sadd.s32 $0xFFFFE003, lr  }
0x1b: {  	s9 =	sadd.s32 $0xFFFFFEF7, lr;
	s5 =	simm.s32 $0xFFFFFFFF;
	p2 =	slt.u32 s8, $0xFFFFF086  }
0x1c: {  	p1 =	slt.u32 s9, $0xF7A;
	s5 =	simm.s32 @!p2 $0x0  }
0x1d: {  	s5 =	simm.s32 @p1 $0x1;
	p0 =	seq.s32 s7, s2  }
0x1e: {  	s7 =	smul.u32 @!p0 $0xF7A, s2;
	p2 =	seq.s32 @!p0 s5, $0x0  }
0x1f: {  	s9 =	smul.u32 $0xF7A, s1;
	s8 =	simm.s32 @!p0 $0x1BF5;
	p2 =	por !p2, p0  }
0x20: {  	[sflag:s8] =	ssyncset.s32 @!p0 $0xFFFFF086;
	s6 =	sadd.s32 @!p0 s3, s7;
	s7 =	simm.s32 @!p0 $0x108  }
0x21: {  	s3 =	sadd.s32 s3, s9;
	s6 =	sadd.s32 @!p0 $0x88, s6;
	s7 =	simm.s32 @p2 $0x1082  }
0x22: {  	[simem:s7], [sflag:s8] =	dma.local @!p0 [hbm:s6], $0xF7A  }
0x23: {  	s9 =	sor.u32 $0xD0000000, s2;
	s6 =	simm.s32 $0x108;
	_ =	swait.ge @!p0 [sflag:s8], $0x0  }
0x24: {  	s3 =	sadd.s32 $0x88, s3;
	s6 =	simm.s32 @!p1 $0x1082;
	[sflag:s4] =	ssyncset.s32 $0xFFFFF086  }
0x25: {  	[simem:s6], [sflag:s4] =	dma.local [hbm:s3], $0xF7A  }
0x26: {  	[smem:$0x3F9B] =	sst s1;
	(tag) =	ssettag s2;
	_ =	strace s9  }
0x27: {  	s1 =	sld [smem:$0x3FAB]  }
0x28: {  	s2 =	sld [smem:$0x3FAC]  }
0x29: {  	s4 =	sld [smem:$0x3FAE]  }
0x2a: {  	p0 =	seq.s32 s5, $0x0;
	s5 =	sld [smem:$0x3FAF]  }
0x2b: {  	s6 =	sld [smem:$0x3FB0]  }
0x2c: {  	s7 =	sld [smem:$0x3FB1]  }
0x2d: {  	s3 =	simm.s32 $0x108;
	s8 =	sld [smem:$0x3FB2]  }
0x2e: {  	s3 =	simm.s32 @!p0 $0x1082;
	s9 =	sld [smem:$0x3FB3]  }
0x2f: {  	lr =	sadd.s32 s0, s3;
	s0 =	sld [smem:$0x3FAA]  }
0x30: {  	s3 =	sld [smem:$0x3FAD]  }
0x31: {  	[smem:$0x3FB6] =	sst s10  }
0x32: {  	s10 =	sld [smem:$0x3FB4];
	_ =	sdelay $0x3  }
0x33: {  	p0 =	seq.s32 s10, $0x1;
	s10 =	sld [smem:$0x3FB6];
	_ =	sdelay $0x3  }
0x34: {  	[smem:$0x3FB6] =	sst s10  }
0x35: {  	s10 =	sld [smem:$0x3FB5];
	_ =	sdelay $0x3  }
0x36: {  	p1 =	seq.s32 s10, $0x1;
	s10 =	sld [smem:$0x3FB6];
	_ =	sdelay $0x3  }
0x37: {  	[smem:$0x3FB6] =	sst s10  }
0x38: {  	s10 =	sld [smem:$0x3FB7]  }
0x39: {  	_ = 	snop;
	(pc) =	sbr.ind lr, $3  }
0x3a: {  	_ = 	snop  }
0x3b: {  	_ = 	snop  }
0x3c: {  	p2 =	seq.s32 s10, $0x1;
	s10 =	sld [smem:$0x3FB6]  }
0x3d: {  	_ =	shalt  }
0x3e: {  	_ =	shalt  }
0x3f: {  	_ =	shalt  }
0x40: {  	_ =	shalt  }
0x41: {  	_ =	shalt  }
0x42: {  	_ =	shalt  }
0x43: {  	_ =	shalt  }
0x44: {  	_ =	shalt  }
0x45: {  	_ =	shalt  }
0x46: {  	_ =	shalt  }
0x47: {  	_ =	shalt  }
0x48: {  	_ =	shalt  }
0x49: {  	_ =	shalt  }
0x4a: {  	_ =	shalt  }
0x4b: {  	_ =	shalt  }
0x4c: {  	_ =	shalt  }
0x4d: {  	_ =	shalt  }
0x4e: {  	_ =	shalt  }
0x4f: {  	_ =	shalt  }
0x50: {  	_ =	shalt  }
0x51: {  	_ =	shalt  }
0x52: {  	_ =	shalt  }
0x53: {  	_ =	shalt  }
0x54: {  	_ =	shalt  }
0x55: {  	_ =	shalt  }
0x56: {  	_ =	shalt  }
0x57: {  	_ =	shalt  }
0x58: {  	_ =	shalt  }
0x59: {  	_ =	shalt  }
0x5a: {  	_ =	shalt  }
0x5b: {  	_ =	shalt  }
0x5c: {  	_ =	shalt  }
0x5d: {  	_ =	shalt  }
0x5e: {  	_ =	shalt  }
0x5f: {  	_ =	shalt  }
0x60: {  	_ =	shalt  }
0x61: {  	_ =	shalt  }
0x62: {  	_ =	shalt  }
0x63: {  	_ =	shalt  }
0x64: {  	_ =	shalt  }
0x65: {  	_ =	shalt  }
0x66: {  	_ =	shalt  }
0x67: {  	_ =	shalt  }
0x68: {  	_ =	shalt  }
0x69: {  	_ =	shalt  }
0x6a: {  	_ =	shalt  }
0x6b: {  	_ =	shalt  }
0x6c: {  	_ =	shalt  }
0x6d: {  	_ =	shalt  }
0x6e: {  	_ =	shalt  }
0x6f: {  	_ =	shalt  }
0x70: {  	_ =	shalt  }
0x71: {  	_ =	shalt  }
0x72: {  	_ =	shalt  }
0x73: {  	_ =	shalt  }
0x74: {  	_ =	shalt  }
0x75: {  	_ =	shalt  }
0x76: {  	_ =	shalt  }
0x77: {  	_ =	shalt  }
0x78: {  	_ =	shalt  }
0x79: {  	_ =	shalt  }
0x7a: {  	_ =	shalt  }
0x7b: {  	_ =	shalt  }
0x7c: {  	_ =	shalt  }
0x7d: {  	_ =	shalt  }
0x7e: {  	_ =	shalt  }
0x7f: {  	_ =	shalt  }
0x80: {  	_ =	shalt  }
0x81: {  	_ =	shalt  }
0x82: {  	_ =	shalt  }
0x83: {  	_ =	shalt  }
0x84: {  	_ =	shalt  }
0x85: {  	_ =	shalt  }
0x86: {  	_ =	shalt  }
0x87: {  	_ =	shalt  }
.Lfunc_end0:
.L_simem_size_0:
called_computation_lowered:
.L_overlay_start_0:
0x88: {  	s2 =	sld [smem:$0x3FD9]  }
0x89: {  	s3 =	sld [smem:$0x3FFE];
	_ =	sdelay $0x1  }
0x8a: {  	s1 =	srdreg.scid  }
0x8b: {  	s0 =	sand.u32 $0x1, s1  }
0x8c: {  	s17 =	sshll.u32 s0, $0xA;
	s2 =	sadd.s32 s3, s2  }
0x8d: {  	s2 =	sadd.s32 s2, s17  }
0x8e: {  	[smem:$0x3FC2] =	sst s2  }
0x8f: {  	_ = 	snop  }
0x90: {  	s2 =	sld [smem:$0x3FD0];
	(tm) =	ssettm $0x1  }
0x91: {  	s18 =	sld [smem:$0x3FFB];
	_ =	sdelay $0x3  }
0x92: {  	_ =	strace s18  }
0x93: {  	s3 =	sld [smem:$0x3FFC];
	_ =	sdelay $0x3  }
0x94: {  	_ =	strace s3  }
0x95: {  	s3 =	sld [smem:$0x3FFD];
	_ =	sdelay $0x3  }
0x96: {  	_ =	strace s3  }
0x97: {  	_ =	strace $0x8FFFFFFF  }
0x98: {  	s19 =	sld [smem:$0x3FDB];
	_ =	sdelay $0x1  }
0x99: {  	s4 =	simm.s32 $_scs_section_size  }
0x9a: {  	s5 =	simm.s32 $_size__tile_overlayer_lowered;
	s6 =	simm.s32 $_tile_overlayer_lowered  }
0x9b: {  	s22 =	simm.s32 $0x1BFF;
	s21 =	sshll.u32 s6, $0x1;
	s3 =	sadd.s32 s4, s19  }
0x9c: {  	s7 =	simm.s32 $0x0;
	s20 =	sshll.u32 s5, $0x1;
	s5 =	sadd.s32 s21, s3  }
0x9d: {  	[timem:s7], [sflag:s22] =	dma.local [hbm:s5], s20  }
0x9e: {  	_ =	swait.ge [sflag:s22], s20  }
0x9f: {  	s4 =	ssub.s32 $0x0, s20;
	[sflag:s22] =	ssyncset.done $0x0  }
0xa0: {  	[sflag:s22] =	ssyncadd.s32 s4;
	_ =	sdelay $0x1  }
0xa1: {  	s23 =	simm.s32 $0x1B8B  }
0xa2: {  	_ =	swait.ge [sflag:s23], $0x1  }
0xa3: {  	[sflag:s23] =	ssyncset.done $0x0  }
0xa4: {  	s25 =	simm.s32 $0x1B8E;
	s24 =	sld [smem:$0x3FFE];
	[sflag:s23] =	ssyncadd.s32 $0xFFFFFFFF  }
0xa5: {  	s26 =	simm.s32 $execute0_lowered;
	[smem:$0x3FD2] =	sst s25  }
0xa6: {  	s5 =	sshll.u32 s26, $0x1;
	_ =	strace $0x80000046;
	[dreg:$0x1] =	wrdreg $0xFFFFFFFF  }
0xa7: {  	s28 =	simm.s32 $_size_execute0_lowered;
	s3 =	sadd.s32 s3, s5;
	[dreg:$0x0] =	wrdreg $0x0  }
0xa8: {  	s5 =	sshll.u32 s28, $0x1;
	[dreg:$0x2] =	wrdreg s3  }
0xa9: {  	[dreg:$0x3] =	wrdreg s5  }
0xaa: {  	[dreg:$0x4] =	wrdreg $0xC0  }
0xab: {  	_ =	task [dreg:s7], $0x5FFFF  }
0xac: {  	[dreg:$0x1] =	wrdreg $0xFFFFFFFF  }
0xad: {  	[dreg:$0x0] =	wrdreg $0x60  }
0xae: {  	[dreg:$0x2] =	wrdreg s24  }
0xaf: {  	[dreg:$0x3] =	wrdreg s2  }
0xb0: {  	[dreg:$0x4] =	wrdreg $0x0  }
0xb1: {  	[dreg:$0x5] =	wrdreg $0x2800  }
0xb2: {  	[dreg:$0x6] =	wrdreg $0x9  }
0xb3: {  	_ =	task.clear_ibuf [dreg:s7], $0x7FFFF;
	_ =	strace $0x90000046  }
0xb4: {  	s29 =	simm.s32 $0x9;
	_ =	strace $0x80000048  }
0xb5: {  	_ =	swait.ge [sflag:s29], $0x1  }
0xb6: {  	[sflag:s29] =	ssyncadd.s32 $0xFFFFFFFF  }
0xb7: {  	_ =	strace $0x90000048  }
0xb8: {  	_ =	sfence  }
0xb9: {  	s30 =	sld [smem:$0x0];
	_ =	sdelay $0x2  }
0xba: {  	s31 =	sshll.u32 s1, $0xD;
	s1 =	sshrl.u32 s1, $0x2  }
0xbb: {  	s3 =	sand.u32 $0x4000, s31;
	s1 =	sadd.s32 s1, s30  }
0xbc: {  	s0 =	sor.u32 s3, s0;
	s1 =	sshll.u32 s1, $0x11  }
0xbd: {  	s0 =	sor.u32 s1, s0  }
0xbe: {  	s0 =	sadd.s32 $0x8F2B, s0  }
0xbf: {  	[sflag:s0] =	ssyncadd.remote.s32 $0x1  }
0xc0: {  	_ =	sfence.sel $0xFFFF  }
0xc1: {  	[dreg:$0x0] =	wrdreg $0xFFFFFFFF;
	(pc) =	sbr.abs _section_cstart, $3  }
0xc2: {  	[dreg:$0x1] =	wrdreg $0xFFFFFFFF  }
0xc3: {  	_ =	task.clear_ibuf [dreg:s7], $0x2FFFF;
	_ =	strace $0x9FFFFFFF  }
0xc4: {  	(tm) =	ssettm $0x7FFFFFFF  }
0xc5: {  	_ =	shalt  }
tec
execute0_lowered:
.L_overlay_start_1:
0x0: {  	(tag) =	ssettag $0x1  }
0x1: {  	s5 =	rddreg [dreg:$0x0]  }
0x2: {  	s8 =	rddreg [dreg:$0x1]  }
0x3: {  	s2 =	rddreg [dreg:$0x2]  }
0x4: {  	s3 =	rddreg [dreg:$0x3];
	s4 =	srdreg.scid  }
0x5: {  	s0 =	rddreg [dreg:$0x4];
	s1 =	stileid.u32;
	s14 =	simm.s32 $0x500  }
0x6: {  	s15 =	simm.s32 $0x2D00;
	s16 =	simm.s32 $0x80;
	s17 =	simm.s32 $0x5500  }
0x7: {  	s20 =	simm.s32 $0x40;
	s21 =	simm.s32 $0x10;
	s23 =	simm.s32 $0x0  }
0x8: {  	s6 =	sand.u32 $0x1, s4;
	s4 =	simm.s32 $0x0;
	s9 =	smul.u32 $0xA00, s1  }
0x9: {  	s29 =	smul.u32 $0x280, s1;
	s18 =	sshll.u32 s1, $0x6;
	s7 =	sshll.u32 s6, $0x4  }
0xa: {  	[smem:$0x7FF] =	sst s4;
	s10 =	sshll.u32 s6, $0x8;
	s6 =	ssub.s32 $0x2, s6  }
0xb: {  	s18 =	sor.u32 $0x1C01, s18;
	s7 =	sor.u32 s1, s7;
	_ =	strace $0x80000047  }
0xc: {  	s28 =	sor.u32 s10, s9;
	s31 =	sshrl.u32 s6, $0x1;
	s11 =	smul.u32 $0x500, s7  }
0xd: {  	s7 =	sshrl.u32 s28, $0x3;
	s13 =	ssub.s32 s6, s31;
	s6 =	sadd.s32 s29, s3  }
0xe: {  	s12 =	sadd.s32 s7, s5;
	s22 =	sshrl.u32 s6, $0x3;
	s30 =	sadd.s32 s11, s5  }
0xf: {  	s5 =	sadd.s32 s29, s2;
	s8 =	sadd.s32 s8, s11;
	s9 =	sadd.s32 $0xC000, s12  }
0x10: {  	s10 =	sadd.s32 $0xC010, s12;
	s11 =	smax.u32 s13, $0x1;
	s12 =	simm.s32 $0x5580  }
0x11: {  	v0 =	vimm.f32 $0.0e+00;
	v1 =	vimm.f32 $1.000000000e+00;
	s13 =	simm.s32 $0x1;
	s7 =	sadd.s32 $0x2000, s30;
	s19 =	sshrl.u32 s5, $0x3  }
.LBB2_1:
0x12: {  	[tilespmem:$0x5580] =	vst v0  }
0x13: {  	[tilespmem:$0x5590] =	vst v0  }
0x14: {  	[tilespmem:$0x55A0] =	vst v0  }
0x15: {  	[tilespmem:$0x55B0] =	vst v0  }
0x16: {  	[tilespmem:$0x55C0] =	vst v0  }
0x17: {  	[tilespmem:$0x55D0] =	vst v0  }
0x18: {  	[tilespmem:$0x55E0] =	vst v0  }
0x19: {  	[tilespmem:$0x55F0] =	vst v0  }
0x1a: {  	[tilespmem:$0x5600] =	vst v0  }
0x1b: {  	[tilespmem:$0x5610] =	vst v0  }
0x1c: {  	[tilespmem:$0x5620] =	vst v0  }
0x1d: {  	[tilespmem:$0x5630] =	vst v0  }
0x1e: {  	[tilespmem:$0x5640] =	vst v0  }
0x1f: {  	[tilespmem:$0x5650] =	vst v0  }
0x20: {  	[tilespmem:$0x5660] =	vst v0  }
0x21: {  	[tilespmem:$0x5670] =	vst v0  }
0x22: {  	[tilespmem:$0x5680] =	vst v0  }
0x23: {  	[tilespmem:$0x5690] =	vst v0  }
0x24: {  	[tilespmem:$0x56A0] =	vst v0  }
0x25: {  	[tilespmem:$0x56B0] =	vst v0  }
0x26: {  	[tilespmem:$0x56C0] =	vst v0  }
0x27: {  	[tilespmem:$0x56D0] =	vst v0  }
0x28: {  	[tilespmem:$0x56E0] =	vst v0  }
0x29: {  	[tilespmem:$0x56F0] =	vst v0  }
0x2a: {  	[tilespmem:$0x5700] =	vst v0  }
0x2b: {  	[tilespmem:$0x5710] =	vst v0  }
0x2c: {  	[tilespmem:$0x5720] =	vst v0  }
0x2d: {  	[tilespmem:$0x5730] =	vst v0  }
0x2e: {  	[tilespmem:$0x5740] =	vst v0  }
0x2f: {  	[tilespmem:$0x5750] =	vst v0  }
0x30: {  	[tilespmem:$0x5760] =	vst v0  }
0x31: {  	[tilespmem:$0x5770] =	vst v0  }
0x32: {  	[tilespmem:$0x5780] =	vst v0  }
0x33: {  	[tilespmem:$0x5790] =	vst v0  }
0x34: {  	[tilespmem:$0x57A0] =	vst v0  }
0x35: {  	[tilespmem:$0x57B0] =	vst v0  }
0x36: {  	[tilespmem:$0x57C0] =	vst v0  }
0x37: {  	[tilespmem:$0x57D0] =	vst v0  }
0x38: {  	[tilespmem:$0x57E0] =	vst v0  }
0x39: {  	[tilespmem:$0x57F0] =	vst v0  }
0x3a: {  	[tilespmem:$0x5500] =	vst v1  }
0x3b: {  	[tilespmem:$0x5510] =	vst v1  }
0x3c: {  	[tilespmem:$0x5520] =	vst v1  }
0x3d: {  	[tilespmem:$0x5530] =	vst v1  }
0x3e: {  	[tilespmem:$0x5540] =	vst v1  }
0x3f: {  	[tilespmem:$0x5550] =	vst v1  }
0x40: {  	[tilespmem:$0x5560] =	vst v1  }
0x41: {  	[tilespmem:$0x5570] =	vst v1  }
0x42: {  	[spmem:s5] =	stream.linear.scatter [tilespmem:s12], [sflag:$0x1], $0x280, $0x38;
	[tilespmem:$0x5800] =	vst v63  }
0x43: {  	_ =	swait.ge [sflag:s13], $0x280  }
0x44: {  	[sflag:s13] =	ssyncset.done $0x0  }
0x45: {  	[sflag:s13] =	ssyncadd.s32 $0xFFFFFD80  }
0x46: {  	[spmem:s6] =	stream.linear.scatter [tilespmem:s12], [sflag:$0x1], $0x280, $0x38;
	[tilespmem:$0x5800] =	vst v63  }
0x47: {  	_ =	swait.ge [sflag:s13], $0x280  }
0x48: {  	[sflag:s13] =	ssyncset.done $0x0  }
0x49: {  	[sflag:s13] =	ssyncadd.s32 $0xFFFFFD80  }
0x4a: {  	[tilespmem:s14], [sflag:$0x1] =	stream.linear.gather [hbm4b:s7+s4], $0x2800, $0x38;
	[tilespmem:$0x5800] =	vst v63  }
0x4b: {  	_ =	swait.ge [sflag:s13], $0x2800  }
0x4c: {  	[sflag:s13] =	ssyncset.done $0x0  }
0x4d: {  	[sflag:s13] =	ssyncadd.s32 $0xFFFFD800  }
0x4e: {  	[tilespmem:s15], [sflag:$0x1] =	stream.linear.gather [hbm4b:s8+s4], $0x2800, $0x38;
	[tilespmem:$0x5800] =	vst v63  }
0x4f: {  	_ =	swait.ge [sflag:s13], $0x2800  }
0x50: {  	[sflag:s13] =	ssyncset.done $0x0  }
0x51: {  	[sflag:s13] =	ssyncadd.s32 $0xFFFFD800  }
0x52: {  	s24 =	simm.s32 $0x500;
	[bflag:$0x0] =	sbarrier.arrive $0xFFFF  }
0x53: {  	[spmem:s2] =	stream.indirect.scatter.add.f32 [tilespmem:s17], [sflag:$0x1], $0x1, s24, s16, $0xb8;
	[tilespmem:$0x5800] =	vst v63  }
0x54: {  	_ =	swait.ge [sflag:s13], $0x80  }
0x55: {  	[sflag:s13] =	ssyncset.done $0x0  }
0x56: {  	s31 =	simm.s32 $0x2D00;
	[sflag:s13] =	ssyncadd.s32 $0xFFFFFF80  }
0x57: {  	[spmem:s3] =	stream.indirect.scatter.add.f32 [tilespmem:s17], [sflag:$0x1], $0x1, s31, s16, $0xb8;
	[tilespmem:$0x5800] =	vst v63  }
0x58: {  	_ =	swait.ge [sflag:s13], $0x80  }
0x59: {  	s25 =	simm.s32 $0x400;
	s24 =	simm.s32 $0x80;
	[sflag:s13] =	ssyncset.done $0x0  }
.LBB2_2:
0x5a: {  	s26 =	sadd.s32 $0x500, s24  }
0x5b: {  	[sflag:s13] =	ssyncadd.s32 $0xFFFFFF80;
	s28 =	smov.u32 s25;
	s29 =	sadd.s32 $0x200, s25  }
0x5c: {  	[spmem:s2] =	stream.indirect.scatter.add.f32 [tilespmem:s17], [sflag:$0x1], $0x1, s26, s16, $0xb8;
	[tilespmem:$0x5800] =	vst v63  }
0x5d: {  	p0 =	sne.s32 s25, $0x9E00;
	_ =	swait.ge [sflag:s13], $0x80  }
.Ltmp0:
0x5e: {  	[sflag:s13] =	ssyncset.done $0x0;
	(pc) =	sbr.rel @p0 .LBB2_2-.Ltmp0, $4  }
0x5f: {  	s24 =	sadd.s32 $0x2D00, s24;
	[sflag:s13] =	ssyncadd.s32 $0xFFFFFF80  }
0x60: {  	[spmem:s3] =	stream.indirect.scatter.add.f32 [tilespmem:s17], [sflag:$0x1], $0x1, s24, s16, $0xb8;
	[tilespmem:$0x5800] =	vst v63  }
0x61: {  	_ =	swait.ge [sflag:s13], $0x80  }
0x62: {  	s25 =	smov.u32 s29;
	s24 =	sshra.s32 s28, $0x2;
	[sflag:s13] =	ssyncset.done $0x0  }
0x63: {  	s25 =	sadd.s32 $0x500, s24;
	[sflag:s13] =	ssyncadd.s32 $0xFFFFFF80  }
0x64: {  	[spmem:s2] =	stream.indirect.scatter.add.f32 [tilespmem:s17], [sflag:$0x1], $0x1, s25, s16, $0xb8;
	[tilespmem:$0x5800] =	vst v63  }
0x65: {  	_ =	swait.ge [sflag:s13], $0x80  }
0x66: {  	[sflag:s13] =	ssyncset.done $0x0  }
0x67: {  	s31 =	sadd.s32 $0x2D00, s24;
	[sflag:s13] =	ssyncadd.s32 $0xFFFFFF80  }
0x68: {  	[spmem:s3] =	stream.indirect.scatter.add.f32 [tilespmem:s17], [sflag:$0x1], $0x1, s31, s16, $0xb8;
	[tilespmem:$0x5800] =	vst v63  }
0x69: {  	_ =	swait.ge [sflag:s13], $0x80  }
0x6a: {  	[sflag:s13] =	ssyncset.done $0x0  }
0x6b: {  	[sflag:s13] =	ssyncadd.s32 $0xFFFFFF80  }
0x6c: {  	[bflag:$0x0] =	sbarrier.arrive $0xFFFF  }
0x6d: {  	[hbm:s9@s20], [sflag:s18] =	dma.strided [spmem:s19@s21], $0x50, s13, $0x10   }
0x6e: {  	s23 =	sadd.s32 $0x1, s23;
	_ =	swait.ge [sflag:s13], $0x50  }
0x6f: {  	p0 =	sne.s32 s23, s11;
	[sflag:s13] =	ssyncset.done $0x0  }
.Ltmp1:
0x70: {  	[sflag:s13] =	ssyncadd.s32 $0xFFFFFFB0;
	(pc) =	sbr.rel @p0 .LBB2_1-.Ltmp1, $4  }
0x71: {  	[hbm:s10@s20], [sflag:s18] =	dma.strided [spmem:s22@s21], $0x50, s13, $0x10   }
0x72: {  	_ =	swait.ge [sflag:s13], $0x50  }
0x73: {  	[sflag:s13] =	ssyncset.done $0x0  }
0x74: {  	[sflag:s13] =	ssyncadd.s32 $0xFFFFFFB0  }
0x75: {  	_ =	sfence.sel $0x180000  }
0x76: {  	[bflag:$0x0] =	sbarrier.arrive $0xFFFF  }
0x77: {  	p0 =	sne.s32 s1, $0x0;
	_ =	strace $0x90000047  }
0x78: {  	s0 =	sadd.s32 @!p0 $0x100000, s0;
	[bflag:$0x2] =	sbarrier.arrive $0xFFFF  }
0x79: {  	[sflag:s0] =	ssyncadd.tile.s32 @!p0 $0x1;
	_ =	shalt  }
.Lfunc_end2:
_tile_overlayer_lowered:
.L_overlay_start_2:
0x7a: {  	(tag) =	ssettag $0x2  }
0x7b: {  	s0 =	rddreg [dreg:$0x0];
	s2 =	stileid.u32  }
0x7c: {  	s1 =	rddreg [dreg:$0x1];
	p0 =	sne.s32 s2, $0x0  }
0x7d: {  	s3 =	rddreg [dreg:$0x2];
	[bflag:$0x3] =	sbarrier.arrive $0xFFFF;
	s2 =	simm.s32 @!p0 $0x1C01  }
0x7e: {  	[timem:s3], [sflag:s2] =	dma.local @!p0 [hbm:s0], s1  }
0x7f: {  	s0 =	simm.s32 @!p0 $0x1  }
0x80: {  	_ =	swait.ge @!p0 [sflag:s0], s1  }
0x81: {  	s1 =	ssub.s32 @!p0 $0x0, s1;
	[sflag:s0] =	ssyncset.done @!p0 $0x0  }
0x82: {  	[sflag:s0] =	ssyncadd.s32 @!p0 s1  }
0x83: {  	[bflag:$0x3] =	sbarrier.arrive $0xFFFF  }
0x84: {  	_ =	shalt  }

</sc_bundles>
